<compile_context>
chip_gen: v7x
topology: tpu7x:2x2x1
jax: 0.10.2.dev20260603
libtpu: 0.0.44.dev20260713+nightly
codegen_flags: <defaults>
</compile_context>

<pallas_src>
import functools

import jax
import jax.numpy as jnp
from jax import lax
from jax.experimental import pallas as pl
from jax.experimental.pallas import tpu as pltpu
from jax.experimental.pallas import tpu_sc as plsc

NC = 2
NS = 16
NW = NC * NS
L = 16

D = 128
CHUNK = 80


def _make_sc_call(n_edges, n_nodes):
    e_per = n_edges // NW
    n_ch = e_per // CHUNK
    assert e_per * NW == n_edges and n_ch * CHUNK == e_per and n_ch % 2 == 1
    stripe = -(-(-(-n_nodes // NS)) // 8) * 8
    assert n_nodes % 8 == 0 and n_nodes >= stripe

    mesh = plsc.VectorSubcoreMesh(
        core_axis_name="c", subcore_axis_name="s",
        num_cores=NC, num_subcores=NS)

    @functools.partial(
        pl.kernel,
        out_type=jax.ShapeDtypeStruct((n_edges,), jnp.float32),
        mesh=mesh,
        scratch_types=[
            pltpu.VMEM_SHARED((n_nodes, D), jnp.float32),
            pltpu.VMEM((CHUNK,), jnp.int32),
            pltpu.VMEM((CHUNK,), jnp.int32),
            pltpu.VMEM((CHUNK,), jnp.int32),
            pltpu.VMEM((CHUNK,), jnp.int32),
            pltpu.VMEM((CHUNK, D), jnp.float32),
            pltpu.VMEM((CHUNK, D), jnp.float32),
            pltpu.VMEM((CHUNK, D), jnp.float32),
            pltpu.VMEM((CHUNK, D), jnp.float32),
            pltpu.VMEM((CHUNK,), jnp.float32),
            pltpu.VMEM((CHUNK,), jnp.float32),
            pltpu.SemaphoreType.DMA,
            pltpu.SemaphoreType.DMA,
            pltpu.SemaphoreType.DMA,
            pltpu.SemaphoreType.DMA,
            pltpu.SemaphoreType.DMA,
            pltpu.SemaphoreType.DMA,
            pltpu.SemaphoreType.DMA,
            pltpu.SemaphoreType.DMA,
        ],
    )
    def sc_call(xu_hbm, xb_hbm, src_hbm, dst_hbm, out_hbm,
                xu_sp, iu_a, ib_a, iu_b, ib_b, ru_a, rb_a, ru_b, rb_b,
                ov_a, ov_b,
                sem_ua, sem_ba, sem_ub, sem_bb, semi_a, semi_b,
                semo_a, semo_b):
        cid = lax.axis_index("c")
        sid = lax.axis_index("s")
        wid = sid * NC + cid
        base = wid * e_per

        lane = lax.iota(jnp.int32, 16)
        fold_perms = [lane ^ sh for sh in (8, 4, 2, 1)]
        fold_masks = [(lane & sh) == 0 for sh in (8, 4, 2, 1)]

        r0 = jnp.minimum(sid * stripe, n_nodes - stripe)
        pltpu.sync_copy(xu_hbm.at[pl.ds(r0, stripe)],
                        xu_sp.at[pl.ds(r0, stripe)])
        plsc.subcore_barrier()

        def idx_copies(c, iu, ib, sem):
            off = base + c * CHUNK
            return (pltpu.make_async_copy(src_hbm.at[pl.ds(off, CHUNK)],
                                          iu, sem),
                    pltpu.make_async_copy(dst_hbm.at[pl.ds(off, CHUNK)],
                                          ib, sem))

        def gathers(iu, ib, ru, rb, su, sb, u_src):
            return (pltpu.make_async_copy(u_src.at[iu], ru, su),
                    pltpu.make_async_copy(xb_hbm.at[ib], rb, sb))

        def out_copy(c, ov, sem):
            return pltpu.make_async_copy(
                ov, out_hbm.at[pl.ds(base + c * CHUNK, CHUNK)], sem)

        def compute(ru, rb, ov):
            def group_body(g, carry):
                e0 = g * L

                def d_body(d, accs):
                    return tuple(
                        accs[j] + (ru[e0 + j, pl.ds(d * L, L)]
                                   * rb[e0 + j, pl.ds(d * L, L)])
                        for j in range(L))

                accs = tuple(jnp.zeros((L,), jnp.float32) for _ in range(L))
                accs = lax.fori_loop(0, D // L, d_body, accs)

                def fold(a, p):
                    return a + a.at[p].get(mode="promise_in_bounds")

                vecs = list(accs)
                for p, m in zip(fold_perms, fold_masks):
                    half = len(vecs) // 2
                    vecs = [jnp.where(m, fold(vecs[j], p),
                                      fold(vecs[j + half], p))
                            for j in range(half)]
                ov[pl.ds(e0, L)] = vecs[0]
                return carry

            lax.fori_loop(0, CHUNK // L, group_body, 0)

        buf_a = (iu_a, ib_a, ru_a, rb_a, ov_a,
                 sem_ua, sem_ba, semi_a, semo_a, xu_sp)
        buf_b = (iu_b, ib_b, ru_b, rb_b, ov_b,
                 sem_ub, sem_bb, semi_b, semo_b, xu_hbm)

        def stage(c, buf, nxt_idx_c):
            iu, ib, ru, rb, ov, su, sb, si, so, u_src = buf
            for cp in gathers(iu, ib, ru, rb, su, sb, u_src):
                cp.wait()
            for cp in idx_copies(nxt_idx_c, iu, ib, si):
                cp.start()
            out_copy(c, ov, so).wait()
            compute(ru, rb, ov)
            out_copy(c, ov, so).start()

        def issue_rows(c_idx_ready, buf):
            iu, ib, ru, rb, ov, su, sb, si, so, u_src = buf
            for cp in idx_copies(c_idx_ready, iu, ib, si):
                cp.wait()
            for cp in gathers(iu, ib, ru, rb, su, sb, u_src):
                cp.start()

        for cp in idx_copies(0, iu_a, ib_a, semi_a):
            cp.start()
        issue_rows(0, buf_a)
        for cp in idx_copies(1, iu_b, ib_b, semi_b):
            cp.start()
        out_copy(0, ov_a, semo_a).start()
        out_copy(1, ov_b, semo_b).start()

        def pair_body(p, carry):
            c0 = 2 * p
            issue_rows(c0 + 1, buf_b)
            stage(c0, buf_a, c0 + 2)
            issue_rows(c0 + 2, buf_a)
            stage(c0 + 1, buf_b, jnp.minimum(c0 + 3, n_ch - 1))
            return carry

        lax.fori_loop(0, (n_ch - 1) // 2, pair_body, 0)

        stage(n_ch - 1, buf_a, 0)
        for cp in idx_copies(0, iu_a, ib_a, semi_a):
            cp.wait()
        for cp in idx_copies(0, iu_b, ib_b, semi_b):
            cp.wait()
        out_copy(n_ch - 1, ov_a, semo_a).wait()
        out_copy(n_ch - 2, ov_b, semo_b).wait()

    return sc_call


def kernel(x_user, x_business, edge_label_index):
    n_edges = edge_label_index.shape[1]
    idx = edge_label_index.astype(jnp.int32)

    sc_call = _make_sc_call(n_edges, x_user.shape[0])
    return sc_call(x_user, x_business, idx[0], idx[1])

# --- scband reference (transcript-rebuilt; emitter-appended) ---
"""Pipeline reference for scband-inner-product-decoder-40939628265554 (READ-ONLY COPY).

The authoritative reference and input builder live on the scoring server;
editing this copy changes nothing except your own understanding.
"""

import jax, jax.numpy as jnp
import numpy as np

N_NODES = 10000
D_FEAT = 128
N_EDGES = 320000


def setup_inputs(seed: int = 0) -> dict:
    key = jax.random.key(seed)
    k1, k2, k3 = jax.random.split(key, 3)
    x_user = jax.random.normal(k1, (N_NODES, D_FEAT), dtype=jnp.float32)
    x_business = jax.random.normal(k2, (N_NODES, D_FEAT), dtype=jnp.float32)
    edge_label_index = jax.random.randint(k3, (2, N_EDGES), 0, N_NODES, dtype=jnp.int64)
    return {"x_user": x_user, "x_business": x_business, "edge_label_index": edge_label_index}


def reference(x_user, x_business, edge_label_index):
    # x_dict['user'][edge_label_index[0]] -> gather
    x_src = jnp.take(x_user, edge_label_index[0], axis=0)
    # x_dict['business'][edge_label_index[1]] -> gather
    x_dst = jnp.take(x_business, edge_label_index[1], axis=0)
    # inner product per edge
    return (x_src * x_dst).sum(axis=-1)

if __name__ == "__main__":
    import jax
    _d = setup_inputs()
    print(jax.jit(kernel)(*tuple(_d.values())))

</pallas_src>

<mosaic_0001>
#map = affine_map<(d0, d1) -> (0, 0)>
#map1 = affine_map<(d0, d1) -> (0)>
module attributes {stable_mosaic.version = 14 : i64} {
  func.func @sc_call(%arg0: i32, %arg1: i32, %arg2: memref<10000x128xf32, #tpu.memory_space<hbm>>, %arg3: memref<10000x128xf32, #tpu.memory_space<hbm>>, %arg4: memref<320000xi32, #tpu.memory_space<hbm>>, %arg5: memref<320000xi32, #tpu.memory_space<hbm>>, %arg6: memref<320000xf32, #tpu.memory_space<hbm>>, %arg7: memref<10000x128xf32, #tpu.memory_space<vmem_shared>>, %arg8: memref<80xi32, #tpu.memory_space<vmem>>, %arg9: memref<80xi32, #tpu.memory_space<vmem>>, %arg10: memref<80xi32, #tpu.memory_space<vmem>>, %arg11: memref<80xi32, #tpu.memory_space<vmem>>, %arg12: memref<80x128xf32, #tpu.memory_space<vmem>>, %arg13: memref<80x128xf32, #tpu.memory_space<vmem>>, %arg14: memref<80x128xf32, #tpu.memory_space<vmem>>, %arg15: memref<80x128xf32, #tpu.memory_space<vmem>>, %arg16: memref<80xf32, #tpu.memory_space<vmem>>, %arg17: memref<80xf32, #tpu.memory_space<vmem>>, %arg18: memref<!tpu.dma_semaphore, #tpu.memory_space<semaphore_mem>>, %arg19: memref<!tpu.dma_semaphore, #tpu.memory_space<semaphore_mem>>, %arg20: memref<!tpu.dma_semaphore, #tpu.memory_space<semaphore_mem>>, %arg21: memref<!tpu.dma_semaphore, #tpu.memory_space<semaphore_mem>>, %arg22: memref<!tpu.dma_semaphore, #tpu.memory_space<semaphore_mem>>, %arg23: memref<!tpu.dma_semaphore, #tpu.memory_space<semaphore_mem>>, %arg24: memref<!tpu.dma_semaphore, #tpu.memory_space<semaphore_mem>>, %arg25: memref<!tpu.dma_semaphore, #tpu.memory_space<semaphore_mem>>) attributes {dimension_semantics = [#tpu.dimension_semantics<core_parallel>, #tpu.dimension_semantics<subcore_parallel>], iteration_bounds = array<i64: 2, 16>, scalar_prefetch = 0 : i64, scratch_operands = 19 : i64, tpu.core_type = #tpu.core_type<sc_vector_subcore>, window_params = [{transform_indices = #map}, {transform_indices = #map}, {transform_indices = #map1}, {transform_indices = #map1}, {transform_indices = #map1}]} {
    %mul3A = arith.constant 2 : i32
    %mul3A_0 = arith.muli %arg1, %mul3A : i32
    %add3A = arith.addi %mul3A_0, %arg0 : i32
    %mul3A_1 = arith.constant 10000 : i32
    %mul3A_2 = arith.muli %add3A, %mul3A_1 : i32
    %iota3A = tpu.iota {dimensions = array<i32: 0>} : vector<16xi32>
    %xor3A = arith.constant 8 : i32
    %xor3A_3 = vector.broadcast %xor3A : i32 to vector<16xi32>
    %xor3A_4 = arith.xori %iota3A, %xor3A_3 : vector<16xi32>
    %xor3A_5 = arith.constant 4 : i32
    %xor3A_6 = vector.broadcast %xor3A_5 : i32 to vector<16xi32>
    %xor3A_7 = arith.xori %iota3A, %xor3A_6 : vector<16xi32>
    %xor3A_8 = arith.constant 2 : i32
    %xor3A_9 = vector.broadcast %xor3A_8 : i32 to vector<16xi32>
    %xor3A_10 = arith.xori %iota3A, %xor3A_9 : vector<16xi32>
    %xor3A_11 = arith.constant 1 : i32
    %xor3A_12 = vector.broadcast %xor3A_11 : i32 to vector<16xi32>
    %xor3A_13 = arith.xori %iota3A, %xor3A_12 : vector<16xi32>
    %and3A = arith.constant 8 : i32
    %and3A_14 = vector.broadcast %and3A : i32 to vector<16xi32>
    %and3A_15 = arith.andi %iota3A, %and3A_14 : vector<16xi32>
    %eq3A = arith.constant 0 : i32
    %eq3A_16 = vector.broadcast %eq3A : i32 to vector<16xi32>
    %eq3A_17 = arith.cmpi eq, %and3A_15, %eq3A_16 : vector<16xi32>
    %and3A_18 = arith.constant 4 : i32
    %and3A_19 = vector.broadcast %and3A_18 : i32 to vector<16xi32>
    %and3A_20 = arith.andi %iota3A, %and3A_19 : vector<16xi32>
    %eq3A_21 = arith.constant 0 : i32
    %eq3A_22 = vector.broadcast %eq3A_21 : i32 to vector<16xi32>
    %eq3A_23 = arith.cmpi eq, %and3A_20, %eq3A_22 : vector<16xi32>
    %and3A_24 = arith.constant 2 : i32
    %and3A_25 = vector.broadcast %and3A_24 : i32 to vector<16xi32>
    %and3A_26 = arith.andi %iota3A, %and3A_25 : vector<16xi32>
    %eq3A_27 = arith.constant 0 : i32
    %eq3A_28 = vector.broadcast %eq3A_27 : i32 to vector<16xi32>
    %eq3A_29 = arith.cmpi eq, %and3A_26, %eq3A_28 : vector<16xi32>
    %and3A_30 = arith.constant 1 : i32
    %and3A_31 = vector.broadcast %and3A_30 : i32 to vector<16xi32>
    %and3A_32 = arith.andi %iota3A, %and3A_31 : vector<16xi32>
    %eq3A_33 = arith.constant 0 : i32
    %eq3A_34 = vector.broadcast %eq3A_33 : i32 to vector<16xi32>
    %eq3A_35 = arith.cmpi eq, %and3A_32, %eq3A_34 : vector<16xi32>
    %mul3A_36 = arith.constant 632 : i32
    %mul3A_37 = arith.muli %arg1, %mul3A_36 : i32
    %min3A = arith.constant 9368 : i32
    %min3A_38 = arith.minsi %mul3A_37, %min3A : i32
    "tpu.region"() ({
      %run_scoped3A = tpu.sem_alloc : memref<!tpu.dma_semaphore, #tpu.memory_space<semaphore_mem>>
      %dma_start3A_120 = arith.constant 0 : i32
      %dma_start3A_121 = tpu.memref_slice %arg7[%min3A_38, %dma_start3A_120] : memref<10000x128xf32, #tpu.memory_space<vmem_shared>> -> memref<632x128xf32, #tpu.memory_space<vmem_shared>>
      %dma_start3A_122 = arith.constant 0 : i32
      %dma_start3A_123 = tpu.memref_slice %arg2[%min3A_38, %dma_start3A_122] : memref<10000x128xf32, #tpu.memory_space<hbm>> -> memref<632x128xf32, #tpu.memory_space<hbm>>
      tpu.enqueue_dma source(%dma_start3A_123 : memref<632x128xf32, #tpu.memory_space<hbm>>) target(%dma_start3A_121 : memref<632x128xf32, #tpu.memory_space<vmem_shared>>) target_semaphore(%run_scoped3A : memref<!tpu.dma_semaphore, #tpu.memory_space<semaphore_mem>>)
      %dma_wait3A_124 = arith.constant 0 : i32
      %dma_wait3A_125 = tpu.memref_slice %arg7[%min3A_38, %dma_wait3A_124] : memref<10000x128xf32, #tpu.memory_space<vmem_shared>> -> memref<632x128xf32, #tpu.memory_space<vmem_shared>>
      %dma_wait3A_126 = arith.constant 0 : i32
      %dma_wait3A_127 = tpu.memref_slice %arg2[%min3A_38, %dma_wait3A_126] : memref<10000x128xf32, #tpu.memory_space<hbm>> -> memref<632x128xf32, #tpu.memory_space<hbm>>
      tpu.wait_dma2 semaphore(%run_scoped3A : memref<!tpu.dma_semaphore, #tpu.memory_space<semaphore_mem>>) src(%dma_wait3A_127 : memref<632x128xf32, #tpu.memory_space<hbm>>) dst(%dma_wait3A_125 : memref<632x128xf32, #tpu.memory_space<vmem_shared>>)
      tpu.yield
    }) : () -> ()
    %barrier3A = arith.constant 0 : index
    tpu.barrier barrier_id(%barrier3A)
    %add3A_39 = arith.constant 0 : i32
    %add3A_40 = arith.addi %mul3A_2, %add3A_39 : i32
    %dma_start3A = tpu.memref_slice %arg4[%add3A_40] : memref<320000xi32, #tpu.memory_space<hbm>> -> memref<80xi32, #tpu.memory_space<hbm>>
    %dma_start3A_41 = tpu.memref_slice %arg4[%add3A_40] : memref<320000xi32, #tpu.memory_space<hbm>> -> memref<80xi32, #tpu.memory_space<hbm>>
    tpu.enqueue_dma source(%dma_start3A_41 : memref<80xi32, #tpu.memory_space<hbm>>) target(%arg8 : memref<80xi32, #tpu.memory_space<vmem>>) target_semaphore(%arg22 : memref<!tpu.dma_semaphore, #tpu.memory_space<semaphore_mem>>)
    %dma_start3A_42 = tpu.memref_slice %arg5[%add3A_40] : memref<320000xi32, #tpu.memory_space<hbm>> -> memref<80xi32, #tpu.memory_space<hbm>>
    %dma_start3A_43 = tpu.memref_slice %arg5[%add3A_40] : memref<320000xi32, #tpu.memory_space<hbm>> -> memref<80xi32, #tpu.memory_space<hbm>>
    tpu.enqueue_dma source(%dma_start3A_43 : memref<80xi32, #tpu.memory_space<hbm>>) target(%arg9 : memref<80xi32, #tpu.memory_space<vmem>>) target_semaphore(%arg22 : memref<!tpu.dma_semaphore, #tpu.memory_space<semaphore_mem>>)
    %add3A_44 = arith.constant 0 : i32
    %add3A_45 = arith.addi %mul3A_2, %add3A_44 : i32
    %dma_wait3A = tpu.memref_slice %arg4[%add3A_45] : memref<320000xi32, #tpu.memory_space<hbm>> -> memref<80xi32, #tpu.memory_space<hbm>>
    %dma_wait3A_46 = tpu.memref_slice %arg4[%add3A_45] : memref<320000xi32, #tpu.memory_space<hbm>> -> memref<80xi32, #tpu.memory_space<hbm>>
    tpu.wait_dma2 semaphore(%arg22 : memref<!tpu.dma_semaphore, #tpu.memory_space<semaphore_mem>>) src(%dma_wait3A_46 : memref<80xi32, #tpu.memory_space<hbm>>) dst(%arg8 : memref<80xi32, #tpu.memory_space<vmem>>)
    %dma_wait3A_47 = tpu.memref_slice %arg5[%add3A_45] : memref<320000xi32, #tpu.memory_space<hbm>> -> memref<80xi32, #tpu.memory_space<hbm>>
    %dma_wait3A_48 = tpu.memref_slice %arg5[%add3A_45] : memref<320000xi32, #tpu.memory_space<hbm>> -> memref<80xi32, #tpu.memory_space<hbm>>
    tpu.wait_dma2 semaphore(%arg22 : memref<!tpu.dma_semaphore, #tpu.memory_space<semaphore_mem>>) src(%dma_wait3A_48 : memref<80xi32, #tpu.memory_space<hbm>>) dst(%arg9 : memref<80xi32, #tpu.memory_space<vmem>>)
    %dma_start3A_49 = arith.constant 0 : i32
    %dma_start3A_50 = arith.constant 0 : i32
    %dma_start3A_51 = tpu.memref_slice %arg7[%dma_start3A_49, %dma_start3A_50] : memref<10000x128xf32, #tpu.memory_space<vmem_shared>> -> memref<10000x128xf32, #tpu.memory_space<vmem_shared>>
    tpu.enqueue_indirect_dma source(%dma_start3A_51 : memref<10000x128xf32, #tpu.memory_space<vmem_shared>>) target(%arg12 : memref<80x128xf32, #tpu.memory_space<vmem>>) offsets(%arg8 : memref<80xi32, #tpu.memory_space<vmem>>) semaphore(%arg18 : memref<!tpu.dma_semaphore, #tpu.memory_space<semaphore_mem>>)
    %dma_start3A_52 = arith.constant 0 : i32
    %dma_start3A_53 = arith.constant 0 : i32
    %dma_start3A_54 = tpu.memref_slice %arg3[%dma_start3A_52, %dma_start3A_53] : memref<10000x128xf32, #tpu.memory_space<hbm>> -> memref<10000x128xf32, #tpu.memory_space<hbm>>
    tpu.enqueue_indirect_dma source(%dma_start3A_54 : memref<10000x128xf32, #tpu.memory_space<hbm>>) target(%arg13 : memref<80x128xf32, #tpu.memory_space<vmem>>) offsets(%arg9 : memref<80xi32, #tpu.memory_space<vmem>>) semaphore(%arg19 : memref<!tpu.dma_semaphore, #tpu.memory_space<semaphore_mem>>)
    %add3A_55 = arith.constant 80 : i32
    %add3A_56 = arith.addi %mul3A_2, %add3A_55 : i32
    %dma_start3A_57 = tpu.memref_slice %arg4[%add3A_56] : memref<320000xi32, #tpu.memory_space<hbm>> -> memref<80xi32, #tpu.memory_space<hbm>>
    %dma_start3A_58 = tpu.memref_slice %arg4[%add3A_56] : memref<320000xi32, #tpu.memory_space<hbm>> -> memref<80xi32, #tpu.memory_space<hbm>>
    tpu.enqueue_dma source(%dma_start3A_58 : memref<80xi32, #tpu.memory_space<hbm>>) target(%arg10 : memref<80xi32, #tpu.memory_space<vmem>>) target_semaphore(%arg23 : memref<!tpu.dma_semaphore, #tpu.memory_space<semaphore_mem>>)
    %dma_start3A_59 = tpu.memref_slice %arg5[%add3A_56] : memref<320000xi32, #tpu.memory_space<hbm>> -> memref<80xi32, #tpu.memory_space<hbm>>
    %dma_start3A_60 = tpu.memref_slice %arg5[%add3A_56] : memref<320000xi32, #tpu.memory_space<hbm>> -> memref<80xi32, #tpu.memory_space<hbm>>
    tpu.enqueue_dma source(%dma_start3A_60 : memref<80xi32, #tpu.memory_space<hbm>>) target(%arg11 : memref<80xi32, #tpu.memory_space<vmem>>) target_semaphore(%arg23 : memref<!tpu.dma_semaphore, #tpu.memory_space<semaphore_mem>>)
    %add3A_61 = arith.constant 0 : i32
    %add3A_62 = arith.addi %mul3A_2, %add3A_61 : i32
    %dma_start3A_63 = tpu.memref_slice %arg6[%add3A_62] : memref<320000xf32, #tpu.memory_space<hbm>> -> memref<80xf32, #tpu.memory_space<hbm>>
    %dma_start3A_64 = tpu.memref_slice %arg6[%add3A_62] : memref<320000xf32, #tpu.memory_space<hbm>> -> memref<80xf32, #tpu.memory_space<hbm>>
    tpu.enqueue_dma source(%arg16 : memref<80xf32, #tpu.memory_space<vmem>>) target(%dma_start3A_64 : memref<80xf32, #tpu.memory_space<hbm>>) target_semaphore(%arg24 : memref<!tpu.dma_semaphore, #tpu.memory_space<semaphore_mem>>)
    %add3A_65 = arith.constant 80 : i32
    %add3A_66 = arith.addi %mul3A_2, %add3A_65 : i32
    %dma_start3A_67 = tpu.memref_slice %arg6[%add3A_66] : memref<320000xf32, #tpu.memory_space<hbm>> -> memref<80xf32, #tpu.memory_space<hbm>>
    %dma_start3A_68 = tpu.memref_slice %arg6[%add3A_66] : memref<320000xf32, #tpu.memory_space<hbm>> -> memref<80xf32, #tpu.memory_space<hbm>>
    tpu.enqueue_dma source(%arg17 : memref<80xf32, #tpu.memory_space<vmem>>) target(%dma_start3A_68 : memref<80xf32, #tpu.memory_space<hbm>>) target_semaphore(%arg25 : memref<!tpu.dma_semaphore, #tpu.memory_space<semaphore_mem>>)
    %scan3A = arith.constant 0 : i32
    %scan3A_69 = arith.constant 0 : i32
    %scan3A_70 = arith.constant 62 : i32
    %scan3A_71 = arith.addi %scan3A_69, %scan3A_70 : i32
    %scan3A_72 = arith.constant 1 : i32
    scf.for %scan3A_120 = %scan3A_69 to %scan3A_71 step %scan3A_72  : i32 {
      %mul3A_121 = arith.constant 2 : i32
      %mul3A_122 = arith.muli %mul3A_121, %scan3A_120 : i32
      %add3A_123 = arith.constant 1 : i32
      %add3A_124 = arith.addi %mul3A_122, %add3A_123 : i32
      %mul3A_125 = arith.constant 80 : i32
      %mul3A_126 = arith.muli %add3A_124, %mul3A_125 : i32
      %add3A_127 = arith.addi %mul3A_2, %mul3A_126 : i32
      %dma_wait3A_128 = tpu.memref_slice %arg4[%add3A_127] : memref<320000xi32, #tpu.memory_space<hbm>> -> memref<80xi32, #tpu.memory_space<hbm>>
      %dma_wait3A_129 = tpu.memref_slice %arg4[%add3A_127] : memref<320000xi32, #tpu.memory_space<hbm>> -> memref<80xi32, #tpu.memory_space<hbm>>
      tpu.wait_dma2 semaphore(%arg23 : memref<!tpu.dma_semaphore, #tpu.memory_space<semaphore_mem>>) src(%dma_wait3A_129 : memref<80xi32, #tpu.memory_space<hbm>>) dst(%arg10 : memref<80xi32, #tpu.memory_space<vmem>>)
      %dma_wait3A_130 = tpu.memref_slice %arg5[%add3A_127] : memref<320000xi32, #tpu.memory_space<hbm>> -> memref<80xi32, #tpu.memory_space<hbm>>
      %dma_wait3A_131 = tpu.memref_slice %arg5[%add3A_127] : memref<320000xi32, #tpu.memory_space<hbm>> -> memref<80xi32, #tpu.memory_space<hbm>>
      tpu.wait_dma2 semaphore(%arg23 : memref<!tpu.dma_semaphore, #tpu.memory_space<semaphore_mem>>) src(%dma_wait3A_131 : memref<80xi32, #tpu.memory_space<hbm>>) dst(%arg11 : memref<80xi32, #tpu.memory_space<vmem>>)
      %dma_start3A_132 = arith.constant 0 : i32
      %dma_start3A_133 = arith.constant 0 : i32
      %dma_start3A_134 = tpu.memref_slice %arg2[%dma_start3A_132, %dma_start3A_133] : memref<10000x128xf32, #tpu.memory_space<hbm>> -> memref<10000x128xf32, #tpu.memory_space<hbm>>
      tpu.enqueue_indirect_dma source(%dma_start3A_134 : memref<10000x128xf32, #tpu.memory_space<hbm>>) target(%arg14 : memref<80x128xf32, #tpu.memory_space<vmem>>) offsets(%arg10 : memref<80xi32, #tpu.memory_space<vmem>>) semaphore(%arg20 : memref<!tpu.dma_semaphore, #tpu.memory_space<semaphore_mem>>)
      %dma_start3A_135 = arith.constant 0 : i32
      %dma_start3A_136 = arith.constant 0 : i32
      %dma_start3A_137 = tpu.memref_slice %arg3[%dma_start3A_135, %dma_start3A_136] : memref<10000x128xf32, #tpu.memory_space<hbm>> -> memref<10000x128xf32, #tpu.memory_space<hbm>>
      tpu.enqueue_indirect_dma source(%dma_start3A_137 : memref<10000x128xf32, #tpu.memory_space<hbm>>) target(%arg15 : memref<80x128xf32, #tpu.memory_space<vmem>>) offsets(%arg11 : memref<80xi32, #tpu.memory_space<vmem>>) semaphore(%arg21 : memref<!tpu.dma_semaphore, #tpu.memory_space<semaphore_mem>>)
      %add3A_138 = arith.constant 2 : i32
      %add3A_139 = arith.addi %mul3A_122, %add3A_138 : i32
      %dma_wait3A_140 = arith.constant 0 : i32
      %dma_wait3A_141 = arith.constant 0 : i32
      %dma_wait3A_142 = tpu.memref_slice %arg7[%dma_wait3A_140, %dma_wait3A_141] : memref<10000x128xf32, #tpu.memory_space<vmem_shared>> -> memref<10000x128xf32, #tpu.memory_space<vmem_shared>>
      tpu.wait_indirect_dma semaphore(%arg18 : memref<!tpu.dma_semaphore, #tpu.memory_space<semaphore_mem>>) src(%dma_wait3A_142 : memref<10000x128xf32, #tpu.memory_space<vmem_shared>>) dst(%arg12 : memref<80x128xf32, #tpu.memory_space<vmem>>)
      %dma_wait3A_143 = arith.constant 0 : i32
      %dma_wait3A_144 = arith.constant 0 : i32
      %dma_wait3A_145 = tpu.memref_slice %arg3[%dma_wait3A_143, %dma_wait3A_144] : memref<10000x128xf32, #tpu.memory_space<hbm>> -> memref<10000x128xf32, #tpu.memory_space<hbm>>
      tpu.wait_indirect_dma semaphore(%arg19 : memref<!tpu.dma_semaphore, #tpu.memory_space<semaphore_mem>>) src(%dma_wait3A_145 : memref<10000x128xf32, #tpu.memory_space<hbm>>) dst(%arg13 : memref<80x128xf32, #tpu.memory_space<vmem>>)
      %mul3A_146 = arith.constant 80 : i32
      %mul3A_147 = arith.muli %add3A_139, %mul3A_146 : i32
      %add3A_148 = arith.addi %mul3A_2, %mul3A_147 : i32
      %dma_start3A_149 = tpu.memref_slice %arg4[%add3A_148] : memref<320000xi32, #tpu.memory_space<hbm>> -> memref<80xi32, #tpu.memory_space<hbm>>
      %dma_start3A_150 = tpu.memref_slice %arg4[%add3A_148] : memref<320000xi32, #tpu.memory_space<hbm>> -> memref<80xi32, #tpu.memory_space<hbm>>
      tpu.enqueue_dma source(%dma_start3A_150 : memref<80xi32, #tpu.memory_space<hbm>>) target(%arg8 : memref<80xi32, #tpu.memory_space<vmem>>) target_semaphore(%arg22 : memref<!tpu.dma_semaphore, #tpu.memory_space<semaphore_mem>>)
      %dma_start3A_151 = tpu.memref_slice %arg5[%add3A_148] : memref<320000xi32, #tpu.memory_space<hbm>> -> memref<80xi32, #tpu.memory_space<hbm>>
      %dma_start3A_152 = tpu.memref_slice %arg5[%add3A_148] : memref<320000xi32, #tpu.memory_space<hbm>> -> memref<80xi32, #tpu.memory_space<hbm>>
      tpu.enqueue_dma source(%dma_start3A_152 : memref<80xi32, #tpu.memory_space<hbm>>) target(%arg9 : memref<80xi32, #tpu.memory_space<vmem>>) target_semaphore(%arg22 : memref<!tpu.dma_semaphore, #tpu.memory_space<semaphore_mem>>)
      %mul3A_153 = arith.constant 80 : i32
      %mul3A_154 = arith.muli %mul3A_122, %mul3A_153 : i32
      %add3A_155 = arith.addi %mul3A_2, %mul3A_154 : i32
      %dma_wait3A_156 = tpu.memref_slice %arg6[%add3A_155] : memref<320000xf32, #tpu.memory_space<hbm>> -> memref<80xf32, #tpu.memory_space<hbm>>
      %dma_wait3A_157 = tpu.memref_slice %arg6[%add3A_155] : memref<320000xf32, #tpu.memory_space<hbm>> -> memref<80xf32, #tpu.memory_space<hbm>>
      tpu.wait_dma2 semaphore(%arg24 : memref<!tpu.dma_semaphore, #tpu.memory_space<semaphore_mem>>) src(%arg16 : memref<80xf32, #tpu.memory_space<vmem>>) dst(%dma_wait3A_157 : memref<80xf32, #tpu.memory_space<hbm>>)
      %scan3A_158 = arith.constant 0 : i32
      %scan3A_159 = arith.constant 0 : i32
      %scan3A_160 = arith.constant 5 : i32
      %scan3A_161 = arith.addi %scan3A_159, %scan3A_160 : i32
      %scan3A_162 = arith.constant 1 : i32
      scf.for %scan3A_219 = %scan3A_159 to %scan3A_161 step %scan3A_162  : i32 {
        %mul3A_220 = arith.constant 16 : i32
        %mul3A_221 = arith.muli %scan3A_219, %mul3A_220 : i32
        %broadcast_in_dim3A = arith.constant 0.000000e+00 : f32
        %broadcast_in_dim3A_222 = vector.broadcast %broadcast_in_dim3A : f32 to vector<16xf32>
        %broadcast_in_dim3A_223 = arith.constant 0.000000e+00 : f32
        %broadcast_in_dim3A_224 = vector.broadcast %broadcast_in_dim3A_223 : f32 to vector<16xf32>
        %broadcast_in_dim3A_225 = arith.constant 0.000000e+00 : f32
        %broadcast_in_dim3A_226 = vector.broadcast %broadcast_in_dim3A_225 : f32 to vector<16xf32>
        %broadcast_in_dim3A_227 = arith.constant 0.000000e+00 : f32
        %broadcast_in_dim3A_228 = vector.broadcast %broadcast_in_dim3A_227 : f32 to vector<16xf32>
        %broadcast_in_dim3A_229 = arith.constant 0.000000e+00 : f32
        %broadcast_in_dim3A_230 = vector.broadcast %broadcast_in_dim3A_229 : f32 to vector<16xf32>
        %broadcast_in_dim3A_231 = arith.constant 0.000000e+00 : f32
        %broadcast_in_dim3A_232 = vector.broadcast %broadcast_in_dim3A_231 : f32 to vector<16xf32>
        %broadcast_in_dim3A_233 = arith.constant 0.000000e+00 : f32
        %broadcast_in_dim3A_234 = vector.broadcast %broadcast_in_dim3A_233 : f32 to vector<16xf32>
        %broadcast_in_dim3A_235 = arith.constant 0.000000e+00 : f32
        %broadcast_in_dim3A_236 = vector.broadcast %broadcast_in_dim3A_235 : f32 to vector<16xf32>
        %broadcast_in_dim3A_237 = arith.constant 0.000000e+00 : f32
        %broadcast_in_dim3A_238 = vector.broadcast %broadcast_in_dim3A_237 : f32 to vector<16xf32>
        %broadcast_in_dim3A_239 = arith.constant 0.000000e+00 : f32
        %broadcast_in_dim3A_240 = vector.broadcast %broadcast_in_dim3A_239 : f32 to vector<16xf32>
        %broadcast_in_dim3A_241 = arith.constant 0.000000e+00 : f32
        %broadcast_in_dim3A_242 = vector.broadcast %broadcast_in_dim3A_241 : f32 to vector<16xf32>
        %broadcast_in_dim3A_243 = arith.constant 0.000000e+00 : f32
        %broadcast_in_dim3A_244 = vector.broadcast %broadcast_in_dim3A_243 : f32 to vector<16xf32>
        %broadcast_in_dim3A_245 = arith.constant 0.000000e+00 : f32
        %broadcast_in_dim3A_246 = vector.broadcast %broadcast_in_dim3A_245 : f32 to vector<16xf32>
        %broadcast_in_dim3A_247 = arith.constant 0.000000e+00 : f32
        %broadcast_in_dim3A_248 = vector.broadcast %broadcast_in_dim3A_247 : f32 to vector<16xf32>
        %broadcast_in_dim3A_249 = arith.constant 0.000000e+00 : f32
        %broadcast_in_dim3A_250 = vector.broadcast %broadcast_in_dim3A_249 : f32 to vector<16xf32>
        %broadcast_in_dim3A_251 = arith.constant 0.000000e+00 : f32
        %broadcast_in_dim3A_252 = vector.broadcast %broadcast_in_dim3A_251 : f32 to vector<16xf32>
        %scan3A_253 = arith.constant 0 : i32
        %scan3A_254 = arith.constant 8 : i32
        %scan3A_255 = arith.addi %scan3A_253, %scan3A_254 : i32
        %scan3A_256 = arith.constant 1 : i32
        %scan3A_257:16 = scf.for %scan3A_604 = %scan3A_253 to %scan3A_255 step %scan3A_256 iter_args(%scan3A_605 = %broadcast_in_dim3A_222, %scan3A_606 = %broadcast_in_dim3A_224, %scan3A_607 = %broadcast_in_dim3A_226, %scan3A_608 = %broadcast_in_dim3A_228, %scan3A_609 = %broadcast_in_dim3A_230, %scan3A_610 = %broadcast_in_dim3A_232, %scan3A_611 = %broadcast_in_dim3A_234, %scan3A_612 = %broadcast_in_dim3A_236, %scan3A_613 = %broadcast_in_dim3A_238, %scan3A_614 = %broadcast_in_dim3A_240, %scan3A_615 = %broadcast_in_dim3A_242, %scan3A_616 = %broadcast_in_dim3A_244, %scan3A_617 = %broadcast_in_dim3A_246, %scan3A_618 = %broadcast_in_dim3A_248, %scan3A_619 = %broadcast_in_dim3A_250, %scan3A_620 = %broadcast_in_dim3A_252) -> (vector<16xf32>, vector<16xf32>, vector<16xf32>, vector<16xf32>, vector<16xf32>, vector<16xf32>, vector<16xf32>, vector<16xf32>, vector<16xf32>, vector<16xf32>, vector<16xf32>, vector<16xf32>, vector<16xf32>, vector<16xf32>, vector<16xf32>, vector<16xf32>)  : i32 {
          %add3A_621 = arith.constant 0 : i32
          %add3A_622 = arith.addi %mul3A_221, %add3A_621 : i32
          %mul3A_623 = arith.constant 16 : i32
          %mul3A_624 = arith.muli %scan3A_604, %mul3A_623 : i32
          %get3A = arith.index_cast %add3A_622 : i32 to index
          %get3A_625 = arith.index_cast %mul3A_624 : i32 to index
          %get3A_626 = tpu.vector_load %arg12[%get3A, %get3A_625] {strides = array<i32>} : memref<80x128xf32, #tpu.memory_space<vmem>>, vector<1x16xf32>,
          %get3A_627 = vector.shape_cast %get3A_626 : vector<1x16xf32> to vector<16xf32>
          %add3A_628 = arith.constant 0 : i32
          %add3A_629 = arith.addi %mul3A_221, %add3A_628 : i32
          %mul3A_630 = arith.constant 16 : i32
          %mul3A_631 = arith.muli %scan3A_604, %mul3A_630 : i32
          %get3A_632 = arith.index_cast %add3A_629 : i32 to index
          %get3A_633 = arith.index_cast %mul3A_631 : i32 to index
          %get3A_634 = tpu.vector_load %arg13[%get3A_632, %get3A_633] {strides = array<i32>} : memref<80x128xf32, #tpu.memory_space<vmem>>, vector<1x16xf32>,
          %get3A_635 = vector.shape_cast %get3A_634 : vector<1x16xf32> to vector<16xf32>
          %mul3A_636 = arith.mulf %get3A_627, %get3A_635 : vector<16xf32>
          %add3A_637 = arith.addf %scan3A_605, %mul3A_636 : vector<16xf32>
          %add3A_638 = arith.constant 1 : i32
          %add3A_639 = arith.addi %mul3A_221, %add3A_638 : i32
          %mul3A_640 = arith.constant 16 : i32
          %mul3A_641 = arith.muli %scan3A_604, %mul3A_640 : i32
          %get3A_642 = arith.index_cast %add3A_639 : i32 to index
          %get3A_643 = arith.index_cast %mul3A_641 : i32 to index
          %get3A_644 = tpu.vector_load %arg12[%get3A_642, %get3A_643] {strides = array<i32>} : memref<80x128xf32, #tpu.memory_space<vmem>>, vector<1x16xf32>,
          %get3A_645 = vector.shape_cast %get3A_644 : vector<1x16xf32> to vector<16xf32>
          %add3A_646 = arith.constant 1 : i32
          %add3A_647 = arith.addi %mul3A_221, %add3A_646 : i32
          %mul3A_648 = arith.constant 16 : i32
          %mul3A_649 = arith.muli %scan3A_604, %mul3A_648 : i32
          %get3A_650 = arith.index_cast %add3A_647 : i32 to index
          %get3A_651 = arith.index_cast %mul3A_649 : i32 to index
          %get3A_652 = tpu.vector_load %arg13[%get3A_650, %get3A_651] {strides = array<i32>} : memref<80x128xf32, #tpu.memory_space<vmem>>, vector<1x16xf32>,
          %get3A_653 = vector.shape_cast %get3A_652 : vector<1x16xf32> to vector<16xf32>
          %mul3A_654 = arith.mulf %get3A_645, %get3A_653 : vector<16xf32>
          %add3A_655 = arith.addf %scan3A_606, %mul3A_654 : vector<16xf32>
          %add3A_656 = arith.constant 2 : i32
          %add3A_657 = arith.addi %mul3A_221, %add3A_656 : i32
          %mul3A_658 = arith.constant 16 : i32
          %mul3A_659 = arith.muli %scan3A_604, %mul3A_658 : i32
          %get3A_660 = arith.index_cast %add3A_657 : i32 to index
          %get3A_661 = arith.index_cast %mul3A_659 : i32 to index
          %get3A_662 = tpu.vector_load %arg12[%get3A_660, %get3A_661] {strides = array<i32>} : memref<80x128xf32, #tpu.memory_space<vmem>>, vector<1x16xf32>,
          %get3A_663 = vector.shape_cast %get3A_662 : vector<1x16xf32> to vector<16xf32>
          %add3A_664 = arith.constant 2 : i32
          %add3A_665 = arith.addi %mul3A_221, %add3A_664 : i32
          %mul3A_666 = arith.constant 16 : i32
          %mul3A_667 = arith.muli %scan3A_604, %mul3A_666 : i32
          %get3A_668 = arith.index_cast %add3A_665 : i32 to index
          %get3A_669 = arith.index_cast %mul3A_667 : i32 to index
          %get3A_670 = tpu.vector_load %arg13[%get3A_668, %get3A_669] {strides = array<i32>} : memref<80x128xf32, #tpu.memory_space<vmem>>, vector<1x16xf32>,
          %get3A_671 = vector.shape_cast %get3A_670 : vector<1x16xf32> to vector<16xf32>
          %mul3A_672 = arith.mulf %get3A_663, %get3A_671 : vector<16xf32>
          %add3A_673 = arith.addf %scan3A_607, %mul3A_672 : vector<16xf32>
          %add3A_674 = arith.constant 3 : i32
          %add3A_675 = arith.addi %mul3A_221, %add3A_674 : i32
          %mul3A_676 = arith.constant 16 : i32
          %mul3A_677 = arith.muli %scan3A_604, %mul3A_676 : i32
          %get3A_678 = arith.index_cast %add3A_675 : i32 to index
          %get3A_679 = arith.index_cast %mul3A_677 : i32 to index
          %get3A_680 = tpu.vector_load %arg12[%get3A_678, %get3A_679] {strides = array<i32>} : memref<80x128xf32, #tpu.memory_space<vmem>>, vector<1x16xf32>,
          %get3A_681 = vector.shape_cast %get3A_680 : vector<1x16xf32> to vector<16xf32>
          %add3A_682 = arith.constant 3 : i32
          %add3A_683 = arith.addi %mul3A_221, %add3A_682 : i32
          %mul3A_684 = arith.constant 16 : i32
          %mul3A_685 = arith.muli %scan3A_604, %mul3A_684 : i32
          %get3A_686 = arith.index_cast %add3A_683 : i32 to index
          %get3A_687 = arith.index_cast %mul3A_685 : i32 to index
          %get3A_688 = tpu.vector_load %arg13[%get3A_686, %get3A_687] {strides = array<i32>} : memref<80x128xf32, #tpu.memory_space<vmem>>, vector<1x16xf32>,
          %get3A_689 = vector.shape_cast %get3A_688 : vector<1x16xf32> to vector<16xf32>
          %mul3A_690 = arith.mulf %get3A_681, %get3A_689 : vector<16xf32>
          %add3A_691 = arith.addf %scan3A_608, %mul3A_690 : vector<16xf32>
          %add3A_692 = arith.constant 4 : i32
          %add3A_693 = arith.addi %mul3A_221, %add3A_692 : i32
          %mul3A_694 = arith.constant 16 : i32
          %mul3A_695 = arith.muli %scan3A_604, %mul3A_694 : i32
          %get3A_696 = arith.index_cast %add3A_693 : i32 to index
          %get3A_697 = arith.index_cast %mul3A_695 : i32 to index
          %get3A_698 = tpu.vector_load %arg12[%get3A_696, %get3A_697] {strides = array<i32>} : memref<80x128xf32, #tpu.memory_space<vmem>>, vector<1x16xf32>,
          %get3A_699 = vector.shape_cast %get3A_698 : vector<1x16xf32> to vector<16xf32>
          %add3A_700 = arith.constant 4 : i32
          %add3A_701 = arith.addi %mul3A_221, %add3A_700 : i32
          %mul3A_702 = arith.constant 16 : i32
          %mul3A_703 = arith.muli %scan3A_604, %mul3A_702 : i32
          %get3A_704 = arith.index_cast %add3A_701 : i32 to index
          %get3A_705 = arith.index_cast %mul3A_703 : i32 to index
          %get3A_706 = tpu.vector_load %arg13[%get3A_704, %get3A_705] {strides = array<i32>} : memref<80x128xf32, #tpu.memory_space<vmem>>, vector<1x16xf32>,
          %get3A_707 = vector.shape_cast %get3A_706 : vector<1x16xf32> to vector<16xf32>
          %mul3A_708 = arith.mulf %get3A_699, %get3A_707 : vector<16xf32>
          %add3A_709 = arith.addf %scan3A_609, %mul3A_708 : vector<16xf32>
          %add3A_710 = arith.constant 5 : i32
          %add3A_711 = arith.addi %mul3A_221, %add3A_710 : i32
          %mul3A_712 = arith.constant 16 : i32
          %mul3A_713 = arith.muli %scan3A_604, %mul3A_712 : i32
          %get3A_714 = arith.index_cast %add3A_711 : i32 to index
          %get3A_715 = arith.index_cast %mul3A_713 : i32 to index
          %get3A_716 = tpu.vector_load %arg12[%get3A_714, %get3A_715] {strides = array<i32>} : memref<80x128xf32, #tpu.memory_space<vmem>>, vector<1x16xf32>,
          %get3A_717 = vector.shape_cast %get3A_716 : vector<1x16xf32> to vector<16xf32>
          %add3A_718 = arith.constant 5 : i32
          %add3A_719 = arith.addi %mul3A_221, %add3A_718 : i32
          %mul3A_720 = arith.constant 16 : i32
          %mul3A_721 = arith.muli %scan3A_604, %mul3A_720 : i32
          %get3A_722 = arith.index_cast %add3A_719 : i32 to index
          %get3A_723 = arith.index_cast %mul3A_721 : i32 to index
          %get3A_724 = tpu.vector_load %arg13[%get3A_722, %get3A_723] {strides = array<i32>} : memref<80x128xf32, #tpu.memory_space<vmem>>, vector<1x16xf32>,
          %get3A_725 = vector.shape_cast %get3A_724 : vector<1x16xf32> to vector<16xf32>
          %mul3A_726 = arith.mulf %get3A_717, %get3A_725 : vector<16xf32>
          %add3A_727 = arith.addf %scan3A_610, %mul3A_726 : vector<16xf32>
          %add3A_728 = arith.constant 6 : i32
          %add3A_729 = arith.addi %mul3A_221, %add3A_728 : i32
          %mul3A_730 = arith.constant 16 : i32
          %mul3A_731 = arith.muli %scan3A_604, %mul3A_730 : i32
          %get3A_732 = arith.index_cast %add3A_729 : i32 to index
          %get3A_733 = arith.index_cast %mul3A_731 : i32 to index
          %get3A_734 = tpu.vector_load %arg12[%get3A_732, %get3A_733] {strides = array<i32>} : memref<80x128xf32, #tpu.memory_space<vmem>>, vector<1x16xf32>,
          %get3A_735 = vector.shape_cast %get3A_734 : vector<1x16xf32> to vector<16xf32>
          %add3A_736 = arith.constant 6 : i32
          %add3A_737 = arith.addi %mul3A_221, %add3A_736 : i32
          %mul3A_738 = arith.constant 16 : i32
          %mul3A_739 = arith.muli %scan3A_604, %mul3A_738 : i32
          %get3A_740 = arith.index_cast %add3A_737 : i32 to index
          %get3A_741 = arith.index_cast %mul3A_739 : i32 to index
          %get3A_742 = tpu.vector_load %arg13[%get3A_740, %get3A_741] {strides = array<i32>} : memref<80x128xf32, #tpu.memory_space<vmem>>, vector<1x16xf32>,
          %get3A_743 = vector.shape_cast %get3A_742 : vector<1x16xf32> to vector<16xf32>
          %mul3A_744 = arith.mulf %get3A_735, %get3A_743 : vector<16xf32>
          %add3A_745 = arith.addf %scan3A_611, %mul3A_744 : vector<16xf32>
          %add3A_746 = arith.constant 7 : i32
          %add3A_747 = arith.addi %mul3A_221, %add3A_746 : i32
          %mul3A_748 = arith.constant 16 : i32
          %mul3A_749 = arith.muli %scan3A_604, %mul3A_748 : i32
          %get3A_750 = arith.index_cast %add3A_747 : i32 to index
          %get3A_751 = arith.index_cast %mul3A_749 : i32 to index
          %get3A_752 = tpu.vector_load %arg12[%get3A_750, %get3A_751] {strides = array<i32>} : memref<80x128xf32, #tpu.memory_space<vmem>>, vector<1x16xf32>,
          %get3A_753 = vector.shape_cast %get3A_752 : vector<1x16xf32> to vector<16xf32>
          %add3A_754 = arith.constant 7 : i32
          %add3A_755 = arith.addi %mul3A_221, %add3A_754 : i32
          %mul3A_756 = arith.constant 16 : i32
          %mul3A_757 = arith.muli %scan3A_604, %mul3A_756 : i32
          %get3A_758 = arith.index_cast %add3A_755 : i32 to index
          %get3A_759 = arith.index_cast %mul3A_757 : i32 to index
          %get3A_760 = tpu.vector_load %arg13[%get3A_758, %get3A_759] {strides = array<i32>} : memref<80x128xf32, #tpu.memory_space<vmem>>, vector<1x16xf32>,
          %get3A_761 = vector.shape_cast %get3A_760 : vector<1x16xf32> to vector<16xf32>
          %mul3A_762 = arith.mulf %get3A_753, %get3A_761 : vector<16xf32>
          %add3A_763 = arith.addf %scan3A_612, %mul3A_762 : vector<16xf32>
          %add3A_764 = arith.constant 8 : i32
          %add3A_765 = arith.addi %mul3A_221, %add3A_764 : i32
          %mul3A_766 = arith.constant 16 : i32
          %mul3A_767 = arith.muli %scan3A_604, %mul3A_766 : i32
          %get3A_768 = arith.index_cast %add3A_765 : i32 to index
          %get3A_769 = arith.index_cast %mul3A_767 : i32 to index
          %get3A_770 = tpu.vector_load %arg12[%get3A_768, %get3A_769] {strides = array<i32>} : memref<80x128xf32, #tpu.memory_space<vmem>>, vector<1x16xf32>,
          %get3A_771 = vector.shape_cast %get3A_770 : vector<1x16xf32> to vector<16xf32>
          %add3A_772 = arith.constant 8 : i32
          %add3A_773 = arith.addi %mul3A_221, %add3A_772 : i32
          %mul3A_774 = arith.constant 16 : i32
          %mul3A_775 = arith.muli %scan3A_604, %mul3A_774 : i32
          %get3A_776 = arith.index_cast %add3A_773 : i32 to index
          %get3A_777 = arith.index_cast %mul3A_775 : i32 to index
          %get3A_778 = tpu.vector_load %arg13[%get3A_776, %get3A_777] {strides = array<i32>} : memref<80x128xf32, #tpu.memory_space<vmem>>, vector<1x16xf32>,
          %get3A_779 = vector.shape_cast %get3A_778 : vector<1x16xf32> to vector<16xf32>
          %mul3A_780 = arith.mulf %get3A_771, %get3A_779 : vector<16xf32>
          %add3A_781 = arith.addf %scan3A_613, %mul3A_780 : vector<16xf32>
          %add3A_782 = arith.constant 9 : i32
          %add3A_783 = arith.addi %mul3A_221, %add3A_782 : i32
          %mul3A_784 = arith.constant 16 : i32
          %mul3A_785 = arith.muli %scan3A_604, %mul3A_784 : i32
          %get3A_786 = arith.index_cast %add3A_783 : i32 to index
          %get3A_787 = arith.index_cast %mul3A_785 : i32 to index
          %get3A_788 = tpu.vector_load %arg12[%get3A_786, %get3A_787] {strides = array<i32>} : memref<80x128xf32, #tpu.memory_space<vmem>>, vector<1x16xf32>,
          %get3A_789 = vector.shape_cast %get3A_788 : vector<1x16xf32> to vector<16xf32>
          %add3A_790 = arith.constant 9 : i32
          %add3A_791 = arith.addi %mul3A_221, %add3A_790 : i32
          %mul3A_792 = arith.constant 16 : i32
          %mul3A_793 = arith.muli %scan3A_604, %mul3A_792 : i32
          %get3A_794 = arith.index_cast %add3A_791 : i32 to index
          %get3A_795 = arith.index_cast %mul3A_793 : i32 to index
          %get3A_796 = tpu.vector_load %arg13[%get3A_794, %get3A_795] {strides = array<i32>} : memref<80x128xf32, #tpu.memory_space<vmem>>, vector<1x16xf32>,
          %get3A_797 = vector.shape_cast %get3A_796 : vector<1x16xf32> to vector<16xf32>
          %mul3A_798 = arith.mulf %get3A_789, %get3A_797 : vector<16xf32>
          %add3A_799 = arith.addf %scan3A_614, %mul3A_798 : vector<16xf32>
          %add3A_800 = arith.constant 10 : i32
          %add3A_801 = arith.addi %mul3A_221, %add3A_800 : i32
          %mul3A_802 = arith.constant 16 : i32
          %mul3A_803 = arith.muli %scan3A_604, %mul3A_802 : i32
          %get3A_804 = arith.index_cast %add3A_801 : i32 to index
          %get3A_805 = arith.index_cast %mul3A_803 : i32 to index
          %get3A_806 = tpu.vector_load %arg12[%get3A_804, %get3A_805] {strides = array<i32>} : memref<80x128xf32, #tpu.memory_space<vmem>>, vector<1x16xf32>,
          %get3A_807 = vector.shape_cast %get3A_806 : vector<1x16xf32> to vector<16xf32>
          %add3A_808 = arith.constant 10 : i32
          %add3A_809 = arith.addi %mul3A_221, %add3A_808 : i32
          %mul3A_810 = arith.constant 16 : i32
          %mul3A_811 = arith.muli %scan3A_604, %mul3A_810 : i32
          %get3A_812 = arith.index_cast %add3A_809 : i32 to index
          %get3A_813 = arith.index_cast %mul3A_811 : i32 to index
          %get3A_814 = tpu.vector_load %arg13[%get3A_812, %get3A_813] {strides = array<i32>} : memref<80x128xf32, #tpu.memory_space<vmem>>, vector<1x16xf32>,
          %get3A_815 = vector.shape_cast %get3A_814 : vector<1x16xf32> to vector<16xf32>
          %mul3A_816 = arith.mulf %get3A_807, %get3A_815 : vector<16xf32>
          %add3A_817 = arith.addf %scan3A_615, %mul3A_816 : vector<16xf32>
          %add3A_818 = arith.constant 11 : i32
          %add3A_819 = arith.addi %mul3A_221, %add3A_818 : i32
          %mul3A_820 = arith.constant 16 : i32
          %mul3A_821 = arith.muli %scan3A_604, %mul3A_820 : i32
          %get3A_822 = arith.index_cast %add3A_819 : i32 to index
          %get3A_823 = arith.index_cast %mul3A_821 : i32 to index
          %get3A_824 = tpu.vector_load %arg12[%get3A_822, %get3A_823] {strides = array<i32>} : memref<80x128xf32, #tpu.memory_space<vmem>>, vector<1x16xf32>,
          %get3A_825 = vector.shape_cast %get3A_824 : vector<1x16xf32> to vector<16xf32>
          %add3A_826 = arith.constant 11 : i32
          %add3A_827 = arith.addi %mul3A_221, %add3A_826 : i32
          %mul3A_828 = arith.constant 16 : i32
          %mul3A_829 = arith.muli %scan3A_604, %mul3A_828 : i32
          %get3A_830 = arith.index_cast %add3A_827 : i32 to index
          %get3A_831 = arith.index_cast %mul3A_829 : i32 to index
          %get3A_832 = tpu.vector_load %arg13[%get3A_830, %get3A_831] {strides = array<i32>} : memref<80x128xf32, #tpu.memory_space<vmem>>, vector<1x16xf32>,
          %get3A_833 = vector.shape_cast %get3A_832 : vector<1x16xf32> to vector<16xf32>
          %mul3A_834 = arith.mulf %get3A_825, %get3A_833 : vector<16xf32>
          %add3A_835 = arith.addf %scan3A_616, %mul3A_834 : vector<16xf32>
          %add3A_836 = arith.constant 12 : i32
          %add3A_837 = arith.addi %mul3A_221, %add3A_836 : i32
          %mul3A_838 = arith.constant 16 : i32
          %mul3A_839 = arith.muli %scan3A_604, %mul3A_838 : i32
          %get3A_840 = arith.index_cast %add3A_837 : i32 to index
          %get3A_841 = arith.index_cast %mul3A_839 : i32 to index
          %get3A_842 = tpu.vector_load %arg12[%get3A_840, %get3A_841] {strides = array<i32>} : memref<80x128xf32, #tpu.memory_space<vmem>>, vector<1x16xf32>,
          %get3A_843 = vector.shape_cast %get3A_842 : vector<1x16xf32> to vector<16xf32>
          %add3A_844 = arith.constant 12 : i32
          %add3A_845 = arith.addi %mul3A_221, %add3A_844 : i32
          %mul3A_846 = arith.constant 16 : i32
          %mul3A_847 = arith.muli %scan3A_604, %mul3A_846 : i32
          %get3A_848 = arith.index_cast %add3A_845 : i32 to index
          %get3A_849 = arith.index_cast %mul3A_847 : i32 to index
          %get3A_850 = tpu.vector_load %arg13[%get3A_848, %get3A_849] {strides = array<i32>} : memref<80x128xf32, #tpu.memory_space<vmem>>, vector<1x16xf32>,
          %get3A_851 = vector.shape_cast %get3A_850 : vector<1x16xf32> to vector<16xf32>
          %mul3A_852 = arith.mulf %get3A_843, %get3A_851 : vector<16xf32>
          %add3A_853 = arith.addf %scan3A_617, %mul3A_852 : vector<16xf32>
          %add3A_854 = arith.constant 13 : i32
          %add3A_855 = arith.addi %mul3A_221, %add3A_854 : i32
          %mul3A_856 = arith.constant 16 : i32
          %mul3A_857 = arith.muli %scan3A_604, %mul3A_856 : i32
          %get3A_858 = arith.index_cast %add3A_855 : i32 to index
          %get3A_859 = arith.index_cast %mul3A_857 : i32 to index
          %get3A_860 = tpu.vector_load %arg12[%get3A_858, %get3A_859] {strides = array<i32>} : memref<80x128xf32, #tpu.memory_space<vmem>>, vector<1x16xf32>,
          %get3A_861 = vector.shape_cast %get3A_860 : vector<1x16xf32> to vector<16xf32>
          %add3A_862 = arith.constant 13 : i32
          %add3A_863 = arith.addi %mul3A_221, %add3A_862 : i32
          %mul3A_864 = arith.constant 16 : i32
          %mul3A_865 = arith.muli %scan3A_604, %mul3A_864 : i32
          %get3A_866 = arith.index_cast %add3A_863 : i32 to index
          %get3A_867 = arith.index_cast %mul3A_865 : i32 to index
          %get3A_868 = tpu.vector_load %arg13[%get3A_866, %get3A_867] {strides = array<i32>} : memref<80x128xf32, #tpu.memory_space<vmem>>, vector<1x16xf32>,
          %get3A_869 = vector.shape_cast %get3A_868 : vector<1x16xf32> to vector<16xf32>
          %mul3A_870 = arith.mulf %get3A_861, %get3A_869 : vector<16xf32>
          %add3A_871 = arith.addf %scan3A_618, %mul3A_870 : vector<16xf32>
          %add3A_872 = arith.constant 14 : i32
          %add3A_873 = arith.addi %mul3A_221, %add3A_872 : i32
          %mul3A_874 = arith.constant 16 : i32
          %mul3A_875 = arith.muli %scan3A_604, %mul3A_874 : i32
          %get3A_876 = arith.index_cast %add3A_873 : i32 to index
          %get3A_877 = arith.index_cast %mul3A_875 : i32 to index
          %get3A_878 = tpu.vector_load %arg12[%get3A_876, %get3A_877] {strides = array<i32>} : memref<80x128xf32, #tpu.memory_space<vmem>>, vector<1x16xf32>,
          %get3A_879 = vector.shape_cast %get3A_878 : vector<1x16xf32> to vector<16xf32>
          %add3A_880 = arith.constant 14 : i32
          %add3A_881 = arith.addi %mul3A_221, %add3A_880 : i32
          %mul3A_882 = arith.constant 16 : i32
          %mul3A_883 = arith.muli %scan3A_604, %mul3A_882 : i32
          %get3A_884 = arith.index_cast %add3A_881 : i32 to index
          %get3A_885 = arith.index_cast %mul3A_883 : i32 to index
          %get3A_886 = tpu.vector_load %arg13[%get3A_884, %get3A_885] {strides = array<i32>} : memref<80x128xf32, #tpu.memory_space<vmem>>, vector<1x16xf32>,
          %get3A_887 = vector.shape_cast %get3A_886 : vector<1x16xf32> to vector<16xf32>
          %mul3A_888 = arith.mulf %get3A_879, %get3A_887 : vector<16xf32>
          %add3A_889 = arith.addf %scan3A_619, %mul3A_888 : vector<16xf32>
          %add3A_890 = arith.constant 15 : i32
          %add3A_891 = arith.addi %mul3A_221, %add3A_890 : i32
          %mul3A_892 = arith.constant 16 : i32
          %mul3A_893 = arith.muli %scan3A_604, %mul3A_892 : i32
          %get3A_894 = arith.index_cast %add3A_891 : i32 to index
          %get3A_895 = arith.index_cast %mul3A_893 : i32 to index
          %get3A_896 = tpu.vector_load %arg12[%get3A_894, %get3A_895] {strides = array<i32>} : memref<80x128xf32, #tpu.memory_space<vmem>>, vector<1x16xf32>,
          %get3A_897 = vector.shape_cast %get3A_896 : vector<1x16xf32> to vector<16xf32>
          %add3A_898 = arith.constant 15 : i32
          %add3A_899 = arith.addi %mul3A_221, %add3A_898 : i32
          %mul3A_900 = arith.constant 16 : i32
          %mul3A_901 = arith.muli %scan3A_604, %mul3A_900 : i32
          %get3A_902 = arith.index_cast %add3A_899 : i32 to index
          %get3A_903 = arith.index_cast %mul3A_901 : i32 to index
          %get3A_904 = tpu.vector_load %arg13[%get3A_902, %get3A_903] {strides = array<i32>} : memref<80x128xf32, #tpu.memory_space<vmem>>, vector<1x16xf32>,
          %get3A_905 = vector.shape_cast %get3A_904 : vector<1x16xf32> to vector<16xf32>
          %mul3A_906 = arith.mulf %get3A_897, %get3A_905 : vector<16xf32>
          %add3A_907 = arith.addf %scan3A_620, %mul3A_906 : vector<16xf32>
          scf.yield %add3A_637, %add3A_655, %add3A_673, %add3A_691, %add3A_709, %add3A_727, %add3A_745, %add3A_763, %add3A_781, %add3A_799, %add3A_817, %add3A_835, %add3A_853, %add3A_871, %add3A_889, %add3A_907 : vector<16xf32>, vector<16xf32>, vector<16xf32>, vector<16xf32>, vector<16xf32>, vector<16xf32>, vector<16xf32>, vector<16xf32>, vector<16xf32>, vector<16xf32>, vector<16xf32>, vector<16xf32>, vector<16xf32>, vector<16xf32>, vector<16xf32>, vector<16xf32>
        }
        %scan3A_258 = arith.constant 8 : i32
        %lt3A = arith.constant 0 : i32
        %lt3A_259 = vector.broadcast %lt3A : i32 to vector<16xi32>
        %lt3A_260 = arith.cmpi slt, %xor3A_4, %lt3A_259 : vector<16xi32>
        %add3A_261 = arith.constant 16 : i32
        %add3A_262 = vector.broadcast %add3A_261 : i32 to vector<16xi32>
        %add3A_263 = arith.addi %xor3A_4, %add3A_262 : vector<16xi32>
        %select_n3A = arith.select %lt3A_260, %add3A_263, %xor3A_4 : vector<16xi1>, vector<16xi32>
        %broadcast_in_dim3A_264 = vector.shape_cast %select_n3A : vector<16xi32> to vector<16x1xi32>
        %gather3A = vector.shape_cast %broadcast_in_dim3A_264 : vector<16x1xi32> to vector<16xi32>
        %gather3A_265 = tpu.dynamic_gather %scan3A_257#0[%gather3A] in [0] : vector<16xf32>, vector<16xi32> -> vector<16xf32>
        %add3A_266 = arith.addf %scan3A_257#0, %gather3A_265 : vector<16xf32>
        %lt3A_267 = arith.constant 0 : i32
        %lt3A_268 = vector.broadcast %lt3A_267 : i32 to vector<16xi32>
        %lt3A_269 = arith.cmpi slt, %xor3A_4, %lt3A_268 : vector<16xi32>
        %add3A_270 = arith.constant 16 : i32
        %add3A_271 = vector.broadcast %add3A_270 : i32 to vector<16xi32>
        %add3A_272 = arith.addi %xor3A_4, %add3A_271 : vector<16xi32>
        %select_n3A_273 = arith.select %lt3A_269, %add3A_272, %xor3A_4 : vector<16xi1>, vector<16xi32>
        %broadcast_in_dim3A_274 = vector.shape_cast %select_n3A_273 : vector<16xi32> to vector<16x1xi32>
        %gather3A_275 = vector.shape_cast %broadcast_in_dim3A_274 : vector<16x1xi32> to vector<16xi32>
        %gather3A_276 = tpu.dynamic_gather %scan3A_257#8[%gather3A_275] in [0] : vector<16xf32>, vector<16xi32> -> vector<16xf32>
        %add3A_277 = arith.addf %scan3A_257#8, %gather3A_276 : vector<16xf32>
        %select_n3A_278 = arith.select %eq3A_17, %add3A_266, %add3A_277 : vector<16xi1>, vector<16xf32>
        %lt3A_279 = arith.constant 0 : i32
        %lt3A_280 = vector.broadcast %lt3A_279 : i32 to vector<16xi32>
        %lt3A_281 = arith.cmpi slt, %xor3A_4, %lt3A_280 : vector<16xi32>
        %add3A_282 = arith.constant 16 : i32
        %add3A_283 = vector.broadcast %add3A_282 : i32 to vector<16xi32>
        %add3A_284 = arith.addi %xor3A_4, %add3A_283 : vector<16xi32>
        %select_n3A_285 = arith.select %lt3A_281, %add3A_284, %xor3A_4 : vector<16xi1>, vector<16xi32>
        %broadcast_in_dim3A_286 = vector.shape_cast %select_n3A_285 : vector<16xi32> to vector<16x1xi32>
        %gather3A_287 = vector.shape_cast %broadcast_in_dim3A_286 : vector<16x1xi32> to vector<16xi32>
        %gather3A_288 = tpu.dynamic_gather %scan3A_257#1[%gather3A_287] in [0] : vector<16xf32>, vector<16xi32> -> vector<16xf32>
        %add3A_289 = arith.addf %scan3A_257#1, %gather3A_288 : vector<16xf32>
        %lt3A_290 = arith.constant 0 : i32
        %lt3A_291 = vector.broadcast %lt3A_290 : i32 to vector<16xi32>
        %lt3A_292 = arith.cmpi slt, %xor3A_4, %lt3A_291 : vector<16xi32>
        %add3A_293 = arith.constant 16 : i32
        %add3A_294 = vector.broadcast %add3A_293 : i32 to vector<16xi32>
        %add3A_295 = arith.addi %xor3A_4, %add3A_294 : vector<16xi32>
        %select_n3A_296 = arith.select %lt3A_292, %add3A_295, %xor3A_4 : vector<16xi1>, vector<16xi32>
        %broadcast_in_dim3A_297 = vector.shape_cast %select_n3A_296 : vector<16xi32> to vector<16x1xi32>
        %gather3A_298 = vector.shape_cast %broadcast_in_dim3A_297 : vector<16x1xi32> to vector<16xi32>
        %gather3A_299 = tpu.dynamic_gather %scan3A_257#9[%gather3A_298] in [0] : vector<16xf32>, vector<16xi32> -> vector<16xf32>
        %add3A_300 = arith.addf %scan3A_257#9, %gather3A_299 : vector<16xf32>
        %select_n3A_301 = arith.select %eq3A_17, %add3A_289, %add3A_300 : vector<16xi1>, vector<16xf32>
        %lt3A_302 = arith.constant 0 : i32
        %lt3A_303 = vector.broadcast %lt3A_302 : i32 to vector<16xi32>
        %lt3A_304 = arith.cmpi slt, %xor3A_4, %lt3A_303 : vector<16xi32>
        %add3A_305 = arith.constant 16 : i32
        %add3A_306 = vector.broadcast %add3A_305 : i32 to vector<16xi32>
        %add3A_307 = arith.addi %xor3A_4, %add3A_306 : vector<16xi32>
        %select_n3A_308 = arith.select %lt3A_304, %add3A_307, %xor3A_4 : vector<16xi1>, vector<16xi32>
        %broadcast_in_dim3A_309 = vector.shape_cast %select_n3A_308 : vector<16xi32> to vector<16x1xi32>
        %gather3A_310 = vector.shape_cast %broadcast_in_dim3A_309 : vector<16x1xi32> to vector<16xi32>
        %gather3A_311 = tpu.dynamic_gather %scan3A_257#2[%gather3A_310] in [0] : vector<16xf32>, vector<16xi32> -> vector<16xf32>
        %add3A_312 = arith.addf %scan3A_257#2, %gather3A_311 : vector<16xf32>
        %lt3A_313 = arith.constant 0 : i32
        %lt3A_314 = vector.broadcast %lt3A_313 : i32 to vector<16xi32>
        %lt3A_315 = arith.cmpi slt, %xor3A_4, %lt3A_314 : vector<16xi32>
        %add3A_316 = arith.constant 16 : i32
        %add3A_317 = vector.broadcast %add3A_316 : i32 to vector<16xi32>
        %add3A_318 = arith.addi %xor3A_4, %add3A_317 : vector<16xi32>
        %select_n3A_319 = arith.select %lt3A_315, %add3A_318, %xor3A_4 : vector<16xi1>, vector<16xi32>
        %broadcast_in_dim3A_320 = vector.shape_cast %select_n3A_319 : vector<16xi32> to vector<16x1xi32>
        %gather3A_321 = vector.shape_cast %broadcast_in_dim3A_320 : vector<16x1xi32> to vector<16xi32>
        %gather3A_322 = tpu.dynamic_gather %scan3A_257#10[%gather3A_321] in [0] : vector<16xf32>, vector<16xi32> -> vector<16xf32>
        %add3A_323 = arith.addf %scan3A_257#10, %gather3A_322 : vector<16xf32>
        %select_n3A_324 = arith.select %eq3A_17, %add3A_312, %add3A_323 : vector<16xi1>, vector<16xf32>
        %lt3A_325 = arith.constant 0 : i32
        %lt3A_326 = vector.broadcast %lt3A_325 : i32 to vector<16xi32>
        %lt3A_327 = arith.cmpi slt, %xor3A_4, %lt3A_326 : vector<16xi32>
        %add3A_328 = arith.constant 16 : i32
        %add3A_329 = vector.broadcast %add3A_328 : i32 to vector<16xi32>
        %add3A_330 = arith.addi %xor3A_4, %add3A_329 : vector<16xi32>
        %select_n3A_331 = arith.select %lt3A_327, %add3A_330, %xor3A_4 : vector<16xi1>, vector<16xi32>
        %broadcast_in_dim3A_332 = vector.shape_cast %select_n3A_331 : vector<16xi32> to vector<16x1xi32>
        %gather3A_333 = vector.shape_cast %broadcast_in_dim3A_332 : vector<16x1xi32> to vector<16xi32>
        %gather3A_334 = tpu.dynamic_gather %scan3A_257#3[%gather3A_333] in [0] : vector<16xf32>, vector<16xi32> -> vector<16xf32>
        %add3A_335 = arith.addf %scan3A_257#3, %gather3A_334 : vector<16xf32>
        %lt3A_336 = arith.constant 0 : i32
        %lt3A_337 = vector.broadcast %lt3A_336 : i32 to vector<16xi32>
        %lt3A_338 = arith.cmpi slt, %xor3A_4, %lt3A_337 : vector<16xi32>
        %add3A_339 = arith.constant 16 : i32
        %add3A_340 = vector.broadcast %add3A_339 : i32 to vector<16xi32>
        %add3A_341 = arith.addi %xor3A_4, %add3A_340 : vector<16xi32>
        %select_n3A_342 = arith.select %lt3A_338, %add3A_341, %xor3A_4 : vector<16xi1>, vector<16xi32>
        %broadcast_in_dim3A_343 = vector.shape_cast %select_n3A_342 : vector<16xi32> to vector<16x1xi32>
        %gather3A_344 = vector.shape_cast %broadcast_in_dim3A_343 : vector<16x1xi32> to vector<16xi32>
        %gather3A_345 = tpu.dynamic_gather %scan3A_257#11[%gather3A_344] in [0] : vector<16xf32>, vector<16xi32> -> vector<16xf32>
        %add3A_346 = arith.addf %scan3A_257#11, %gather3A_345 : vector<16xf32>
        %select_n3A_347 = arith.select %eq3A_17, %add3A_335, %add3A_346 : vector<16xi1>, vector<16xf32>
        %lt3A_348 = arith.constant 0 : i32
        %lt3A_349 = vector.broadcast %lt3A_348 : i32 to vector<16xi32>
        %lt3A_350 = arith.cmpi slt, %xor3A_4, %lt3A_349 : vector<16xi32>
        %add3A_351 = arith.constant 16 : i32
        %add3A_352 = vector.broadcast %add3A_351 : i32 to vector<16xi32>
        %add3A_353 = arith.addi %xor3A_4, %add3A_352 : vector<16xi32>
        %select_n3A_354 = arith.select %lt3A_350, %add3A_353, %xor3A_4 : vector<16xi1>, vector<16xi32>
        %broadcast_in_dim3A_355 = vector.shape_cast %select_n3A_354 : vector<16xi32> to vector<16x1xi32>
        %gather3A_356 = vector.shape_cast %broadcast_in_dim3A_355 : vector<16x1xi32> to vector<16xi32>
        %gather3A_357 = tpu.dynamic_gather %scan3A_257#4[%gather3A_356] in [0] : vector<16xf32>, vector<16xi32> -> vector<16xf32>
        %add3A_358 = arith.addf %scan3A_257#4, %gather3A_357 : vector<16xf32>
        %lt3A_359 = arith.constant 0 : i32
        %lt3A_360 = vector.broadcast %lt3A_359 : i32 to vector<16xi32>
        %lt3A_361 = arith.cmpi slt, %xor3A_4, %lt3A_360 : vector<16xi32>
        %add3A_362 = arith.constant 16 : i32
        %add3A_363 = vector.broadcast %add3A_362 : i32 to vector<16xi32>
        %add3A_364 = arith.addi %xor3A_4, %add3A_363 : vector<16xi32>
        %select_n3A_365 = arith.select %lt3A_361, %add3A_364, %xor3A_4 : vector<16xi1>, vector<16xi32>
        %broadcast_in_dim3A_366 = vector.shape_cast %select_n3A_365 : vector<16xi32> to vector<16x1xi32>
        %gather3A_367 = vector.shape_cast %broadcast_in_dim3A_366 : vector<16x1xi32> to vector<16xi32>
        %gather3A_368 = tpu.dynamic_gather %scan3A_257#12[%gather3A_367] in [0] : vector<16xf32>, vector<16xi32> -> vector<16xf32>
        %add3A_369 = arith.addf %scan3A_257#12, %gather3A_368 : vector<16xf32>
        %select_n3A_370 = arith.select %eq3A_17, %add3A_358, %add3A_369 : vector<16xi1>, vector<16xf32>
        %lt3A_371 = arith.constant 0 : i32
        %lt3A_372 = vector.broadcast %lt3A_371 : i32 to vector<16xi32>
        %lt3A_373 = arith.cmpi slt, %xor3A_4, %lt3A_372 : vector<16xi32>
        %add3A_374 = arith.constant 16 : i32
        %add3A_375 = vector.broadcast %add3A_374 : i32 to vector<16xi32>
        %add3A_376 = arith.addi %xor3A_4, %add3A_375 : vector<16xi32>
        %select_n3A_377 = arith.select %lt3A_373, %add3A_376, %xor3A_4 : vector<16xi1>, vector<16xi32>
        %broadcast_in_dim3A_378 = vector.shape_cast %select_n3A_377 : vector<16xi32> to vector<16x1xi32>
        %gather3A_379 = vector.shape_cast %broadcast_in_dim3A_378 : vector<16x1xi32> to vector<16xi32>
        %gather3A_380 = tpu.dynamic_gather %scan3A_257#5[%gather3A_379] in [0] : vector<16xf32>, vector<16xi32> -> vector<16xf32>
        %add3A_381 = arith.addf %scan3A_257#5, %gather3A_380 : vector<16xf32>
        %lt3A_382 = arith.constant 0 : i32
        %lt3A_383 = vector.broadcast %lt3A_382 : i32 to vector<16xi32>
        %lt3A_384 = arith.cmpi slt, %xor3A_4, %lt3A_383 : vector<16xi32>
        %add3A_385 = arith.constant 16 : i32
        %add3A_386 = vector.broadcast %add3A_385 : i32 to vector<16xi32>
        %add3A_387 = arith.addi %xor3A_4, %add3A_386 : vector<16xi32>
        %select_n3A_388 = arith.select %lt3A_384, %add3A_387, %xor3A_4 : vector<16xi1>, vector<16xi32>
        %broadcast_in_dim3A_389 = vector.shape_cast %select_n3A_388 : vector<16xi32> to vector<16x1xi32>
        %gather3A_390 = vector.shape_cast %broadcast_in_dim3A_389 : vector<16x1xi32> to vector<16xi32>
        %gather3A_391 = tpu.dynamic_gather %scan3A_257#13[%gather3A_390] in [0] : vector<16xf32>, vector<16xi32> -> vector<16xf32>
        %add3A_392 = arith.addf %scan3A_257#13, %gather3A_391 : vector<16xf32>
        %select_n3A_393 = arith.select %eq3A_17, %add3A_381, %add3A_392 : vector<16xi1>, vector<16xf32>
        %lt3A_394 = arith.constant 0 : i32
        %lt3A_395 = vector.broadcast %lt3A_394 : i32 to vector<16xi32>
        %lt3A_396 = arith.cmpi slt, %xor3A_4, %lt3A_395 : vector<16xi32>
        %add3A_397 = arith.constant 16 : i32
        %add3A_398 = vector.broadcast %add3A_397 : i32 to vector<16xi32>
        %add3A_399 = arith.addi %xor3A_4, %add3A_398 : vector<16xi32>
        %select_n3A_400 = arith.select %lt3A_396, %add3A_399, %xor3A_4 : vector<16xi1>, vector<16xi32>
        %broadcast_in_dim3A_401 = vector.shape_cast %select_n3A_400 : vector<16xi32> to vector<16x1xi32>
        %gather3A_402 = vector.shape_cast %broadcast_in_dim3A_401 : vector<16x1xi32> to vector<16xi32>
        %gather3A_403 = tpu.dynamic_gather %scan3A_257#6[%gather3A_402] in [0] : vector<16xf32>, vector<16xi32> -> vector<16xf32>
        %add3A_404 = arith.addf %scan3A_257#6, %gather3A_403 : vector<16xf32>
        %lt3A_405 = arith.constant 0 : i32
        %lt3A_406 = vector.broadcast %lt3A_405 : i32 to vector<16xi32>
        %lt3A_407 = arith.cmpi slt, %xor3A_4, %lt3A_406 : vector<16xi32>
        %add3A_408 = arith.constant 16 : i32
        %add3A_409 = vector.broadcast %add3A_408 : i32 to vector<16xi32>
        %add3A_410 = arith.addi %xor3A_4, %add3A_409 : vector<16xi32>
        %select_n3A_411 = arith.select %lt3A_407, %add3A_410, %xor3A_4 : vector<16xi1>, vector<16xi32>
        %broadcast_in_dim3A_412 = vector.shape_cast %select_n3A_411 : vector<16xi32> to vector<16x1xi32>
        %gather3A_413 = vector.shape_cast %broadcast_in_dim3A_412 : vector<16x1xi32> to vector<16xi32>
        %gather3A_414 = tpu.dynamic_gather %scan3A_257#14[%gather3A_413] in [0] : vector<16xf32>, vector<16xi32> -> vector<16xf32>
        %add3A_415 = arith.addf %scan3A_257#14, %gather3A_414 : vector<16xf32>
        %select_n3A_416 = arith.select %eq3A_17, %add3A_404, %add3A_415 : vector<16xi1>, vector<16xf32>
        %lt3A_417 = arith.constant 0 : i32
        %lt3A_418 = vector.broadcast %lt3A_417 : i32 to vector<16xi32>
        %lt3A_419 = arith.cmpi slt, %xor3A_4, %lt3A_418 : vector<16xi32>
        %add3A_420 = arith.constant 16 : i32
        %add3A_421 = vector.broadcast %add3A_420 : i32 to vector<16xi32>
        %add3A_422 = arith.addi %xor3A_4, %add3A_421 : vector<16xi32>
        %select_n3A_423 = arith.select %lt3A_419, %add3A_422, %xor3A_4 : vector<16xi1>, vector<16xi32>
        %broadcast_in_dim3A_424 = vector.shape_cast %select_n3A_423 : vector<16xi32> to vector<16x1xi32>
        %gather3A_425 = vector.shape_cast %broadcast_in_dim3A_424 : vector<16x1xi32> to vector<16xi32>
        %gather3A_426 = tpu.dynamic_gather %scan3A_257#7[%gather3A_425] in [0] : vector<16xf32>, vector<16xi32> -> vector<16xf32>
        %add3A_427 = arith.addf %scan3A_257#7, %gather3A_426 : vector<16xf32>
        %lt3A_428 = arith.constant 0 : i32
        %lt3A_429 = vector.broadcast %lt3A_428 : i32 to vector<16xi32>
        %lt3A_430 = arith.cmpi slt, %xor3A_4, %lt3A_429 : vector<16xi32>
        %add3A_431 = arith.constant 16 : i32
        %add3A_432 = vector.broadcast %add3A_431 : i32 to vector<16xi32>
        %add3A_433 = arith.addi %xor3A_4, %add3A_432 : vector<16xi32>
        %select_n3A_434 = arith.select %lt3A_430, %add3A_433, %xor3A_4 : vector<16xi1>, vector<16xi32>
        %broadcast_in_dim3A_435 = vector.shape_cast %select_n3A_434 : vector<16xi32> to vector<16x1xi32>
        %gather3A_436 = vector.shape_cast %broadcast_in_dim3A_435 : vector<16x1xi32> to vector<16xi32>
        %gather3A_437 = tpu.dynamic_gather %scan3A_257#15[%gather3A_436] in [0] : vector<16xf32>, vector<16xi32> -> vector<16xf32>
        %add3A_438 = arith.addf %scan3A_257#15, %gather3A_437 : vector<16xf32>
        %select_n3A_439 = arith.select %eq3A_17, %add3A_427, %add3A_438 : vector<16xi1>, vector<16xf32>
        %lt3A_440 = arith.constant 0 : i32
        %lt3A_441 = vector.broadcast %lt3A_440 : i32 to vector<16xi32>
        %lt3A_442 = arith.cmpi slt, %xor3A_7, %lt3A_441 : vector<16xi32>
        %add3A_443 = arith.constant 16 : i32
        %add3A_444 = vector.broadcast %add3A_443 : i32 to vector<16xi32>
        %add3A_445 = arith.addi %xor3A_7, %add3A_444 : vector<16xi32>
        %select_n3A_446 = arith.select %lt3A_442, %add3A_445, %xor3A_7 : vector<16xi1>, vector<16xi32>
        %broadcast_in_dim3A_447 = vector.shape_cast %select_n3A_446 : vector<16xi32> to vector<16x1xi32>
        %gather3A_448 = vector.shape_cast %broadcast_in_dim3A_447 : vector<16x1xi32> to vector<16xi32>
        %gather3A_449 = tpu.dynamic_gather %select_n3A_278[%gather3A_448] in [0] : vector<16xf32>, vector<16xi32> -> vector<16xf32>
        %add3A_450 = arith.addf %select_n3A_278, %gather3A_449 : vector<16xf32>
        %lt3A_451 = arith.constant 0 : i32
        %lt3A_452 = vector.broadcast %lt3A_451 : i32 to vector<16xi32>
        %lt3A_453 = arith.cmpi slt, %xor3A_7, %lt3A_452 : vector<16xi32>
        %add3A_454 = arith.constant 16 : i32
        %add3A_455 = vector.broadcast %add3A_454 : i32 to vector<16xi32>
        %add3A_456 = arith.addi %xor3A_7, %add3A_455 : vector<16xi32>
        %select_n3A_457 = arith.select %lt3A_453, %add3A_456, %xor3A_7 : vector<16xi1>, vector<16xi32>
        %broadcast_in_dim3A_458 = vector.shape_cast %select_n3A_457 : vector<16xi32> to vector<16x1xi32>
        %gather3A_459 = vector.shape_cast %broadcast_in_dim3A_458 : vector<16x1xi32> to vector<16xi32>
        %gather3A_460 = tpu.dynamic_gather %select_n3A_370[%gather3A_459] in [0] : vector<16xf32>, vector<16xi32> -> vector<16xf32>
        %add3A_461 = arith.addf %select_n3A_370, %gather3A_460 : vector<16xf32>
        %select_n3A_462 = arith.select %eq3A_23, %add3A_450, %add3A_461 : vector<16xi1>, vector<16xf32>
        %lt3A_463 = arith.constant 0 : i32
        %lt3A_464 = vector.broadcast %lt3A_463 : i32 to vector<16xi32>
        %lt3A_465 = arith.cmpi slt, %xor3A_7, %lt3A_464 : vector<16xi32>
        %add3A_466 = arith.constant 16 : i32
        %add3A_467 = vector.broadcast %add3A_466 : i32 to vector<16xi32>
        %add3A_468 = arith.addi %xor3A_7, %add3A_467 : vector<16xi32>
        %select_n3A_469 = arith.select %lt3A_465, %add3A_468, %xor3A_7 : vector<16xi1>, vector<16xi32>
        %broadcast_in_dim3A_470 = vector.shape_cast %select_n3A_469 : vector<16xi32> to vector<16x1xi32>
        %gather3A_471 = vector.shape_cast %broadcast_in_dim3A_470 : vector<16x1xi32> to vector<16xi32>
        %gather3A_472 = tpu.dynamic_gather %select_n3A_301[%gather3A_471] in [0] : vector<16xf32>, vector<16xi32> -> vector<16xf32>
        %add3A_473 = arith.addf %select_n3A_301, %gather3A_472 : vector<16xf32>
        %lt3A_474 = arith.constant 0 : i32
        %lt3A_475 = vector.broadcast %lt3A_474 : i32 to vector<16xi32>
        %lt3A_476 = arith.cmpi slt, %xor3A_7, %lt3A_475 : vector<16xi32>
        %add3A_477 = arith.constant 16 : i32
        %add3A_478 = vector.broadcast %add3A_477 : i32 to vector<16xi32>
        %add3A_479 = arith.addi %xor3A_7, %add3A_478 : vector<16xi32>
        %select_n3A_480 = arith.select %lt3A_476, %add3A_479, %xor3A_7 : vector<16xi1>, vector<16xi32>
        %broadcast_in_dim3A_481 = vector.shape_cast %select_n3A_480 : vector<16xi32> to vector<16x1xi32>
        %gather3A_482 = vector.shape_cast %broadcast_in_dim3A_481 : vector<16x1xi32> to vector<16xi32>
        %gather3A_483 = tpu.dynamic_gather %select_n3A_393[%gather3A_482] in [0] : vector<16xf32>, vector<16xi32> -> vector<16xf32>
        %add3A_484 = arith.addf %select_n3A_393, %gather3A_483 : vector<16xf32>
        %select_n3A_485 = arith.select %eq3A_23, %add3A_473, %add3A_484 : vector<16xi1>, vector<16xf32>
        %lt3A_486 = arith.constant 0 : i32
        %lt3A_487 = vector.broadcast %lt3A_486 : i32 to vector<16xi32>
        %lt3A_488 = arith.cmpi slt, %xor3A_7, %lt3A_487 : vector<16xi32>
        %add3A_489 = arith.constant 16 : i32
        %add3A_490 = vector.broadcast %add3A_489 : i32 to vector<16xi32>
        %add3A_491 = arith.addi %xor3A_7, %add3A_490 : vector<16xi32>
        %select_n3A_492 = arith.select %lt3A_488, %add3A_491, %xor3A_7 : vector<16xi1>, vector<16xi32>
        %broadcast_in_dim3A_493 = vector.shape_cast %select_n3A_492 : vector<16xi32> to vector<16x1xi32>
        %gather3A_494 = vector.shape_cast %broadcast_in_dim3A_493 : vector<16x1xi32> to vector<16xi32>
        %gather3A_495 = tpu.dynamic_gather %select_n3A_324[%gather3A_494] in [0] : vector<16xf32>, vector<16xi32> -> vector<16xf32>
        %add3A_496 = arith.addf %select_n3A_324, %gather3A_495 : vector<16xf32>
        %lt3A_497 = arith.constant 0 : i32
        %lt3A_498 = vector.broadcast %lt3A_497 : i32 to vector<16xi32>
        %lt3A_499 = arith.cmpi slt, %xor3A_7, %lt3A_498 : vector<16xi32>
        %add3A_500 = arith.constant 16 : i32
        %add3A_501 = vector.broadcast %add3A_500 : i32 to vector<16xi32>
        %add3A_502 = arith.addi %xor3A_7, %add3A_501 : vector<16xi32>
        %select_n3A_503 = arith.select %lt3A_499, %add3A_502, %xor3A_7 : vector<16xi1>, vector<16xi32>
        %broadcast_in_dim3A_504 = vector.shape_cast %select_n3A_503 : vector<16xi32> to vector<16x1xi32>
        %gather3A_505 = vector.shape_cast %broadcast_in_dim3A_504 : vector<16x1xi32> to vector<16xi32>
        %gather3A_506 = tpu.dynamic_gather %select_n3A_416[%gather3A_505] in [0] : vector<16xf32>, vector<16xi32> -> vector<16xf32>
        %add3A_507 = arith.addf %select_n3A_416, %gather3A_506 : vector<16xf32>
        %select_n3A_508 = arith.select %eq3A_23, %add3A_496, %add3A_507 : vector<16xi1>, vector<16xf32>
        %lt3A_509 = arith.constant 0 : i32
        %lt3A_510 = vector.broadcast %lt3A_509 : i32 to vector<16xi32>
        %lt3A_511 = arith.cmpi slt, %xor3A_7, %lt3A_510 : vector<16xi32>
        %add3A_512 = arith.constant 16 : i32
        %add3A_513 = vector.broadcast %add3A_512 : i32 to vector<16xi32>
        %add3A_514 = arith.addi %xor3A_7, %add3A_513 : vector<16xi32>
        %select_n3A_515 = arith.select %lt3A_511, %add3A_514, %xor3A_7 : vector<16xi1>, vector<16xi32>
        %broadcast_in_dim3A_516 = vector.shape_cast %select_n3A_515 : vector<16xi32> to vector<16x1xi32>
        %gather3A_517 = vector.shape_cast %broadcast_in_dim3A_516 : vector<16x1xi32> to vector<16xi32>
        %gather3A_518 = tpu.dynamic_gather %select_n3A_347[%gather3A_517] in [0] : vector<16xf32>, vector<16xi32> -> vector<16xf32>
        %add3A_519 = arith.addf %select_n3A_347, %gather3A_518 : vector<16xf32>
        %lt3A_520 = arith.constant 0 : i32
        %lt3A_521 = vector.broadcast %lt3A_520 : i32 to vector<16xi32>
        %lt3A_522 = arith.cmpi slt, %xor3A_7, %lt3A_521 : vector<16xi32>
        %add3A_523 = arith.constant 16 : i32
        %add3A_524 = vector.broadcast %add3A_523 : i32 to vector<16xi32>
        %add3A_525 = arith.addi %xor3A_7, %add3A_524 : vector<16xi32>
        %select_n3A_526 = arith.select %lt3A_522, %add3A_525, %xor3A_7 : vector<16xi1>, vector<16xi32>
        %broadcast_in_dim3A_527 = vector.shape_cast %select_n3A_526 : vector<16xi32> to vector<16x1xi32>
        %gather3A_528 = vector.shape_cast %broadcast_in_dim3A_527 : vector<16x1xi32> to vector<16xi32>
        %gather3A_529 = tpu.dynamic_gather %select_n3A_439[%gather3A_528] in [0] : vector<16xf32>, vector<16xi32> -> vector<16xf32>
        %add3A_530 = arith.addf %select_n3A_439, %gather3A_529 : vector<16xf32>
        %select_n3A_531 = arith.select %eq3A_23, %add3A_519, %add3A_530 : vector<16xi1>, vector<16xf32>
        %lt3A_532 = arith.constant 0 : i32
        %lt3A_533 = vector.broadcast %lt3A_532 : i32 to vector<16xi32>
        %lt3A_534 = arith.cmpi slt, %xor3A_10, %lt3A_533 : vector<16xi32>
        %add3A_535 = arith.constant 16 : i32
        %add3A_536 = vector.broadcast %add3A_535 : i32 to vector<16xi32>
        %add3A_537 = arith.addi %xor3A_10, %add3A_536 : vector<16xi32>
        %select_n3A_538 = arith.select %lt3A_534, %add3A_537, %xor3A_10 : vector<16xi1>, vector<16xi32>
        %broadcast_in_dim3A_539 = vector.shape_cast %select_n3A_538 : vector<16xi32> to vector<16x1xi32>
        %gather3A_540 = vector.shape_cast %broadcast_in_dim3A_539 : vector<16x1xi32> to vector<16xi32>
        %gather3A_541 = tpu.dynamic_gather %select_n3A_462[%gather3A_540] in [0] : vector<16xf32>, vector<16xi32> -> vector<16xf32>
        %add3A_542 = arith.addf %select_n3A_462, %gather3A_541 : vector<16xf32>
        %lt3A_543 = arith.constant 0 : i32
        %lt3A_544 = vector.broadcast %lt3A_543 : i32 to vector<16xi32>
        %lt3A_545 = arith.cmpi slt, %xor3A_10, %lt3A_544 : vector<16xi32>
        %add3A_546 = arith.constant 16 : i32
        %add3A_547 = vector.broadcast %add3A_546 : i32 to vector<16xi32>
        %add3A_548 = arith.addi %xor3A_10, %add3A_547 : vector<16xi32>
        %select_n3A_549 = arith.select %lt3A_545, %add3A_548, %xor3A_10 : vector<16xi1>, vector<16xi32>
        %broadcast_in_dim3A_550 = vector.shape_cast %select_n3A_549 : vector<16xi32> to vector<16x1xi32>
        %gather3A_551 = vector.shape_cast %broadcast_in_dim3A_550 : vector<16x1xi32> to vector<16xi32>
        %gather3A_552 = tpu.dynamic_gather %select_n3A_508[%gather3A_551] in [0] : vector<16xf32>, vector<16xi32> -> vector<16xf32>
        %add3A_553 = arith.addf %select_n3A_508, %gather3A_552 : vector<16xf32>
        %select_n3A_554 = arith.select %eq3A_29, %add3A_542, %add3A_553 : vector<16xi1>, vector<16xf32>
        %lt3A_555 = arith.constant 0 : i32
        %lt3A_556 = vector.broadcast %lt3A_555 : i32 to vector<16xi32>
        %lt3A_557 = arith.cmpi slt, %xor3A_10, %lt3A_556 : vector<16xi32>
        %add3A_558 = arith.constant 16 : i32
        %add3A_559 = vector.broadcast %add3A_558 : i32 to vector<16xi32>
        %add3A_560 = arith.addi %xor3A_10, %add3A_559 : vector<16xi32>
        %select_n3A_561 = arith.select %lt3A_557, %add3A_560, %xor3A_10 : vector<16xi1>, vector<16xi32>
        %broadcast_in_dim3A_562 = vector.shape_cast %select_n3A_561 : vector<16xi32> to vector<16x1xi32>
        %gather3A_563 = vector.shape_cast %broadcast_in_dim3A_562 : vector<16x1xi32> to vector<16xi32>
        %gather3A_564 = tpu.dynamic_gather %select_n3A_485[%gather3A_563] in [0] : vector<16xf32>, vector<16xi32> -> vector<16xf32>
        %add3A_565 = arith.addf %select_n3A_485, %gather3A_564 : vector<16xf32>
        %lt3A_566 = arith.constant 0 : i32
        %lt3A_567 = vector.broadcast %lt3A_566 : i32 to vector<16xi32>
        %lt3A_568 = arith.cmpi slt, %xor3A_10, %lt3A_567 : vector<16xi32>
        %add3A_569 = arith.constant 16 : i32
        %add3A_570 = vector.broadcast %add3A_569 : i32 to vector<16xi32>
        %add3A_571 = arith.addi %xor3A_10, %add3A_570 : vector<16xi32>
        %select_n3A_572 = arith.select %lt3A_568, %add3A_571, %xor3A_10 : vector<16xi1>, vector<16xi32>
        %broadcast_in_dim3A_573 = vector.shape_cast %select_n3A_572 : vector<16xi32> to vector<16x1xi32>
        %gather3A_574 = vector.shape_cast %broadcast_in_dim3A_573 : vector<16x1xi32> to vector<16xi32>
        %gather3A_575 = tpu.dynamic_gather %select_n3A_531[%gather3A_574] in [0] : vector<16xf32>, vector<16xi32> -> vector<16xf32>
        %add3A_576 = arith.addf %select_n3A_531, %gather3A_575 : vector<16xf32>
        %select_n3A_577 = arith.select %eq3A_29, %add3A_565, %add3A_576 : vector<16xi1>, vector<16xf32>
        %lt3A_578 = arith.constant 0 : i32
        %lt3A_579 = vector.broadcast %lt3A_578 : i32 to vector<16xi32>
        %lt3A_580 = arith.cmpi slt, %xor3A_13, %lt3A_579 : vector<16xi32>
        %add3A_581 = arith.constant 16 : i32
        %add3A_582 = vector.broadcast %add3A_581 : i32 to vector<16xi32>
        %add3A_583 = arith.addi %xor3A_13, %add3A_582 : vector<16xi32>
        %select_n3A_584 = arith.select %lt3A_580, %add3A_583, %xor3A_13 : vector<16xi1>, vector<16xi32>
        %broadcast_in_dim3A_585 = vector.shape_cast %select_n3A_584 : vector<16xi32> to vector<16x1xi32>
        %gather3A_586 = vector.shape_cast %broadcast_in_dim3A_585 : vector<16x1xi32> to vector<16xi32>
        %gather3A_587 = tpu.dynamic_gather %select_n3A_554[%gather3A_586] in [0] : vector<16xf32>, vector<16xi32> -> vector<16xf32>
        %add3A_588 = arith.addf %select_n3A_554, %gather3A_587 : vector<16xf32>
        %lt3A_589 = arith.constant 0 : i32
        %lt3A_590 = vector.broadcast %lt3A_589 : i32 to vector<16xi32>
        %lt3A_591 = arith.cmpi slt, %xor3A_13, %lt3A_590 : vector<16xi32>
        %add3A_592 = arith.constant 16 : i32
        %add3A_593 = vector.broadcast %add3A_592 : i32 to vector<16xi32>
        %add3A_594 = arith.addi %xor3A_13, %add3A_593 : vector<16xi32>
        %select_n3A_595 = arith.select %lt3A_591, %add3A_594, %xor3A_13 : vector<16xi1>, vector<16xi32>
        %broadcast_in_dim3A_596 = vector.shape_cast %select_n3A_595 : vector<16xi32> to vector<16x1xi32>
        %gather3A_597 = vector.shape_cast %broadcast_in_dim3A_596 : vector<16x1xi32> to vector<16xi32>
        %gather3A_598 = tpu.dynamic_gather %select_n3A_577[%gather3A_597] in [0] : vector<16xf32>, vector<16xi32> -> vector<16xf32>
        %add3A_599 = arith.addf %select_n3A_577, %gather3A_598 : vector<16xf32>
        %select_n3A_600 = arith.select %eq3A_35, %add3A_588, %add3A_599 : vector<16xi1>, vector<16xf32>
        %swap3A = arith.index_cast %mul3A_221 : i32 to index
        %swap3A_601 = tpu.vector_load %arg16[%swap3A] {strides = array<i32>} : memref<80xf32, #tpu.memory_space<vmem>>, vector<16xf32>,
        %swap3A_602 = vector.shape_cast %swap3A_601 : vector<16xf32> to vector<16xf32>
        %swap3A_603 = vector.shape_cast %select_n3A_600 : vector<16xf32> to vector<16xf32>
        tpu.vector_store %arg16[%swap3A], %swap3A_603 {strides = array<i32>} : memref<80xf32, #tpu.memory_space<vmem>>, vector<16xf32>,
      }
      %scan3A_163 = arith.constant 5 : i32
      %mul3A_164 = arith.constant 80 : i32
      %mul3A_165 = arith.muli %mul3A_122, %mul3A_164 : i32
      %add3A_166 = arith.addi %mul3A_2, %mul3A_165 : i32
      %dma_start3A_167 = tpu.memref_slice %arg6[%add3A_166] : memref<320000xf32, #tpu.memory_space<hbm>> -> memref<80xf32, #tpu.memory_space<hbm>>
      %dma_start3A_168 = tpu.memref_slice %arg6[%add3A_166] : memref<320000xf32, #tpu.memory_space<hbm>> -> memref<80xf32, #tpu.memory_space<hbm>>
      tpu.enqueue_dma source(%arg16 : memref<80xf32, #tpu.memory_space<vmem>>) target(%dma_start3A_168 : memref<80xf32, #tpu.memory_space<hbm>>) target_semaphore(%arg24 : memref<!tpu.dma_semaphore, #tpu.memory_space<semaphore_mem>>)
      %add3A_169 = arith.constant 2 : i32
      %add3A_170 = arith.addi %mul3A_122, %add3A_169 : i32
      %mul3A_171 = arith.constant 80 : i32
      %mul3A_172 = arith.muli %add3A_170, %mul3A_171 : i32
      %add3A_173 = arith.addi %mul3A_2, %mul3A_172 : i32
      %dma_wait3A_174 = tpu.memref_slice %arg4[%add3A_173] : memref<320000xi32, #tpu.memory_space<hbm>> -> memref<80xi32, #tpu.memory_space<hbm>>
      %dma_wait3A_175 = tpu.memref_slice %arg4[%add3A_173] : memref<320000xi32, #tpu.memory_space<hbm>> -> memref<80xi32, #tpu.memory_space<hbm>>
      tpu.wait_dma2 semaphore(%arg22 : memref<!tpu.dma_semaphore, #tpu.memory_space<semaphore_mem>>) src(%dma_wait3A_175 : memref<80xi32, #tpu.memory_space<hbm>>) dst(%arg8 : memref<80xi32, #tpu.memory_space<vmem>>)
      %dma_wait3A_176 = tpu.memref_slice %arg5[%add3A_173] : memref<320000xi32, #tpu.memory_space<hbm>> -> memref<80xi32, #tpu.memory_space<hbm>>
      %dma_wait3A_177 = tpu.memref_slice %arg5[%add3A_173] : memref<320000xi32, #tpu.memory_space<hbm>> -> memref<80xi32, #tpu.memory_space<hbm>>
      tpu.wait_dma2 semaphore(%arg22 : memref<!tpu.dma_semaphore, #tpu.memory_space<semaphore_mem>>) src(%dma_wait3A_177 : memref<80xi32, #tpu.memory_space<hbm>>) dst(%arg9 : memref<80xi32, #tpu.memory_space<vmem>>)
      %dma_start3A_178 = arith.constant 0 : i32
      %dma_start3A_179 = arith.constant 0 : i32
      %dma_start3A_180 = tpu.memref_slice %arg7[%dma_start3A_178, %dma_start3A_179] : memref<10000x128xf32, #tpu.memory_space<vmem_shared>> -> memref<10000x128xf32, #tpu.memory_space<vmem_shared>>
      tpu.enqueue_indirect_dma source(%dma_start3A_180 : memref<10000x128xf32, #tpu.memory_space<vmem_shared>>) target(%arg12 : memref<80x128xf32, #tpu.memory_space<vmem>>) offsets(%arg8 : memref<80xi32, #tpu.memory_space<vmem>>) semaphore(%arg18 : memref<!tpu.dma_semaphore, #tpu.memory_space<semaphore_mem>>)
      %dma_start3A_181 = arith.constant 0 : i32
      %dma_start3A_182 = arith.constant 0 : i32
      %dma_start3A_183 = tpu.memref_slice %arg3[%dma_start3A_181, %dma_start3A_182] : memref<10000x128xf32, #tpu.memory_space<hbm>> -> memref<10000x128xf32, #tpu.memory_space<hbm>>
      tpu.enqueue_indirect_dma source(%dma_start3A_183 : memref<10000x128xf32, #tpu.memory_space<hbm>>) target(%arg13 : memref<80x128xf32, #tpu.memory_space<vmem>>) offsets(%arg9 : memref<80xi32, #tpu.memory_space<vmem>>) semaphore(%arg19 : memref<!tpu.dma_semaphore, #tpu.memory_space<semaphore_mem>>)
      %add3A_184 = arith.constant 1 : i32
      %add3A_185 = arith.addi %mul3A_122, %add3A_184 : i32
      %add3A_186 = arith.constant 3 : i32
      %add3A_187 = arith.addi %mul3A_122, %add3A_186 : i32
      %min3A_188 = arith.constant 124 : i32
      %min3A_189 = arith.minsi %add3A_187, %min3A_188 : i32
      %dma_wait3A_190 = arith.constant 0 : i32
      %dma_wait3A_191 = arith.constant 0 : i32
      %dma_wait3A_192 = tpu.memref_slice %arg2[%dma_wait3A_190, %dma_wait3A_191] : memref<10000x128xf32, #tpu.memory_space<hbm>> -> memref<10000x128xf32, #tpu.memory_space<hbm>>
      tpu.wait_indirect_dma semaphore(%arg20 : memref<!tpu.dma_semaphore, #tpu.memory_space<semaphore_mem>>) src(%dma_wait3A_192 : memref<10000x128xf32, #tpu.memory_space<hbm>>) dst(%arg14 : memref<80x128xf32, #tpu.memory_space<vmem>>)
      %dma_wait3A_193 = arith.constant 0 : i32
      %dma_wait3A_194 = arith.constant 0 : i32
      %dma_wait3A_195 = tpu.memref_slice %arg3[%dma_wait3A_193, %dma_wait3A_194] : memref<10000x128xf32, #tpu.memory_space<hbm>> -> memref<10000x128xf32, #tpu.memory_space<hbm>>
      tpu.wait_indirect_dma semaphore(%arg21 : memref<!tpu.dma_semaphore, #tpu.memory_space<semaphore_mem>>) src(%dma_wait3A_195 : memref<10000x128xf32, #tpu.memory_space<hbm>>) dst(%arg15 : memref<80x128xf32, #tpu.memory_space<vmem>>)
      %mul3A_196 = arith.constant 80 : i32
      %mul3A_197 = arith.muli %min3A_189, %mul3A_196 : i32
      %add3A_198 = arith.addi %mul3A_2, %mul3A_197 : i32
      %dma_start3A_199 = tpu.memref_slice %arg4[%add3A_198] : memref<320000xi32, #tpu.memory_space<hbm>> -> memref<80xi32, #tpu.memory_space<hbm>>
      %dma_start3A_200 = tpu.memref_slice %arg4[%add3A_198] : memref<320000xi32, #tpu.memory_space<hbm>> -> memref<80xi32, #tpu.memory_space<hbm>>
      tpu.enqueue_dma source(%dma_start3A_200 : memref<80xi32, #tpu.memory_space<hbm>>) target(%arg10 : memref<80xi32, #tpu.memory_space<vmem>>) target_semaphore(%arg23 : memref<!tpu.dma_semaphore, #tpu.memory_space<semaphore_mem>>)
      %dma_start3A_201 = tpu.memref_slice %arg5[%add3A_198] : memref<320000xi32, #tpu.memory_space<hbm>> -> memref<80xi32, #tpu.memory_space<hbm>>
      %dma_start3A_202 = tpu.memref_slice %arg5[%add3A_198] : memref<320000xi32, #tpu.memory_space<hbm>> -> memref<80xi32, #tpu.memory_space<hbm>>
      tpu.enqueue_dma source(%dma_start3A_202 : memref<80xi32, #tpu.memory_space<hbm>>) target(%arg11 : memref<80xi32, #tpu.memory_space<vmem>>) target_semaphore(%arg23 : memref<!tpu.dma_semaphore, #tpu.memory_space<semaphore_mem>>)
      %mul3A_203 = arith.constant 80 : i32
      %mul3A_204 = arith.muli %add3A_185, %mul3A_203 : i32
      %add3A_205 = arith.addi %mul3A_2, %mul3A_204 : i32
      %dma_wait3A_206 = tpu.memref_slice %arg6[%add3A_205] : memref<320000xf32, #tpu.memory_space<hbm>> -> memref<80xf32, #tpu.memory_space<hbm>>
      %dma_wait3A_207 = tpu.memref_slice %arg6[%add3A_205] : memref<320000xf32, #tpu.memory_space<hbm>> -> memref<80xf32, #tpu.memory_space<hbm>>
      tpu.wait_dma2 semaphore(%arg25 : memref<!tpu.dma_semaphore, #tpu.memory_space<semaphore_mem>>) src(%arg17 : memref<80xf32, #tpu.memory_space<vmem>>) dst(%dma_wait3A_207 : memref<80xf32, #tpu.memory_space<hbm>>)
      %scan3A_208 = arith.constant 0 : i32
      %scan3A_209 = arith.constant 0 : i32
      %scan3A_210 = arith.constant 5 : i32
      %scan3A_211 = arith.addi %scan3A_209, %scan3A_210 : i32
      %scan3A_212 = arith.constant 1 : i32
      scf.for %scan3A_219 = %scan3A_209 to %scan3A_211 step %scan3A_212  : i32 {
        %mul3A_220 = arith.constant 16 : i32
        %mul3A_221 = arith.muli %scan3A_219, %mul3A_220 : i32
        %broadcast_in_dim3A = arith.constant 0.000000e+00 : f32
        %broadcast_in_dim3A_222 = vector.broadcast %broadcast_in_dim3A : f32 to vector<16xf32>
        %broadcast_in_dim3A_223 = arith.constant 0.000000e+00 : f32
        %broadcast_in_dim3A_224 = vector.broadcast %broadcast_in_dim3A_223 : f32 to vector<16xf32>
        %broadcast_in_dim3A_225 = arith.constant 0.000000e+00 : f32
        %broadcast_in_dim3A_226 = vector.broadcast %broadcast_in_dim3A_225 : f32 to vector<16xf32>
        %broadcast_in_dim3A_227 = arith.constant 0.000000e+00 : f32
        %broadcast_in_dim3A_228 = vector.broadcast %broadcast_in_dim3A_227 : f32 to vector<16xf32>
        %broadcast_in_dim3A_229 = arith.constant 0.000000e+00 : f32
        %broadcast_in_dim3A_230 = vector.broadcast %broadcast_in_dim3A_229 : f32 to vector<16xf32>
        %broadcast_in_dim3A_231 = arith.constant 0.000000e+00 : f32
        %broadcast_in_dim3A_232 = vector.broadcast %broadcast_in_dim3A_231 : f32 to vector<16xf32>
        %broadcast_in_dim3A_233 = arith.constant 0.000000e+00 : f32
        %broadcast_in_dim3A_234 = vector.broadcast %broadcast_in_dim3A_233 : f32 to vector<16xf32>
        %broadcast_in_dim3A_235 = arith.constant 0.000000e+00 : f32
        %broadcast_in_dim3A_236 = vector.broadcast %broadcast_in_dim3A_235 : f32 to vector<16xf32>
        %broadcast_in_dim3A_237 = arith.constant 0.000000e+00 : f32
        %broadcast_in_dim3A_238 = vector.broadcast %broadcast_in_dim3A_237 : f32 to vector<16xf32>
        %broadcast_in_dim3A_239 = arith.constant 0.000000e+00 : f32
        %broadcast_in_dim3A_240 = vector.broadcast %broadcast_in_dim3A_239 : f32 to vector<16xf32>
        %broadcast_in_dim3A_241 = arith.constant 0.000000e+00 : f32
        %broadcast_in_dim3A_242 = vector.broadcast %broadcast_in_dim3A_241 : f32 to vector<16xf32>
        %broadcast_in_dim3A_243 = arith.constant 0.000000e+00 : f32
        %broadcast_in_dim3A_244 = vector.broadcast %broadcast_in_dim3A_243 : f32 to vector<16xf32>
        %broadcast_in_dim3A_245 = arith.constant 0.000000e+00 : f32
        %broadcast_in_dim3A_246 = vector.broadcast %broadcast_in_dim3A_245 : f32 to vector<16xf32>
        %broadcast_in_dim3A_247 = arith.constant 0.000000e+00 : f32
        %broadcast_in_dim3A_248 = vector.broadcast %broadcast_in_dim3A_247 : f32 to vector<16xf32>
        %broadcast_in_dim3A_249 = arith.constant 0.000000e+00 : f32
        %broadcast_in_dim3A_250 = vector.broadcast %broadcast_in_dim3A_249 : f32 to vector<16xf32>
        %broadcast_in_dim3A_251 = arith.constant 0.000000e+00 : f32
        %broadcast_in_dim3A_252 = vector.broadcast %broadcast_in_dim3A_251 : f32 to vector<16xf32>
        %scan3A_253 = arith.constant 0 : i32
        %scan3A_254 = arith.constant 8 : i32
        %scan3A_255 = arith.addi %scan3A_253, %scan3A_254 : i32
        %scan3A_256 = arith.constant 1 : i32
        %scan3A_257:16 = scf.for %scan3A_604 = %scan3A_253 to %scan3A_255 step %scan3A_256 iter_args(%scan3A_605 = %broadcast_in_dim3A_222, %scan3A_606 = %broadcast_in_dim3A_224, %scan3A_607 = %broadcast_in_dim3A_226, %scan3A_608 = %broadcast_in_dim3A_228, %scan3A_609 = %broadcast_in_dim3A_230, %scan3A_610 = %broadcast_in_dim3A_232, %scan3A_611 = %broadcast_in_dim3A_234, %scan3A_612 = %broadcast_in_dim3A_236, %scan3A_613 = %broadcast_in_dim3A_238, %scan3A_614 = %broadcast_in_dim3A_240, %scan3A_615 = %broadcast_in_dim3A_242, %scan3A_616 = %broadcast_in_dim3A_244, %scan3A_617 = %broadcast_in_dim3A_246, %scan3A_618 = %broadcast_in_dim3A_248, %scan3A_619 = %broadcast_in_dim3A_250, %scan3A_620 = %broadcast_in_dim3A_252) -> (vector<16xf32>, vector<16xf32>, vector<16xf32>, vector<16xf32>, vector<16xf32>, vector<16xf32>, vector<16xf32>, vector<16xf32>, vector<16xf32>, vector<16xf32>, vector<16xf32>, vector<16xf32>, vector<16xf32>, vector<16xf32>, vector<16xf32>, vector<16xf32>)  : i32 {
          %add3A_621 = arith.constant 0 : i32
          %add3A_622 = arith.addi %mul3A_221, %add3A_621 : i32
          %mul3A_623 = arith.constant 16 : i32
          %mul3A_624 = arith.muli %scan3A_604, %mul3A_623 : i32
          %get3A = arith.index_cast %add3A_622 : i32 to index
          %get3A_625 = arith.index_cast %mul3A_624 : i32 to index
          %get3A_626 = tpu.vector_load %arg14[%get3A, %get3A_625] {strides = array<i32>} : memref<80x128xf32, #tpu.memory_space<vmem>>, vector<1x16xf32>,
          %get3A_627 = vector.shape_cast %get3A_626 : vector<1x16xf32> to vector<16xf32>
          %add3A_628 = arith.constant 0 : i32
          %add3A_629 = arith.addi %mul3A_221, %add3A_628 : i32
          %mul3A_630 = arith.constant 16 : i32
          %mul3A_631 = arith.muli %scan3A_604, %mul3A_630 : i32
          %get3A_632 = arith.index_cast %add3A_629 : i32 to index
          %get3A_633 = arith.index_cast %mul3A_631 : i32 to index
          %get3A_634 = tpu.vector_load %arg15[%get3A_632, %get3A_633] {strides = array<i32>} : memref<80x128xf32, #tpu.memory_space<vmem>>, vector<1x16xf32>,
          %get3A_635 = vector.shape_cast %get3A_634 : vector<1x16xf32> to vector<16xf32>
          %mul3A_636 = arith.mulf %get3A_627, %get3A_635 : vector<16xf32>
          %add3A_637 = arith.addf %scan3A_605, %mul3A_636 : vector<16xf32>
          %add3A_638 = arith.constant 1 : i32
          %add3A_639 = arith.addi %mul3A_221, %add3A_638 : i32
          %mul3A_640 = arith.constant 16 : i32
          %mul3A_641 = arith.muli %scan3A_604, %mul3A_640 : i32
          %get3A_642 = arith.index_cast %add3A_639 : i32 to index
          %get3A_643 = arith.index_cast %mul3A_641 : i32 to index
          %get3A_644 = tpu.vector_load %arg14[%get3A_642, %get3A_643] {strides = array<i32>} : memref<80x128xf32, #tpu.memory_space<vmem>>, vector<1x16xf32>,
          %get3A_645 = vector.shape_cast %get3A_644 : vector<1x16xf32> to vector<16xf32>
          %add3A_646 = arith.constant 1 : i32
          %add3A_647 = arith.addi %mul3A_221, %add3A_646 : i32
          %mul3A_648 = arith.constant 16 : i32
          %mul3A_649 = arith.muli %scan3A_604, %mul3A_648 : i32
          %get3A_650 = arith.index_cast %add3A_647 : i32 to index
          %get3A_651 = arith.index_cast %mul3A_649 : i32 to index
          %get3A_652 = tpu.vector_load %arg15[%get3A_650, %get3A_651] {strides = array<i32>} : memref<80x128xf32, #tpu.memory_space<vmem>>, vector<1x16xf32>,
          %get3A_653 = vector.shape_cast %get3A_652 : vector<1x16xf32> to vector<16xf32>
          %mul3A_654 = arith.mulf %get3A_645, %get3A_653 : vector<16xf32>
          %add3A_655 = arith.addf %scan3A_606, %mul3A_654 : vector<16xf32>
          %add3A_656 = arith.constant 2 : i32
          %add3A_657 = arith.addi %mul3A_221, %add3A_656 : i32
          %mul3A_658 = arith.constant 16 : i32
          %mul3A_659 = arith.muli %scan3A_604, %mul3A_658 : i32
          %get3A_660 = arith.index_cast %add3A_657 : i32 to index
          %get3A_661 = arith.index_cast %mul3A_659 : i32 to index
          %get3A_662 = tpu.vector_load %arg14[%get3A_660, %get3A_661] {strides = array<i32>} : memref<80x128xf32, #tpu.memory_space<vmem>>, vector<1x16xf32>,
          %get3A_663 = vector.shape_cast %get3A_662 : vector<1x16xf32> to vector<16xf32>
          %add3A_664 = arith.constant 2 : i32
          %add3A_665 = arith.addi %mul3A_221, %add3A_664 : i32
          %mul3A_666 = arith.constant 16 : i32
          %mul3A_667 = arith.muli %scan3A_604, %mul3A_666 : i32
          %get3A_668 = arith.index_cast %add3A_665 : i32 to index
          %get3A_669 = arith.index_cast %mul3A_667 : i32 to index
          %get3A_670 = tpu.vector_load %arg15[%get3A_668, %get3A_669] {strides = array<i32>} : memref<80x128xf32, #tpu.memory_space<vmem>>, vector<1x16xf32>,
          %get3A_671 = vector.shape_cast %get3A_670 : vector<1x16xf32> to vector<16xf32>
          %mul3A_672 = arith.mulf %get3A_663, %get3A_671 : vector<16xf32>
          %add3A_673 = arith.addf %scan3A_607, %mul3A_672 : vector<16xf32>
          %add3A_674 = arith.constant 3 : i32
          %add3A_675 = arith.addi %mul3A_221, %add3A_674 : i32
          %mul3A_676 = arith.constant 16 : i32
          %mul3A_677 = arith.muli %scan3A_604, %mul3A_676 : i32
          %get3A_678 = arith.index_cast %add3A_675 : i32 to index
          %get3A_679 = arith.index_cast %mul3A_677 : i32 to index
          %get3A_680 = tpu.vector_load %arg14[%get3A_678, %get3A_679] {strides = array<i32>} : memref<80x128xf32, #tpu.memory_space<vmem>>, vector<1x16xf32>,
          %get3A_681 = vector.shape_cast %get3A_680 : vector<1x16xf32> to vector<16xf32>
          %add3A_682 = arith.constant 3 : i32
          %add3A_683 = arith.addi %mul3A_221, %add3A_682 : i32
          %mul3A_684 = arith.constant 16 : i32
          %mul3A_685 = arith.muli %scan3A_604, %mul3A_684 : i32
          %get3A_686 = arith.index_cast %add3A_683 : i32 to index
          %get3A_687 = arith.index_cast %mul3A_685 : i32 to index
          %get3A_688 = tpu.vector_load %arg15[%get3A_686, %get3A_687] {strides = array<i32>} : memref<80x128xf32, #tpu.memory_space<vmem>>, vector<1x16xf32>,
          %get3A_689 = vector.shape_cast %get3A_688 : vector<1x16xf32> to vector<16xf32>
          %mul3A_690 = arith.mulf %get3A_681, %get3A_689 : vector<16xf32>
          %add3A_691 = arith.addf %scan3A_608, %mul3A_690 : vector<16xf32>
          %add3A_692 = arith.constant 4 : i32
          %add3A_693 = arith.addi %mul3A_221, %add3A_692 : i32
          %mul3A_694 = arith.constant 16 : i32
          %mul3A_695 = arith.muli %scan3A_604, %mul3A_694 : i32
          %get3A_696 = arith.index_cast %add3A_693 : i32 to index
          %get3A_697 = arith.index_cast %mul3A_695 : i32 to index
          %get3A_698 = tpu.vector_load %arg14[%get3A_696, %get3A_697] {strides = array<i32>} : memref<80x128xf32, #tpu.memory_space<vmem>>, vector<1x16xf32>,
          %get3A_699 = vector.shape_cast %get3A_698 : vector<1x16xf32> to vector<16xf32>
          %add3A_700 = arith.constant 4 : i32
          %add3A_701 = arith.addi %mul3A_221, %add3A_700 : i32
          %mul3A_702 = arith.constant 16 : i32
          %mul3A_703 = arith.muli %scan3A_604, %mul3A_702 : i32
          %get3A_704 = arith.index_cast %add3A_701 : i32 to index
          %get3A_705 = arith.index_cast %mul3A_703 : i32 to index
          %get3A_706 = tpu.vector_load %arg15[%get3A_704, %get3A_705] {strides = array<i32>} : memref<80x128xf32, #tpu.memory_space<vmem>>, vector<1x16xf32>,
          %get3A_707 = vector.shape_cast %get3A_706 : vector<1x16xf32> to vector<16xf32>
          %mul3A_708 = arith.mulf %get3A_699, %get3A_707 : vector<16xf32>
          %add3A_709 = arith.addf %scan3A_609, %mul3A_708 : vector<16xf32>
          %add3A_710 = arith.constant 5 : i32
          %add3A_711 = arith.addi %mul3A_221, %add3A_710 : i32
          %mul3A_712 = arith.constant 16 : i32
          %mul3A_713 = arith.muli %scan3A_604, %mul3A_712 : i32
          %get3A_714 = arith.index_cast %add3A_711 : i32 to index
          %get3A_715 = arith.index_cast %mul3A_713 : i32 to index
          %get3A_716 = tpu.vector_load %arg14[%get3A_714, %get3A_715] {strides = array<i32>} : memref<80x128xf32, #tpu.memory_space<vmem>>, vector<1x16xf32>,
          %get3A_717 = vector.shape_cast %get3A_716 : vector<1x16xf32> to vector<16xf32>
          %add3A_718 = arith.constant 5 : i32
          %add3A_719 = arith.addi %mul3A_221, %add3A_718 : i32
          %mul3A_720 = arith.constant 16 : i32
          %mul3A_721 = arith.muli %scan3A_604, %mul3A_720 : i32
          %get3A_722 = arith.index_cast %add3A_719 : i32 to index
          %get3A_723 = arith.index_cast %mul3A_721 : i32 to index
          %get3A_724 = tpu.vector_load %arg15[%get3A_722, %get3A_723] {strides = array<i32>} : memref<80x128xf32, #tpu.memory_space<vmem>>, vector<1x16xf32>,
          %get3A_725 = vector.shape_cast %get3A_724 : vector<1x16xf32> to vector<16xf32>
          %mul3A_726 = arith.mulf %get3A_717, %get3A_725 : vector<16xf32>
          %add3A_727 = arith.addf %scan3A_610, %mul3A_726 : vector<16xf32>
          %add3A_728 = arith.constant 6 : i32
          %add3A_729 = arith.addi %mul3A_221, %add3A_728 : i32
          %mul3A_730 = arith.constant 16 : i32
          %mul3A_731 = arith.muli %scan3A_604, %mul3A_730 : i32
          %get3A_732 = arith.index_cast %add3A_729 : i32 to index
          %get3A_733 = arith.index_cast %mul3A_731 : i32 to index
          %get3A_734 = tpu.vector_load %arg14[%get3A_732, %get3A_733] {strides = array<i32>} : memref<80x128xf32, #tpu.memory_space<vmem>>, vector<1x16xf32>,
          %get3A_735 = vector.shape_cast %get3A_734 : vector<1x16xf32> to vector<16xf32>
          %add3A_736 = arith.constant 6 : i32
          %add3A_737 = arith.addi %mul3A_221, %add3A_736 : i32
          %mul3A_738 = arith.constant 16 : i32
          %mul3A_739 = arith.muli %scan3A_604, %mul3A_738 : i32
          %get3A_740 = arith.index_cast %add3A_737 : i32 to index
          %get3A_741 = arith.index_cast %mul3A_739 : i32 to index
          %get3A_742 = tpu.vector_load %arg15[%get3A_740, %get3A_741] {strides = array<i32>} : memref<80x128xf32, #tpu.memory_space<vmem>>, vector<1x16xf32>,
          %get3A_743 = vector.shape_cast %get3A_742 : vector<1x16xf32> to vector<16xf32>
          %mul3A_744 = arith.mulf %get3A_735, %get3A_743 : vector<16xf32>
          %add3A_745 = arith.addf %scan3A_611, %mul3A_744 : vector<16xf32>
          %add3A_746 = arith.constant 7 : i32
          %add3A_747 = arith.addi %mul3A_221, %add3A_746 : i32
          %mul3A_748 = arith.constant 16 : i32
          %mul3A_749 = arith.muli %scan3A_604, %mul3A_748 : i32
          %get3A_750 = arith.index_cast %add3A_747 : i32 to index
          %get3A_751 = arith.index_cast %mul3A_749 : i32 to index
          %get3A_752 = tpu.vector_load %arg14[%get3A_750, %get3A_751] {strides = array<i32>} : memref<80x128xf32, #tpu.memory_space<vmem>>, vector<1x16xf32>,
          %get3A_753 = vector.shape_cast %get3A_752 : vector<1x16xf32> to vector<16xf32>
          %add3A_754 = arith.constant 7 : i32
          %add3A_755 = arith.addi %mul3A_221, %add3A_754 : i32
          %mul3A_756 = arith.constant 16 : i32
          %mul3A_757 = arith.muli %scan3A_604, %mul3A_756 : i32
          %get3A_758 = arith.index_cast %add3A_755 : i32 to index
          %get3A_759 = arith.index_cast %mul3A_757 : i32 to index
          %get3A_760 = tpu.vector_load %arg15[%get3A_758, %get3A_759] {strides = array<i32>} : memref<80x128xf32, #tpu.memory_space<vmem>>, vector<1x16xf32>,
          %get3A_761 = vector.shape_cast %get3A_760 : vector<1x16xf32> to vector<16xf32>
          %mul3A_762 = arith.mulf %get3A_753, %get3A_761 : vector<16xf32>
          %add3A_763 = arith.addf %scan3A_612, %mul3A_762 : vector<16xf32>
          %add3A_764 = arith.constant 8 : i32
          %add3A_765 = arith.addi %mul3A_221, %add3A_764 : i32
          %mul3A_766 = arith.constant 16 : i32
          %mul3A_767 = arith.muli %scan3A_604, %mul3A_766 : i32
          %get3A_768 = arith.index_cast %add3A_765 : i32 to index
          %get3A_769 = arith.index_cast %mul3A_767 : i32 to index
          %get3A_770 = tpu.vector_load %arg14[%get3A_768, %get3A_769] {strides = array<i32>} : memref<80x128xf32, #tpu.memory_space<vmem>>, vector<1x16xf32>,
          %get3A_771 = vector.shape_cast %get3A_770 : vector<1x16xf32> to vector<16xf32>
          %add3A_772 = arith.constant 8 : i32
          %add3A_773 = arith.addi %mul3A_221, %add3A_772 : i32
          %mul3A_774 = arith.constant 16 : i32
          %mul3A_775 = arith.muli %scan3A_604, %mul3A_774 : i32
          %get3A_776 = arith.index_cast %add3A_773 : i32 to index
          %get3A_777 = arith.index_cast %mul3A_775 : i32 to index
          %get3A_778 = tpu.vector_load %arg15[%get3A_776, %get3A_777] {strides = array<i32>} : memref<80x128xf32, #tpu.memory_space<vmem>>, vector<1x16xf32>,
          %get3A_779 = vector.shape_cast %get3A_778 : vector<1x16xf32> to vector<16xf32>
          %mul3A_780 = arith.mulf %get3A_771, %get3A_779 : vector<16xf32>
          %add3A_781 = arith.addf %scan3A_613, %mul3A_780 : vector<16xf32>
          %add3A_782 = arith.constant 9 : i32
          %add3A_783 = arith.addi %mul3A_221, %add3A_782 : i32
          %mul3A_784 = arith.constant 16 : i32
          %mul3A_785 = arith.muli %scan3A_604, %mul3A_784 : i32
          %get3A_786 = arith.index_cast %add3A_783 : i32 to index
          %get3A_787 = arith.index_cast %mul3A_785 : i32 to index
          %get3A_788 = tpu.vector_load %arg14[%get3A_786, %get3A_787] {strides = array<i32>} : memref<80x128xf32, #tpu.memory_space<vmem>>, vector<1x16xf32>,
          %get3A_789 = vector.shape_cast %get3A_788 : vector<1x16xf32> to vector<16xf32>
          %add3A_790 = arith.constant 9 : i32
          %add3A_791 = arith.addi %mul3A_221, %add3A_790 : i32
          %mul3A_792 = arith.constant 16 : i32
          %mul3A_793 = arith.muli %scan3A_604, %mul3A_792 : i32
          %get3A_794 = arith.index_cast %add3A_791 : i32 to index
          %get3A_795 = arith.index_cast %mul3A_793 : i32 to index
          %get3A_796 = tpu.vector_load %arg15[%get3A_794, %get3A_795] {strides = array<i32>} : memref<80x128xf32, #tpu.memory_space<vmem>>, vector<1x16xf32>,
          %get3A_797 = vector.shape_cast %get3A_796 : vector<1x16xf32> to vector<16xf32>
          %mul3A_798 = arith.mulf %get3A_789, %get3A_797 : vector<16xf32>
          %add3A_799 = arith.addf %scan3A_614, %mul3A_798 : vector<16xf32>
          %add3A_800 = arith.constant 10 : i32
          %add3A_801 = arith.addi %mul3A_221, %add3A_800 : i32
          %mul3A_802 = arith.constant 16 : i32
          %mul3A_803 = arith.muli %scan3A_604, %mul3A_802 : i32
          %get3A_804 = arith.index_cast %add3A_801 : i32 to index
          %get3A_805 = arith.index_cast %mul3A_803 : i32 to index
          %get3A_806 = tpu.vector_load %arg14[%get3A_804, %get3A_805] {strides = array<i32>} : memref<80x128xf32, #tpu.memory_space<vmem>>, vector<1x16xf32>,
          %get3A_807 = vector.shape_cast %get3A_806 : vector<1x16xf32> to vector<16xf32>
          %add3A_808 = arith.constant 10 : i32
          %add3A_809 = arith.addi %mul3A_221, %add3A_808 : i32
          %mul3A_810 = arith.constant 16 : i32
          %mul3A_811 = arith.muli %scan3A_604, %mul3A_810 : i32
          %get3A_812 = arith.index_cast %add3A_809 : i32 to index
          %get3A_813 = arith.index_cast %mul3A_811 : i32 to index
          %get3A_814 = tpu.vector_load %arg15[%get3A_812, %get3A_813] {strides = array<i32>} : memref<80x128xf32, #tpu.memory_space<vmem>>, vector<1x16xf32>,
          %get3A_815 = vector.shape_cast %get3A_814 : vector<1x16xf32> to vector<16xf32>
          %mul3A_816 = arith.mulf %get3A_807, %get3A_815 : vector<16xf32>
          %add3A_817 = arith.addf %scan3A_615, %mul3A_816 : vector<16xf32>
          %add3A_818 = arith.constant 11 : i32
          %add3A_819 = arith.addi %mul3A_221, %add3A_818 : i32
          %mul3A_820 = arith.constant 16 : i32
          %mul3A_821 = arith.muli %scan3A_604, %mul3A_820 : i32
          %get3A_822 = arith.index_cast %add3A_819 : i32 to index
          %get3A_823 = arith.index_cast %mul3A_821 : i32 to index
          %get3A_824 = tpu.vector_load %arg14[%get3A_822, %get3A_823] {strides = array<i32>} : memref<80x128xf32, #tpu.memory_space<vmem>>, vector<1x16xf32>,
          %get3A_825 = vector.shape_cast %get3A_824 : vector<1x16xf32> to vector<16xf32>
          %add3A_826 = arith.constant 11 : i32
          %add3A_827 = arith.addi %mul3A_221, %add3A_826 : i32
          %mul3A_828 = arith.constant 16 : i32
          %mul3A_829 = arith.muli %scan3A_604, %mul3A_828 : i32
          %get3A_830 = arith.index_cast %add3A_827 : i32 to index
          %get3A_831 = arith.index_cast %mul3A_829 : i32 to index
          %get3A_832 = tpu.vector_load %arg15[%get3A_830, %get3A_831] {strides = array<i32>} : memref<80x128xf32, #tpu.memory_space<vmem>>, vector<1x16xf32>,
          %get3A_833 = vector.shape_cast %get3A_832 : vector<1x16xf32> to vector<16xf32>
          %mul3A_834 = arith.mulf %get3A_825, %get3A_833 : vector<16xf32>
          %add3A_835 = arith.addf %scan3A_616, %mul3A_834 : vector<16xf32>
          %add3A_836 = arith.constant 12 : i32
          %add3A_837 = arith.addi %mul3A_221, %add3A_836 : i32
          %mul3A_838 = arith.constant 16 : i32
          %mul3A_839 = arith.muli %scan3A_604, %mul3A_838 : i32
          %get3A_840 = arith.index_cast %add3A_837 : i32 to index
          %get3A_841 = arith.index_cast %mul3A_839 : i32 to index
          %get3A_842 = tpu.vector_load %arg14[%get3A_840, %get3A_841] {strides = array<i32>} : memref<80x128xf32, #tpu.memory_space<vmem>>, vector<1x16xf32>,
          %get3A_843 = vector.shape_cast %get3A_842 : vector<1x16xf32> to vector<16xf32>
          %add3A_844 = arith.constant 12 : i32
          %add3A_845 = arith.addi %mul3A_221, %add3A_844 : i32
          %mul3A_846 = arith.constant 16 : i32
          %mul3A_847 = arith.muli %scan3A_604, %mul3A_846 : i32
          %get3A_848 = arith.index_cast %add3A_845 : i32 to index
          %get3A_849 = arith.index_cast %mul3A_847 : i32 to index
          %get3A_850 = tpu.vector_load %arg15[%get3A_848, %get3A_849] {strides = array<i32>} : memref<80x128xf32, #tpu.memory_space<vmem>>, vector<1x16xf32>,
          %get3A_851 = vector.shape_cast %get3A_850 : vector<1x16xf32> to vector<16xf32>
          %mul3A_852 = arith.mulf %get3A_843, %get3A_851 : vector<16xf32>
          %add3A_853 = arith.addf %scan3A_617, %mul3A_852 : vector<16xf32>
          %add3A_854 = arith.constant 13 : i32
          %add3A_855 = arith.addi %mul3A_221, %add3A_854 : i32
          %mul3A_856 = arith.constant 16 : i32
          %mul3A_857 = arith.muli %scan3A_604, %mul3A_856 : i32
          %get3A_858 = arith.index_cast %add3A_855 : i32 to index
          %get3A_859 = arith.index_cast %mul3A_857 : i32 to index
          %get3A_860 = tpu.vector_load %arg14[%get3A_858, %get3A_859] {strides = array<i32>} : memref<80x128xf32, #tpu.memory_space<vmem>>, vector<1x16xf32>,
          %get3A_861 = vector.shape_cast %get3A_860 : vector<1x16xf32> to vector<16xf32>
          %add3A_862 = arith.constant 13 : i32
          %add3A_863 = arith.addi %mul3A_221, %add3A_862 : i32
          %mul3A_864 = arith.constant 16 : i32
          %mul3A_865 = arith.muli %scan3A_604, %mul3A_864 : i32
          %get3A_866 = arith.index_cast %add3A_863 : i32 to index
          %get3A_867 = arith.index_cast %mul3A_865 : i32 to index
          %get3A_868 = tpu.vector_load %arg15[%get3A_866, %get3A_867] {strides = array<i32>} : memref<80x128xf32, #tpu.memory_space<vmem>>, vector<1x16xf32>,
          %get3A_869 = vector.shape_cast %get3A_868 : vector<1x16xf32> to vector<16xf32>
          %mul3A_870 = arith.mulf %get3A_861, %get3A_869 : vector<16xf32>
          %add3A_871 = arith.addf %scan3A_618, %mul3A_870 : vector<16xf32>
          %add3A_872 = arith.constant 14 : i32
          %add3A_873 = arith.addi %mul3A_221, %add3A_872 : i32
          %mul3A_874 = arith.constant 16 : i32
          %mul3A_875 = arith.muli %scan3A_604, %mul3A_874 : i32
          %get3A_876 = arith.index_cast %add3A_873 : i32 to index
          %get3A_877 = arith.index_cast %mul3A_875 : i32 to index
          %get3A_878 = tpu.vector_load %arg14[%get3A_876, %get3A_877] {strides = array<i32>} : memref<80x128xf32, #tpu.memory_space<vmem>>, vector<1x16xf32>,
          %get3A_879 = vector.shape_cast %get3A_878 : vector<1x16xf32> to vector<16xf32>
          %add3A_880 = arith.constant 14 : i32
          %add3A_881 = arith.addi %mul3A_221, %add3A_880 : i32
          %mul3A_882 = arith.constant 16 : i32
          %mul3A_883 = arith.muli %scan3A_604, %mul3A_882 : i32
          %get3A_884 = arith.index_cast %add3A_881 : i32 to index
          %get3A_885 = arith.index_cast %mul3A_883 : i32 to index
          %get3A_886 = tpu.vector_load %arg15[%get3A_884, %get3A_885] {strides = array<i32>} : memref<80x128xf32, #tpu.memory_space<vmem>>, vector<1x16xf32>,
          %get3A_887 = vector.shape_cast %get3A_886 : vector<1x16xf32> to vector<16xf32>
          %mul3A_888 = arith.mulf %get3A_879, %get3A_887 : vector<16xf32>
          %add3A_889 = arith.addf %scan3A_619, %mul3A_888 : vector<16xf32>
          %add3A_890 = arith.constant 15 : i32
          %add3A_891 = arith.addi %mul3A_221, %add3A_890 : i32
          %mul3A_892 = arith.constant 16 : i32
          %mul3A_893 = arith.muli %scan3A_604, %mul3A_892 : i32
          %get3A_894 = arith.index_cast %add3A_891 : i32 to index
          %get3A_895 = arith.index_cast %mul3A_893 : i32 to index
          %get3A_896 = tpu.vector_load %arg14[%get3A_894, %get3A_895] {strides = array<i32>} : memref<80x128xf32, #tpu.memory_space<vmem>>, vector<1x16xf32>,
          %get3A_897 = vector.shape_cast %get3A_896 : vector<1x16xf32> to vector<16xf32>
          %add3A_898 = arith.constant 15 : i32
          %add3A_899 = arith.addi %mul3A_221, %add3A_898 : i32
          %mul3A_900 = arith.constant 16 : i32
          %mul3A_901 = arith.muli %scan3A_604, %mul3A_900 : i32
          %get3A_902 = arith.index_cast %add3A_899 : i32 to index
          %get3A_903 = arith.index_cast %mul3A_901 : i32 to index
          %get3A_904 = tpu.vector_load %arg15[%get3A_902, %get3A_903] {strides = array<i32>} : memref<80x128xf32, #tpu.memory_space<vmem>>, vector<1x16xf32>,
          %get3A_905 = vector.shape_cast %get3A_904 : vector<1x16xf32> to vector<16xf32>
          %mul3A_906 = arith.mulf %get3A_897, %get3A_905 : vector<16xf32>
          %add3A_907 = arith.addf %scan3A_620, %mul3A_906 : vector<16xf32>
          scf.yield %add3A_637, %add3A_655, %add3A_673, %add3A_691, %add3A_709, %add3A_727, %add3A_745, %add3A_763, %add3A_781, %add3A_799, %add3A_817, %add3A_835, %add3A_853, %add3A_871, %add3A_889, %add3A_907 : vector<16xf32>, vector<16xf32>, vector<16xf32>, vector<16xf32>, vector<16xf32>, vector<16xf32>, vector<16xf32>, vector<16xf32>, vector<16xf32>, vector<16xf32>, vector<16xf32>, vector<16xf32>, vector<16xf32>, vector<16xf32>, vector<16xf32>, vector<16xf32>
        }
        %scan3A_258 = arith.constant 8 : i32
        %lt3A = arith.constant 0 : i32
        %lt3A_259 = vector.broadcast %lt3A : i32 to vector<16xi32>
        %lt3A_260 = arith.cmpi slt, %xor3A_4, %lt3A_259 : vector<16xi32>
        %add3A_261 = arith.constant 16 : i32
        %add3A_262 = vector.broadcast %add3A_261 : i32 to vector<16xi32>
        %add3A_263 = arith.addi %xor3A_4, %add3A_262 : vector<16xi32>
        %select_n3A = arith.select %lt3A_260, %add3A_263, %xor3A_4 : vector<16xi1>, vector<16xi32>
        %broadcast_in_dim3A_264 = vector.shape_cast %select_n3A : vector<16xi32> to vector<16x1xi32>
        %gather3A = vector.shape_cast %broadcast_in_dim3A_264 : vector<16x1xi32> to vector<16xi32>
        %gather3A_265 = tpu.dynamic_gather %scan3A_257#0[%gather3A] in [0] : vector<16xf32>, vector<16xi32> -> vector<16xf32>
        %add3A_266 = arith.addf %scan3A_257#0, %gather3A_265 : vector<16xf32>
        %lt3A_267 = arith.constant 0 : i32
        %lt3A_268 = vector.broadcast %lt3A_267 : i32 to vector<16xi32>
        %lt3A_269 = arith.cmpi slt, %xor3A_4, %lt3A_268 : vector<16xi32>
        %add3A_270 = arith.constant 16 : i32
        %add3A_271 = vector.broadcast %add3A_270 : i32 to vector<16xi32>
        %add3A_272 = arith.addi %xor3A_4, %add3A_271 : vector<16xi32>
        %select_n3A_273 = arith.select %lt3A_269, %add3A_272, %xor3A_4 : vector<16xi1>, vector<16xi32>
        %broadcast_in_dim3A_274 = vector.shape_cast %select_n3A_273 : vector<16xi32> to vector<16x1xi32>
        %gather3A_275 = vector.shape_cast %broadcast_in_dim3A_274 : vector<16x1xi32> to vector<16xi32>
        %gather3A_276 = tpu.dynamic_gather %scan3A_257#8[%gather3A_275] in [0] : vector<16xf32>, vector<16xi32> -> vector<16xf32>
        %add3A_277 = arith.addf %scan3A_257#8, %gather3A_276 : vector<16xf32>
        %select_n3A_278 = arith.select %eq3A_17, %add3A_266, %add3A_277 : vector<16xi1>, vector<16xf32>
        %lt3A_279 = arith.constant 0 : i32
        %lt3A_280 = vector.broadcast %lt3A_279 : i32 to vector<16xi32>
        %lt3A_281 = arith.cmpi slt, %xor3A_4, %lt3A_280 : vector<16xi32>
        %add3A_282 = arith.constant 16 : i32
        %add3A_283 = vector.broadcast %add3A_282 : i32 to vector<16xi32>
        %add3A_284 = arith.addi %xor3A_4, %add3A_283 : vector<16xi32>
        %select_n3A_285 = arith.select %lt3A_281, %add3A_284, %xor3A_4 : vector<16xi1>, vector<16xi32>
        %broadcast_in_dim3A_286 = vector.shape_cast %select_n3A_285 : vector<16xi32> to vector<16x1xi32>
        %gather3A_287 = vector.shape_cast %broadcast_in_dim3A_286 : vector<16x1xi32> to vector<16xi32>
        %gather3A_288 = tpu.dynamic_gather %scan3A_257#1[%gather3A_287] in [0] : vector<16xf32>, vector<16xi32> -> vector<16xf32>
        %add3A_289 = arith.addf %scan3A_257#1, %gather3A_288 : vector<16xf32>
        %lt3A_290 = arith.constant 0 : i32
        %lt3A_291 = vector.broadcast %lt3A_290 : i32 to vector<16xi32>
        %lt3A_292 = arith.cmpi slt, %xor3A_4, %lt3A_291 : vector<16xi32>
        %add3A_293 = arith.constant 16 : i32
        %add3A_294 = vector.broadcast %add3A_293 : i32 to vector<16xi32>
        %add3A_295 = arith.addi %xor3A_4, %add3A_294 : vector<16xi32>
        %select_n3A_296 = arith.select %lt3A_292, %add3A_295, %xor3A_4 : vector<16xi1>, vector<16xi32>
        %broadcast_in_dim3A_297 = vector.shape_cast %select_n3A_296 : vector<16xi32> to vector<16x1xi32>
        %gather3A_298 = vector.shape_cast %broadcast_in_dim3A_297 : vector<16x1xi32> to vector<16xi32>
        %gather3A_299 = tpu.dynamic_gather %scan3A_257#9[%gather3A_298] in [0] : vector<16xf32>, vector<16xi32> -> vector<16xf32>
        %add3A_300 = arith.addf %scan3A_257#9, %gather3A_299 : vector<16xf32>
        %select_n3A_301 = arith.select %eq3A_17, %add3A_289, %add3A_300 : vector<16xi1>, vector<16xf32>
        %lt3A_302 = arith.constant 0 : i32
        %lt3A_303 = vector.broadcast %lt3A_302 : i32 to vector<16xi32>
        %lt3A_304 = arith.cmpi slt, %xor3A_4, %lt3A_303 : vector<16xi32>
        %add3A_305 = arith.constant 16 : i32
        %add3A_306 = vector.broadcast %add3A_305 : i32 to vector<16xi32>
        %add3A_307 = arith.addi %xor3A_4, %add3A_306 : vector<16xi32>
        %select_n3A_308 = arith.select %lt3A_304, %add3A_307, %xor3A_4 : vector<16xi1>, vector<16xi32>
        %broadcast_in_dim3A_309 = vector.shape_cast %select_n3A_308 : vector<16xi32> to vector<16x1xi32>
        %gather3A_310 = vector.shape_cast %broadcast_in_dim3A_309 : vector<16x1xi32> to vector<16xi32>
        %gather3A_311 = tpu.dynamic_gather %scan3A_257#2[%gather3A_310] in [0] : vector<16xf32>, vector<16xi32> -> vector<16xf32>
        %add3A_312 = arith.addf %scan3A_257#2, %gather3A_311 : vector<16xf32>
        %lt3A_313 = arith.constant 0 : i32
        %lt3A_314 = vector.broadcast %lt3A_313 : i32 to vector<16xi32>
        %lt3A_315 = arith.cmpi slt, %xor3A_4, %lt3A_314 : vector<16xi32>
        %add3A_316 = arith.constant 16 : i32
        %add3A_317 = vector.broadcast %add3A_316 : i32 to vector<16xi32>
        %add3A_318 = arith.addi %xor3A_4, %add3A_317 : vector<16xi32>
        %select_n3A_319 = arith.select %lt3A_315, %add3A_318, %xor3A_4 : vector<16xi1>, vector<16xi32>
        %broadcast_in_dim3A_320 = vector.shape_cast %select_n3A_319 : vector<16xi32> to vector<16x1xi32>
        %gather3A_321 = vector.shape_cast %broadcast_in_dim3A_320 : vector<16x1xi32> to vector<16xi32>
        %gather3A_322 = tpu.dynamic_gather %scan3A_257#10[%gather3A_321] in [0] : vector<16xf32>, vector<16xi32> -> vector<16xf32>
        %add3A_323 = arith.addf %scan3A_257#10, %gather3A_322 : vector<16xf32>
        %select_n3A_324 = arith.select %eq3A_17, %add3A_312, %add3A_323 : vector<16xi1>, vector<16xf32>
        %lt3A_325 = arith.constant 0 : i32
        %lt3A_326 = vector.broadcast %lt3A_325 : i32 to vector<16xi32>
        %lt3A_327 = arith.cmpi slt, %xor3A_4, %lt3A_326 : vector<16xi32>
        %add3A_328 = arith.constant 16 : i32
        %add3A_329 = vector.broadcast %add3A_328 : i32 to vector<16xi32>
        %add3A_330 = arith.addi %xor3A_4, %add3A_329 : vector<16xi32>
        %select_n3A_331 = arith.select %lt3A_327, %add3A_330, %xor3A_4 : vector<16xi1>, vector<16xi32>
        %broadcast_in_dim3A_332 = vector.shape_cast %select_n3A_331 : vector<16xi32> to vector<16x1xi32>
        %gather3A_333 = vector.shape_cast %broadcast_in_dim3A_332 : vector<16x1xi32> to vector<16xi32>
        %gather3A_334 = tpu.dynamic_gather %scan3A_257#3[%gather3A_333] in [0] : vector<16xf32>, vector<16xi32> -> vector<16xf32>
        %add3A_335 = arith.addf %scan3A_257#3, %gather3A_334 : vector<16xf32>
        %lt3A_336 = arith.constant 0 : i32
        %lt3A_337 = vector.broadcast %lt3A_336 : i32 to vector<16xi32>
        %lt3A_338 = arith.cmpi slt, %xor3A_4, %lt3A_337 : vector<16xi32>
        %add3A_339 = arith.constant 16 : i32
        %add3A_340 = vector.broadcast %add3A_339 : i32 to vector<16xi32>
        %add3A_341 = arith.addi %xor3A_4, %add3A_340 : vector<16xi32>
        %select_n3A_342 = arith.select %lt3A_338, %add3A_341, %xor3A_4 : vector<16xi1>, vector<16xi32>
        %broadcast_in_dim3A_343 = vector.shape_cast %select_n3A_342 : vector<16xi32> to vector<16x1xi32>
        %gather3A_344 = vector.shape_cast %broadcast_in_dim3A_343 : vector<16x1xi32> to vector<16xi32>
        %gather3A_345 = tpu.dynamic_gather %scan3A_257#11[%gather3A_344] in [0] : vector<16xf32>, vector<16xi32> -> vector<16xf32>
        %add3A_346 = arith.addf %scan3A_257#11, %gather3A_345 : vector<16xf32>
        %select_n3A_347 = arith.select %eq3A_17, %add3A_335, %add3A_346 : vector<16xi1>, vector<16xf32>
        %lt3A_348 = arith.constant 0 : i32
        %lt3A_349 = vector.broadcast %lt3A_348 : i32 to vector<16xi32>
        %lt3A_350 = arith.cmpi slt, %xor3A_4, %lt3A_349 : vector<16xi32>
        %add3A_351 = arith.constant 16 : i32
        %add3A_352 = vector.broadcast %add3A_351 : i32 to vector<16xi32>
        %add3A_353 = arith.addi %xor3A_4, %add3A_352 : vector<16xi32>
        %select_n3A_354 = arith.select %lt3A_350, %add3A_353, %xor3A_4 : vector<16xi1>, vector<16xi32>
        %broadcast_in_dim3A_355 = vector.shape_cast %select_n3A_354 : vector<16xi32> to vector<16x1xi32>
        %gather3A_356 = vector.shape_cast %broadcast_in_dim3A_355 : vector<16x1xi32> to vector<16xi32>
        %gather3A_357 = tpu.dynamic_gather %scan3A_257#4[%gather3A_356] in [0] : vector<16xf32>, vector<16xi32> -> vector<16xf32>
        %add3A_358 = arith.addf %scan3A_257#4, %gather3A_357 : vector<16xf32>
        %lt3A_359 = arith.constant 0 : i32
        %lt3A_360 = vector.broadcast %lt3A_359 : i32 to vector<16xi32>
        %lt3A_361 = arith.cmpi slt, %xor3A_4, %lt3A_360 : vector<16xi32>
        %add3A_362 = arith.constant 16 : i32
        %add3A_363 = vector.broadcast %add3A_362 : i32 to vector<16xi32>
        %add3A_364 = arith.addi %xor3A_4, %add3A_363 : vector<16xi32>
        %select_n3A_365 = arith.select %lt3A_361, %add3A_364, %xor3A_4 : vector<16xi1>, vector<16xi32>
        %broadcast_in_dim3A_366 = vector.shape_cast %select_n3A_365 : vector<16xi32> to vector<16x1xi32>
        %gather3A_367 = vector.shape_cast %broadcast_in_dim3A_366 : vector<16x1xi32> to vector<16xi32>
        %gather3A_368 = tpu.dynamic_gather %scan3A_257#12[%gather3A_367] in [0] : vector<16xf32>, vector<16xi32> -> vector<16xf32>
        %add3A_369 = arith.addf %scan3A_257#12, %gather3A_368 : vector<16xf32>
        %select_n3A_370 = arith.select %eq3A_17, %add3A_358, %add3A_369 : vector<16xi1>, vector<16xf32>
        %lt3A_371 = arith.constant 0 : i32
        %lt3A_372 = vector.broadcast %lt3A_371 : i32 to vector<16xi32>
        %lt3A_373 = arith.cmpi slt, %xor3A_4, %lt3A_372 : vector<16xi32>
        %add3A_374 = arith.constant 16 : i32
        %add3A_375 = vector.broadcast %add3A_374 : i32 to vector<16xi32>
        %add3A_376 = arith.addi %xor3A_4, %add3A_375 : vector<16xi32>
        %select_n3A_377 = arith.select %lt3A_373, %add3A_376, %xor3A_4 : vector<16xi1>, vector<16xi32>
        %broadcast_in_dim3A_378 = vector.shape_cast %select_n3A_377 : vector<16xi32> to vector<16x1xi32>
        %gather3A_379 = vector.shape_cast %broadcast_in_dim3A_378 : vector<16x1xi32> to vector<16xi32>
        %gather3A_380 = tpu.dynamic_gather %scan3A_257#5[%gather3A_379] in [0] : vector<16xf32>, vector<16xi32> -> vector<16xf32>
        %add3A_381 = arith.addf %scan3A_257#5, %gather3A_380 : vector<16xf32>
        %lt3A_382 = arith.constant 0 : i32
        %lt3A_383 = vector.broadcast %lt3A_382 : i32 to vector<16xi32>
        %lt3A_384 = arith.cmpi slt, %xor3A_4, %lt3A_383 : vector<16xi32>
        %add3A_385 = arith.constant 16 : i32
        %add3A_386 = vector.broadcast %add3A_385 : i32 to vector<16xi32>
        %add3A_387 = arith.addi %xor3A_4, %add3A_386 : vector<16xi32>
        %select_n3A_388 = arith.select %lt3A_384, %add3A_387, %xor3A_4 : vector<16xi1>, vector<16xi32>
        %broadcast_in_dim3A_389 = vector.shape_cast %select_n3A_388 : vector<16xi32> to vector<16x1xi32>
        %gather3A_390 = vector.shape_cast %broadcast_in_dim3A_389 : vector<16x1xi32> to vector<16xi32>
        %gather3A_391 = tpu.dynamic_gather %scan3A_257#13[%gather3A_390] in [0] : vector<16xf32>, vector<16xi32> -> vector<16xf32>
        %add3A_392 = arith.addf %scan3A_257#13, %gather3A_391 : vector<16xf32>
        %select_n3A_393 = arith.select %eq3A_17, %add3A_381, %add3A_392 : vector<16xi1>, vector<16xf32>
        %lt3A_394 = arith.constant 0 : i32
        %lt3A_395 = vector.broadcast %lt3A_394 : i32 to vector<16xi32>
        %lt3A_396 = arith.cmpi slt, %xor3A_4, %lt3A_395 : vector<16xi32>
        %add3A_397 = arith.constant 16 : i32
        %add3A_398 = vector.broadcast %add3A_397 : i32 to vector<16xi32>
        %add3A_399 = arith.addi %xor3A_4, %add3A_398 : vector<16xi32>
        %select_n3A_400 = arith.select %lt3A_396, %add3A_399, %xor3A_4 : vector<16xi1>, vector<16xi32>
        %broadcast_in_dim3A_401 = vector.shape_cast %select_n3A_400 : vector<16xi32> to vector<16x1xi32>
        %gather3A_402 = vector.shape_cast %broadcast_in_dim3A_401 : vector<16x1xi32> to vector<16xi32>
        %gather3A_403 = tpu.dynamic_gather %scan3A_257#6[%gather3A_402] in [0] : vector<16xf32>, vector<16xi32> -> vector<16xf32>
        %add3A_404 = arith.addf %scan3A_257#6, %gather3A_403 : vector<16xf32>
        %lt3A_405 = arith.constant 0 : i32
        %lt3A_406 = vector.broadcast %lt3A_405 : i32 to vector<16xi32>
        %lt3A_407 = arith.cmpi slt, %xor3A_4, %lt3A_406 : vector<16xi32>
        %add3A_408 = arith.constant 16 : i32
        %add3A_409 = vector.broadcast %add3A_408 : i32 to vector<16xi32>
        %add3A_410 = arith.addi %xor3A_4, %add3A_409 : vector<16xi32>
        %select_n3A_411 = arith.select %lt3A_407, %add3A_410, %xor3A_4 : vector<16xi1>, vector<16xi32>
        %broadcast_in_dim3A_412 = vector.shape_cast %select_n3A_411 : vector<16xi32> to vector<16x1xi32>
        %gather3A_413 = vector.shape_cast %broadcast_in_dim3A_412 : vector<16x1xi32> to vector<16xi32>
        %gather3A_414 = tpu.dynamic_gather %scan3A_257#14[%gather3A_413] in [0] : vector<16xf32>, vector<16xi32> -> vector<16xf32>
        %add3A_415 = arith.addf %scan3A_257#14, %gather3A_414 : vector<16xf32>
        %select_n3A_416 = arith.select %eq3A_17, %add3A_404, %add3A_415 : vector<16xi1>, vector<16xf32>
        %lt3A_417 = arith.constant 0 : i32
        %lt3A_418 = vector.broadcast %lt3A_417 : i32 to vector<16xi32>
        %lt3A_419 = arith.cmpi slt, %xor3A_4, %lt3A_418 : vector<16xi32>
        %add3A_420 = arith.constant 16 : i32
        %add3A_421 = vector.broadcast %add3A_420 : i32 to vector<16xi32>
        %add3A_422 = arith.addi %xor3A_4, %add3A_421 : vector<16xi32>
        %select_n3A_423 = arith.select %lt3A_419, %add3A_422, %xor3A_4 : vector<16xi1>, vector<16xi32>
        %broadcast_in_dim3A_424 = vector.shape_cast %select_n3A_423 : vector<16xi32> to vector<16x1xi32>
        %gather3A_425 = vector.shape_cast %broadcast_in_dim3A_424 : vector<16x1xi32> to vector<16xi32>
        %gather3A_426 = tpu.dynamic_gather %scan3A_257#7[%gather3A_425] in [0] : vector<16xf32>, vector<16xi32> -> vector<16xf32>
        %add3A_427 = arith.addf %scan3A_257#7, %gather3A_426 : vector<16xf32>
        %lt3A_428 = arith.constant 0 : i32
        %lt3A_429 = vector.broadcast %lt3A_428 : i32 to vector<16xi32>
        %lt3A_430 = arith.cmpi slt, %xor3A_4, %lt3A_429 : vector<16xi32>
        %add3A_431 = arith.constant 16 : i32
        %add3A_432 = vector.broadcast %add3A_431 : i32 to vector<16xi32>
        %add3A_433 = arith.addi %xor3A_4, %add3A_432 : vector<16xi32>
        %select_n3A_434 = arith.select %lt3A_430, %add3A_433, %xor3A_4 : vector<16xi1>, vector<16xi32>
        %broadcast_in_dim3A_435 = vector.shape_cast %select_n3A_434 : vector<16xi32> to vector<16x1xi32>
        %gather3A_436 = vector.shape_cast %broadcast_in_dim3A_435 : vector<16x1xi32> to vector<16xi32>
        %gather3A_437 = tpu.dynamic_gather %scan3A_257#15[%gather3A_436] in [0] : vector<16xf32>, vector<16xi32> -> vector<16xf32>
        %add3A_438 = arith.addf %scan3A_257#15, %gather3A_437 : vector<16xf32>
        %select_n3A_439 = arith.select %eq3A_17, %add3A_427, %add3A_438 : vector<16xi1>, vector<16xf32>
        %lt3A_440 = arith.constant 0 : i32
        %lt3A_441 = vector.broadcast %lt3A_440 : i32 to vector<16xi32>
        %lt3A_442 = arith.cmpi slt, %xor3A_7, %lt3A_441 : vector<16xi32>
        %add3A_443 = arith.constant 16 : i32
        %add3A_444 = vector.broadcast %add3A_443 : i32 to vector<16xi32>
        %add3A_445 = arith.addi %xor3A_7, %add3A_444 : vector<16xi32>
        %select_n3A_446 = arith.select %lt3A_442, %add3A_445, %xor3A_7 : vector<16xi1>, vector<16xi32>
        %broadcast_in_dim3A_447 = vector.shape_cast %select_n3A_446 : vector<16xi32> to vector<16x1xi32>
        %gather3A_448 = vector.shape_cast %broadcast_in_dim3A_447 : vector<16x1xi32> to vector<16xi32>
        %gather3A_449 = tpu.dynamic_gather %select_n3A_278[%gather3A_448] in [0] : vector<16xf32>, vector<16xi32> -> vector<16xf32>
        %add3A_450 = arith.addf %select_n3A_278, %gather3A_449 : vector<16xf32>
        %lt3A_451 = arith.constant 0 : i32
        %lt3A_452 = vector.broadcast %lt3A_451 : i32 to vector<16xi32>
        %lt3A_453 = arith.cmpi slt, %xor3A_7, %lt3A_452 : vector<16xi32>
        %add3A_454 = arith.constant 16 : i32
        %add3A_455 = vector.broadcast %add3A_454 : i32 to vector<16xi32>
        %add3A_456 = arith.addi %xor3A_7, %add3A_455 : vector<16xi32>
        %select_n3A_457 = arith.select %lt3A_453, %add3A_456, %xor3A_7 : vector<16xi1>, vector<16xi32>
        %broadcast_in_dim3A_458 = vector.shape_cast %select_n3A_457 : vector<16xi32> to vector<16x1xi32>
        %gather3A_459 = vector.shape_cast %broadcast_in_dim3A_458 : vector<16x1xi32> to vector<16xi32>
        %gather3A_460 = tpu.dynamic_gather %select_n3A_370[%gather3A_459] in [0] : vector<16xf32>, vector<16xi32> -> vector<16xf32>
        %add3A_461 = arith.addf %select_n3A_370, %gather3A_460 : vector<16xf32>
        %select_n3A_462 = arith.select %eq3A_23, %add3A_450, %add3A_461 : vector<16xi1>, vector<16xf32>
        %lt3A_463 = arith.constant 0 : i32
        %lt3A_464 = vector.broadcast %lt3A_463 : i32 to vector<16xi32>
        %lt3A_465 = arith.cmpi slt, %xor3A_7, %lt3A_464 : vector<16xi32>
        %add3A_466 = arith.constant 16 : i32
        %add3A_467 = vector.broadcast %add3A_466 : i32 to vector<16xi32>
        %add3A_468 = arith.addi %xor3A_7, %add3A_467 : vector<16xi32>
        %select_n3A_469 = arith.select %lt3A_465, %add3A_468, %xor3A_7 : vector<16xi1>, vector<16xi32>
        %broadcast_in_dim3A_470 = vector.shape_cast %select_n3A_469 : vector<16xi32> to vector<16x1xi32>
        %gather3A_471 = vector.shape_cast %broadcast_in_dim3A_470 : vector<16x1xi32> to vector<16xi32>
        %gather3A_472 = tpu.dynamic_gather %select_n3A_301[%gather3A_471] in [0] : vector<16xf32>, vector<16xi32> -> vector<16xf32>
        %add3A_473 = arith.addf %select_n3A_301, %gather3A_472 : vector<16xf32>
        %lt3A_474 = arith.constant 0 : i32
        %lt3A_475 = vector.broadcast %lt3A_474 : i32 to vector<16xi32>
        %lt3A_476 = arith.cmpi slt, %xor3A_7, %lt3A_475 : vector<16xi32>
        %add3A_477 = arith.constant 16 : i32
        %add3A_478 = vector.broadcast %add3A_477 : i32 to vector<16xi32>
        %add3A_479 = arith.addi %xor3A_7, %add3A_478 : vector<16xi32>
        %select_n3A_480 = arith.select %lt3A_476, %add3A_479, %xor3A_7 : vector<16xi1>, vector<16xi32>
        %broadcast_in_dim3A_481 = vector.shape_cast %select_n3A_480 : vector<16xi32> to vector<16x1xi32>
        %gather3A_482 = vector.shape_cast %broadcast_in_dim3A_481 : vector<16x1xi32> to vector<16xi32>
        %gather3A_483 = tpu.dynamic_gather %select_n3A_393[%gather3A_482] in [0] : vector<16xf32>, vector<16xi32> -> vector<16xf32>
        %add3A_484 = arith.addf %select_n3A_393, %gather3A_483 : vector<16xf32>
        %select_n3A_485 = arith.select %eq3A_23, %add3A_473, %add3A_484 : vector<16xi1>, vector<16xf32>
        %lt3A_486 = arith.constant 0 : i32
        %lt3A_487 = vector.broadcast %lt3A_486 : i32 to vector<16xi32>
        %lt3A_488 = arith.cmpi slt, %xor3A_7, %lt3A_487 : vector<16xi32>
        %add3A_489 = arith.constant 16 : i32
        %add3A_490 = vector.broadcast %add3A_489 : i32 to vector<16xi32>
        %add3A_491 = arith.addi %xor3A_7, %add3A_490 : vector<16xi32>
        %select_n3A_492 = arith.select %lt3A_488, %add3A_491, %xor3A_7 : vector<16xi1>, vector<16xi32>
        %broadcast_in_dim3A_493 = vector.shape_cast %select_n3A_492 : vector<16xi32> to vector<16x1xi32>
        %gather3A_494 = vector.shape_cast %broadcast_in_dim3A_493 : vector<16x1xi32> to vector<16xi32>
        %gather3A_495 = tpu.dynamic_gather %select_n3A_324[%gather3A_494] in [0] : vector<16xf32>, vector<16xi32> -> vector<16xf32>
        %add3A_496 = arith.addf %select_n3A_324, %gather3A_495 : vector<16xf32>
        %lt3A_497 = arith.constant 0 : i32
        %lt3A_498 = vector.broadcast %lt3A_497 : i32 to vector<16xi32>
        %lt3A_499 = arith.cmpi slt, %xor3A_7, %lt3A_498 : vector<16xi32>
        %add3A_500 = arith.constant 16 : i32
        %add3A_501 = vector.broadcast %add3A_500 : i32 to vector<16xi32>
        %add3A_502 = arith.addi %xor3A_7, %add3A_501 : vector<16xi32>
        %select_n3A_503 = arith.select %lt3A_499, %add3A_502, %xor3A_7 : vector<16xi1>, vector<16xi32>
        %broadcast_in_dim3A_504 = vector.shape_cast %select_n3A_503 : vector<16xi32> to vector<16x1xi32>
        %gather3A_505 = vector.shape_cast %broadcast_in_dim3A_504 : vector<16x1xi32> to vector<16xi32>
        %gather3A_506 = tpu.dynamic_gather %select_n3A_416[%gather3A_505] in [0] : vector<16xf32>, vector<16xi32> -> vector<16xf32>
        %add3A_507 = arith.addf %select_n3A_416, %gather3A_506 : vector<16xf32>
        %select_n3A_508 = arith.select %eq3A_23, %add3A_496, %add3A_507 : vector<16xi1>, vector<16xf32>
        %lt3A_509 = arith.constant 0 : i32
        %lt3A_510 = vector.broadcast %lt3A_509 : i32 to vector<16xi32>
        %lt3A_511 = arith.cmpi slt, %xor3A_7, %lt3A_510 : vector<16xi32>
        %add3A_512 = arith.constant 16 : i32
        %add3A_513 = vector.broadcast %add3A_512 : i32 to vector<16xi32>
        %add3A_514 = arith.addi %xor3A_7, %add3A_513 : vector<16xi32>
        %select_n3A_515 = arith.select %lt3A_511, %add3A_514, %xor3A_7 : vector<16xi1>, vector<16xi32>
        %broadcast_in_dim3A_516 = vector.shape_cast %select_n3A_515 : vector<16xi32> to vector<16x1xi32>
        %gather3A_517 = vector.shape_cast %broadcast_in_dim3A_516 : vector<16x1xi32> to vector<16xi32>
        %gather3A_518 = tpu.dynamic_gather %select_n3A_347[%gather3A_517] in [0] : vector<16xf32>, vector<16xi32> -> vector<16xf32>
        %add3A_519 = arith.addf %select_n3A_347, %gather3A_518 : vector<16xf32>
        %lt3A_520 = arith.constant 0 : i32
        %lt3A_521 = vector.broadcast %lt3A_520 : i32 to vector<16xi32>
        %lt3A_522 = arith.cmpi slt, %xor3A_7, %lt3A_521 : vector<16xi32>
        %add3A_523 = arith.constant 16 : i32
        %add3A_524 = vector.broadcast %add3A_523 : i32 to vector<16xi32>
        %add3A_525 = arith.addi %xor3A_7, %add3A_524 : vector<16xi32>
        %select_n3A_526 = arith.select %lt3A_522, %add3A_525, %xor3A_7 : vector<16xi1>, vector<16xi32>
        %broadcast_in_dim3A_527 = vector.shape_cast %select_n3A_526 : vector<16xi32> to vector<16x1xi32>
        %gather3A_528 = vector.shape_cast %broadcast_in_dim3A_527 : vector<16x1xi32> to vector<16xi32>
        %gather3A_529 = tpu.dynamic_gather %select_n3A_439[%gather3A_528] in [0] : vector<16xf32>, vector<16xi32> -> vector<16xf32>
        %add3A_530 = arith.addf %select_n3A_439, %gather3A_529 : vector<16xf32>
        %select_n3A_531 = arith.select %eq3A_23, %add3A_519, %add3A_530 : vector<16xi1>, vector<16xf32>
        %lt3A_532 = arith.constant 0 : i32
        %lt3A_533 = vector.broadcast %lt3A_532 : i32 to vector<16xi32>
        %lt3A_534 = arith.cmpi slt, %xor3A_10, %lt3A_533 : vector<16xi32>
        %add3A_535 = arith.constant 16 : i32
        %add3A_536 = vector.broadcast %add3A_535 : i32 to vector<16xi32>
        %add3A_537 = arith.addi %xor3A_10, %add3A_536 : vector<16xi32>
        %select_n3A_538 = arith.select %lt3A_534, %add3A_537, %xor3A_10 : vector<16xi1>, vector<16xi32>
        %broadcast_in_dim3A_539 = vector.shape_cast %select_n3A_538 : vector<16xi32> to vector<16x1xi32>
        %gather3A_540 = vector.shape_cast %broadcast_in_dim3A_539 : vector<16x1xi32> to vector<16xi32>
        %gather3A_541 = tpu.dynamic_gather %select_n3A_462[%gather3A_540] in [0] : vector<16xf32>, vector<16xi32> -> vector<16xf32>
        %add3A_542 = arith.addf %select_n3A_462, %gather3A_541 : vector<16xf32>
        %lt3A_543 = arith.constant 0 : i32
        %lt3A_544 = vector.broadcast %lt3A_543 : i32 to vector<16xi32>
        %lt3A_545 = arith.cmpi slt, %xor3A_10, %lt3A_544 : vector<16xi32>
        %add3A_546 = arith.constant 16 : i32
        %add3A_547 = vector.broadcast %add3A_546 : i32 to vector<16xi32>
        %add3A_548 = arith.addi %xor3A_10, %add3A_547 : vector<16xi32>
        %select_n3A_549 = arith.select %lt3A_545, %add3A_548, %xor3A_10 : vector<16xi1>, vector<16xi32>
        %broadcast_in_dim3A_550 = vector.shape_cast %select_n3A_549 : vector<16xi32> to vector<16x1xi32>
        %gather3A_551 = vector.shape_cast %broadcast_in_dim3A_550 : vector<16x1xi32> to vector<16xi32>
        %gather3A_552 = tpu.dynamic_gather %select_n3A_508[%gather3A_551] in [0] : vector<16xf32>, vector<16xi32> -> vector<16xf32>
        %add3A_553 = arith.addf %select_n3A_508, %gather3A_552 : vector<16xf32>
        %select_n3A_554 = arith.select %eq3A_29, %add3A_542, %add3A_553 : vector<16xi1>, vector<16xf32>
        %lt3A_555 = arith.constant 0 : i32
        %lt3A_556 = vector.broadcast %lt3A_555 : i32 to vector<16xi32>
        %lt3A_557 = arith.cmpi slt, %xor3A_10, %lt3A_556 : vector<16xi32>
        %add3A_558 = arith.constant 16 : i32
        %add3A_559 = vector.broadcast %add3A_558 : i32 to vector<16xi32>
        %add3A_560 = arith.addi %xor3A_10, %add3A_559 : vector<16xi32>
        %select_n3A_561 = arith.select %lt3A_557, %add3A_560, %xor3A_10 : vector<16xi1>, vector<16xi32>
        %broadcast_in_dim3A_562 = vector.shape_cast %select_n3A_561 : vector<16xi32> to vector<16x1xi32>
        %gather3A_563 = vector.shape_cast %broadcast_in_dim3A_562 : vector<16x1xi32> to vector<16xi32>
        %gather3A_564 = tpu.dynamic_gather %select_n3A_485[%gather3A_563] in [0] : vector<16xf32>, vector<16xi32> -> vector<16xf32>
        %add3A_565 = arith.addf %select_n3A_485, %gather3A_564 : vector<16xf32>
        %lt3A_566 = arith.constant 0 : i32
        %lt3A_567 = vector.broadcast %lt3A_566 : i32 to vector<16xi32>
        %lt3A_568 = arith.cmpi slt, %xor3A_10, %lt3A_567 : vector<16xi32>
        %add3A_569 = arith.constant 16 : i32
        %add3A_570 = vector.broadcast %add3A_569 : i32 to vector<16xi32>
        %add3A_571 = arith.addi %xor3A_10, %add3A_570 : vector<16xi32>
        %select_n3A_572 = arith.select %lt3A_568, %add3A_571, %xor3A_10 : vector<16xi1>, vector<16xi32>
        %broadcast_in_dim3A_573 = vector.shape_cast %select_n3A_572 : vector<16xi32> to vector<16x1xi32>
        %gather3A_574 = vector.shape_cast %broadcast_in_dim3A_573 : vector<16x1xi32> to vector<16xi32>
        %gather3A_575 = tpu.dynamic_gather %select_n3A_531[%gather3A_574] in [0] : vector<16xf32>, vector<16xi32> -> vector<16xf32>
        %add3A_576 = arith.addf %select_n3A_531, %gather3A_575 : vector<16xf32>
        %select_n3A_577 = arith.select %eq3A_29, %add3A_565, %add3A_576 : vector<16xi1>, vector<16xf32>
        %lt3A_578 = arith.constant 0 : i32
        %lt3A_579 = vector.broadcast %lt3A_578 : i32 to vector<16xi32>
        %lt3A_580 = arith.cmpi slt, %xor3A_13, %lt3A_579 : vector<16xi32>
        %add3A_581 = arith.constant 16 : i32
        %add3A_582 = vector.broadcast %add3A_581 : i32 to vector<16xi32>
        %add3A_583 = arith.addi %xor3A_13, %add3A_582 : vector<16xi32>
        %select_n3A_584 = arith.select %lt3A_580, %add3A_583, %xor3A_13 : vector<16xi1>, vector<16xi32>
        %broadcast_in_dim3A_585 = vector.shape_cast %select_n3A_584 : vector<16xi32> to vector<16x1xi32>
        %gather3A_586 = vector.shape_cast %broadcast_in_dim3A_585 : vector<16x1xi32> to vector<16xi32>
        %gather3A_587 = tpu.dynamic_gather %select_n3A_554[%gather3A_586] in [0] : vector<16xf32>, vector<16xi32> -> vector<16xf32>
        %add3A_588 = arith.addf %select_n3A_554, %gather3A_587 : vector<16xf32>
        %lt3A_589 = arith.constant 0 : i32
        %lt3A_590 = vector.broadcast %lt3A_589 : i32 to vector<16xi32>
        %lt3A_591 = arith.cmpi slt, %xor3A_13, %lt3A_590 : vector<16xi32>
        %add3A_592 = arith.constant 16 : i32
        %add3A_593 = vector.broadcast %add3A_592 : i32 to vector<16xi32>
        %add3A_594 = arith.addi %xor3A_13, %add3A_593 : vector<16xi32>
        %select_n3A_595 = arith.select %lt3A_591, %add3A_594, %xor3A_13 : vector<16xi1>, vector<16xi32>
        %broadcast_in_dim3A_596 = vector.shape_cast %select_n3A_595 : vector<16xi32> to vector<16x1xi32>
        %gather3A_597 = vector.shape_cast %broadcast_in_dim3A_596 : vector<16x1xi32> to vector<16xi32>
        %gather3A_598 = tpu.dynamic_gather %select_n3A_577[%gather3A_597] in [0] : vector<16xf32>, vector<16xi32> -> vector<16xf32>
        %add3A_599 = arith.addf %select_n3A_577, %gather3A_598 : vector<16xf32>
        %select_n3A_600 = arith.select %eq3A_35, %add3A_588, %add3A_599 : vector<16xi1>, vector<16xf32>
        %swap3A = arith.index_cast %mul3A_221 : i32 to index
        %swap3A_601 = tpu.vector_load %arg17[%swap3A] {strides = array<i32>} : memref<80xf32, #tpu.memory_space<vmem>>, vector<16xf32>,
        %swap3A_602 = vector.shape_cast %swap3A_601 : vector<16xf32> to vector<16xf32>
        %swap3A_603 = vector.shape_cast %select_n3A_600 : vector<16xf32> to vector<16xf32>
        tpu.vector_store %arg17[%swap3A], %swap3A_603 {strides = array<i32>} : memref<80xf32, #tpu.memory_space<vmem>>, vector<16xf32>,
      }
      %scan3A_213 = arith.constant 5 : i32
      %mul3A_214 = arith.constant 80 : i32
      %mul3A_215 = arith.muli %add3A_185, %mul3A_214 : i32
      %add3A_216 = arith.addi %mul3A_2, %mul3A_215 : i32
      %dma_start3A_217 = tpu.memref_slice %arg6[%add3A_216] : memref<320000xf32, #tpu.memory_space<hbm>> -> memref<80xf32, #tpu.memory_space<hbm>>
      %dma_start3A_218 = tpu.memref_slice %arg6[%add3A_216] : memref<320000xf32, #tpu.memory_space<hbm>> -> memref<80xf32, #tpu.memory_space<hbm>>
      tpu.enqueue_dma source(%arg17 : memref<80xf32, #tpu.memory_space<vmem>>) target(%dma_start3A_218 : memref<80xf32, #tpu.memory_space<hbm>>) target_semaphore(%arg25 : memref<!tpu.dma_semaphore, #tpu.memory_space<semaphore_mem>>)
    }
    %scan3A_73 = arith.constant 62 : i32
    %dma_wait3A_74 = arith.constant 0 : i32
    %dma_wait3A_75 = arith.constant 0 : i32
    %dma_wait3A_76 = tpu.memref_slice %arg7[%dma_wait3A_74, %dma_wait3A_75] : memref<10000x128xf32, #tpu.memory_space<vmem_shared>> -> memref<10000x128xf32, #tpu.memory_space<vmem_shared>>
    tpu.wait_indirect_dma semaphore(%arg18 : memref<!tpu.dma_semaphore, #tpu.memory_space<semaphore_mem>>) src(%dma_wait3A_76 : memref<10000x128xf32, #tpu.memory_space<vmem_shared>>) dst(%arg12 : memref<80x128xf32, #tpu.memory_space<vmem>>)
    %dma_wait3A_77 = arith.constant 0 : i32
    %dma_wait3A_78 = arith.constant 0 : i32
    %dma_wait3A_79 = tpu.memref_slice %arg3[%dma_wait3A_77, %dma_wait3A_78] : memref<10000x128xf32, #tpu.memory_space<hbm>> -> memref<10000x128xf32, #tpu.memory_space<hbm>>
    tpu.wait_indirect_dma semaphore(%arg19 : memref<!tpu.dma_semaphore, #tpu.memory_space<semaphore_mem>>) src(%dma_wait3A_79 : memref<10000x128xf32, #tpu.memory_space<hbm>>) dst(%arg13 : memref<80x128xf32, #tpu.memory_space<vmem>>)
    %add3A_80 = arith.constant 0 : i32
    %add3A_81 = arith.addi %mul3A_2, %add3A_80 : i32
    %dma_start3A_82 = tpu.memref_slice %arg4[%add3A_81] : memref<320000xi32, #tpu.memory_space<hbm>> -> memref<80xi32, #tpu.memory_space<hbm>>
    %dma_start3A_83 = tpu.memref_slice %arg4[%add3A_81] : memref<320000xi32, #tpu.memory_space<hbm>> -> memref<80xi32, #tpu.memory_space<hbm>>
    tpu.enqueue_dma source(%dma_start3A_83 : memref<80xi32, #tpu.memory_space<hbm>>) target(%arg8 : memref<80xi32, #tpu.memory_space<vmem>>) target_semaphore(%arg22 : memref<!tpu.dma_semaphore, #tpu.memory_space<semaphore_mem>>)
    %dma_start3A_84 = tpu.memref_slice %arg5[%add3A_81] : memref<320000xi32, #tpu.memory_space<hbm>> -> memref<80xi32, #tpu.memory_space<hbm>>
    %dma_start3A_85 = tpu.memref_slice %arg5[%add3A_81] : memref<320000xi32, #tpu.memory_space<hbm>> -> memref<80xi32, #tpu.memory_space<hbm>>
    tpu.enqueue_dma source(%dma_start3A_85 : memref<80xi32, #tpu.memory_space<hbm>>) target(%arg9 : memref<80xi32, #tpu.memory_space<vmem>>) target_semaphore(%arg22 : memref<!tpu.dma_semaphore, #tpu.memory_space<semaphore_mem>>)
    %add3A_86 = arith.constant 9920 : i32
    %add3A_87 = arith.addi %mul3A_2, %add3A_86 : i32
    %dma_wait3A_88 = tpu.memref_slice %arg6[%add3A_87] : memref<320000xf32, #tpu.memory_space<hbm>> -> memref<80xf32, #tpu.memory_space<hbm>>
    %dma_wait3A_89 = tpu.memref_slice %arg6[%add3A_87] : memref<320000xf32, #tpu.memory_space<hbm>> -> memref<80xf32, #tpu.memory_space<hbm>>
    tpu.wait_dma2 semaphore(%arg24 : memref<!tpu.dma_semaphore, #tpu.memory_space<semaphore_mem>>) src(%arg16 : memref<80xf32, #tpu.memory_space<vmem>>) dst(%dma_wait3A_89 : memref<80xf32, #tpu.memory_space<hbm>>)
    %scan3A_90 = arith.constant 0 : i32
    %scan3A_91 = arith.constant 0 : i32
    %scan3A_92 = arith.constant 5 : i32
    %scan3A_93 = arith.addi %scan3A_91, %scan3A_92 : i32
    %scan3A_94 = arith.constant 1 : i32
    scf.for %scan3A_120 = %scan3A_91 to %scan3A_93 step %scan3A_94  : i32 {
      %mul3A_121 = arith.constant 16 : i32
      %mul3A_122 = arith.muli %scan3A_120, %mul3A_121 : i32
      %broadcast_in_dim3A = arith.constant 0.000000e+00 : f32
      %broadcast_in_dim3A_123 = vector.broadcast %broadcast_in_dim3A : f32 to vector<16xf32>
      %broadcast_in_dim3A_124 = arith.constant 0.000000e+00 : f32
      %broadcast_in_dim3A_125 = vector.broadcast %broadcast_in_dim3A_124 : f32 to vector<16xf32>
      %broadcast_in_dim3A_126 = arith.constant 0.000000e+00 : f32
      %broadcast_in_dim3A_127 = vector.broadcast %broadcast_in_dim3A_126 : f32 to vector<16xf32>
      %broadcast_in_dim3A_128 = arith.constant 0.000000e+00 : f32
      %broadcast_in_dim3A_129 = vector.broadcast %broadcast_in_dim3A_128 : f32 to vector<16xf32>
      %broadcast_in_dim3A_130 = arith.constant 0.000000e+00 : f32
      %broadcast_in_dim3A_131 = vector.broadcast %broadcast_in_dim3A_130 : f32 to vector<16xf32>
      %broadcast_in_dim3A_132 = arith.constant 0.000000e+00 : f32
      %broadcast_in_dim3A_133 = vector.broadcast %broadcast_in_dim3A_132 : f32 to vector<16xf32>
      %broadcast_in_dim3A_134 = arith.constant 0.000000e+00 : f32
      %broadcast_in_dim3A_135 = vector.broadcast %broadcast_in_dim3A_134 : f32 to vector<16xf32>
      %broadcast_in_dim3A_136 = arith.constant 0.000000e+00 : f32
      %broadcast_in_dim3A_137 = vector.broadcast %broadcast_in_dim3A_136 : f32 to vector<16xf32>
      %broadcast_in_dim3A_138 = arith.constant 0.000000e+00 : f32
      %broadcast_in_dim3A_139 = vector.broadcast %broadcast_in_dim3A_138 : f32 to vector<16xf32>
      %broadcast_in_dim3A_140 = arith.constant 0.000000e+00 : f32
      %broadcast_in_dim3A_141 = vector.broadcast %broadcast_in_dim3A_140 : f32 to vector<16xf32>
      %broadcast_in_dim3A_142 = arith.constant 0.000000e+00 : f32
      %broadcast_in_dim3A_143 = vector.broadcast %broadcast_in_dim3A_142 : f32 to vector<16xf32>
      %broadcast_in_dim3A_144 = arith.constant 0.000000e+00 : f32
      %broadcast_in_dim3A_145 = vector.broadcast %broadcast_in_dim3A_144 : f32 to vector<16xf32>
      %broadcast_in_dim3A_146 = arith.constant 0.000000e+00 : f32
      %broadcast_in_dim3A_147 = vector.broadcast %broadcast_in_dim3A_146 : f32 to vector<16xf32>
      %broadcast_in_dim3A_148 = arith.constant 0.000000e+00 : f32
      %broadcast_in_dim3A_149 = vector.broadcast %broadcast_in_dim3A_148 : f32 to vector<16xf32>
      %broadcast_in_dim3A_150 = arith.constant 0.000000e+00 : f32
      %broadcast_in_dim3A_151 = vector.broadcast %broadcast_in_dim3A_150 : f32 to vector<16xf32>
      %broadcast_in_dim3A_152 = arith.constant 0.000000e+00 : f32
      %broadcast_in_dim3A_153 = vector.broadcast %broadcast_in_dim3A_152 : f32 to vector<16xf32>
      %scan3A_154 = arith.constant 0 : i32
      %scan3A_155 = arith.constant 8 : i32
      %scan3A_156 = arith.addi %scan3A_154, %scan3A_155 : i32
      %scan3A_157 = arith.constant 1 : i32
      %scan3A_158:16 = scf.for %scan3A_505 = %scan3A_154 to %scan3A_156 step %scan3A_157 iter_args(%scan3A_506 = %broadcast_in_dim3A_123, %scan3A_507 = %broadcast_in_dim3A_125, %scan3A_508 = %broadcast_in_dim3A_127, %scan3A_509 = %broadcast_in_dim3A_129, %scan3A_510 = %broadcast_in_dim3A_131, %scan3A_511 = %broadcast_in_dim3A_133, %scan3A_512 = %broadcast_in_dim3A_135, %scan3A_513 = %broadcast_in_dim3A_137, %scan3A_514 = %broadcast_in_dim3A_139, %scan3A_515 = %broadcast_in_dim3A_141, %scan3A_516 = %broadcast_in_dim3A_143, %scan3A_517 = %broadcast_in_dim3A_145, %scan3A_518 = %broadcast_in_dim3A_147, %scan3A_519 = %broadcast_in_dim3A_149, %scan3A_520 = %broadcast_in_dim3A_151, %scan3A_521 = %broadcast_in_dim3A_153) -> (vector<16xf32>, vector<16xf32>, vector<16xf32>, vector<16xf32>, vector<16xf32>, vector<16xf32>, vector<16xf32>, vector<16xf32>, vector<16xf32>, vector<16xf32>, vector<16xf32>, vector<16xf32>, vector<16xf32>, vector<16xf32>, vector<16xf32>, vector<16xf32>)  : i32 {
        %add3A_522 = arith.constant 0 : i32
        %add3A_523 = arith.addi %mul3A_122, %add3A_522 : i32
        %mul3A_524 = arith.constant 16 : i32
        %mul3A_525 = arith.muli %scan3A_505, %mul3A_524 : i32
        %get3A = arith.index_cast %add3A_523 : i32 to index
        %get3A_526 = arith.index_cast %mul3A_525 : i32 to index
        %get3A_527 = tpu.vector_load %arg12[%get3A, %get3A_526] {strides = array<i32>} : memref<80x128xf32, #tpu.memory_space<vmem>>, vector<1x16xf32>,
        %get3A_528 = vector.shape_cast %get3A_527 : vector<1x16xf32> to vector<16xf32>
        %add3A_529 = arith.constant 0 : i32
        %add3A_530 = arith.addi %mul3A_122, %add3A_529 : i32
        %mul3A_531 = arith.constant 16 : i32
        %mul3A_532 = arith.muli %scan3A_505, %mul3A_531 : i32
        %get3A_533 = arith.index_cast %add3A_530 : i32 to index
        %get3A_534 = arith.index_cast %mul3A_532 : i32 to index
        %get3A_535 = tpu.vector_load %arg13[%get3A_533, %get3A_534] {strides = array<i32>} : memref<80x128xf32, #tpu.memory_space<vmem>>, vector<1x16xf32>,
        %get3A_536 = vector.shape_cast %get3A_535 : vector<1x16xf32> to vector<16xf32>
        %mul3A_537 = arith.mulf %get3A_528, %get3A_536 : vector<16xf32>
        %add3A_538 = arith.addf %scan3A_506, %mul3A_537 : vector<16xf32>
        %add3A_539 = arith.constant 1 : i32
        %add3A_540 = arith.addi %mul3A_122, %add3A_539 : i32
        %mul3A_541 = arith.constant 16 : i32
        %mul3A_542 = arith.muli %scan3A_505, %mul3A_541 : i32
        %get3A_543 = arith.index_cast %add3A_540 : i32 to index
        %get3A_544 = arith.index_cast %mul3A_542 : i32 to index
        %get3A_545 = tpu.vector_load %arg12[%get3A_543, %get3A_544] {strides = array<i32>} : memref<80x128xf32, #tpu.memory_space<vmem>>, vector<1x16xf32>,
        %get3A_546 = vector.shape_cast %get3A_545 : vector<1x16xf32> to vector<16xf32>
        %add3A_547 = arith.constant 1 : i32
        %add3A_548 = arith.addi %mul3A_122, %add3A_547 : i32
        %mul3A_549 = arith.constant 16 : i32
        %mul3A_550 = arith.muli %scan3A_505, %mul3A_549 : i32
        %get3A_551 = arith.index_cast %add3A_548 : i32 to index
        %get3A_552 = arith.index_cast %mul3A_550 : i32 to index
        %get3A_553 = tpu.vector_load %arg13[%get3A_551, %get3A_552] {strides = array<i32>} : memref<80x128xf32, #tpu.memory_space<vmem>>, vector<1x16xf32>,
        %get3A_554 = vector.shape_cast %get3A_553 : vector<1x16xf32> to vector<16xf32>
        %mul3A_555 = arith.mulf %get3A_546, %get3A_554 : vector<16xf32>
        %add3A_556 = arith.addf %scan3A_507, %mul3A_555 : vector<16xf32>
        %add3A_557 = arith.constant 2 : i32
        %add3A_558 = arith.addi %mul3A_122, %add3A_557 : i32
        %mul3A_559 = arith.constant 16 : i32
        %mul3A_560 = arith.muli %scan3A_505, %mul3A_559 : i32
        %get3A_561 = arith.index_cast %add3A_558 : i32 to index
        %get3A_562 = arith.index_cast %mul3A_560 : i32 to index
        %get3A_563 = tpu.vector_load %arg12[%get3A_561, %get3A_562] {strides = array<i32>} : memref<80x128xf32, #tpu.memory_space<vmem>>, vector<1x16xf32>,
        %get3A_564 = vector.shape_cast %get3A_563 : vector<1x16xf32> to vector<16xf32>
        %add3A_565 = arith.constant 2 : i32
        %add3A_566 = arith.addi %mul3A_122, %add3A_565 : i32
        %mul3A_567 = arith.constant 16 : i32
        %mul3A_568 = arith.muli %scan3A_505, %mul3A_567 : i32
        %get3A_569 = arith.index_cast %add3A_566 : i32 to index
        %get3A_570 = arith.index_cast %mul3A_568 : i32 to index
        %get3A_571 = tpu.vector_load %arg13[%get3A_569, %get3A_570] {strides = array<i32>} : memref<80x128xf32, #tpu.memory_space<vmem>>, vector<1x16xf32>,
        %get3A_572 = vector.shape_cast %get3A_571 : vector<1x16xf32> to vector<16xf32>
        %mul3A_573 = arith.mulf %get3A_564, %get3A_572 : vector<16xf32>
        %add3A_574 = arith.addf %scan3A_508, %mul3A_573 : vector<16xf32>
        %add3A_575 = arith.constant 3 : i32
        %add3A_576 = arith.addi %mul3A_122, %add3A_575 : i32
        %mul3A_577 = arith.constant 16 : i32
        %mul3A_578 = arith.muli %scan3A_505, %mul3A_577 : i32
        %get3A_579 = arith.index_cast %add3A_576 : i32 to index
        %get3A_580 = arith.index_cast %mul3A_578 : i32 to index
        %get3A_581 = tpu.vector_load %arg12[%get3A_579, %get3A_580] {strides = array<i32>} : memref<80x128xf32, #tpu.memory_space<vmem>>, vector<1x16xf32>,
        %get3A_582 = vector.shape_cast %get3A_581 : vector<1x16xf32> to vector<16xf32>
        %add3A_583 = arith.constant 3 : i32
        %add3A_584 = arith.addi %mul3A_122, %add3A_583 : i32
        %mul3A_585 = arith.constant 16 : i32
        %mul3A_586 = arith.muli %scan3A_505, %mul3A_585 : i32
        %get3A_587 = arith.index_cast %add3A_584 : i32 to index
        %get3A_588 = arith.index_cast %mul3A_586 : i32 to index
        %get3A_589 = tpu.vector_load %arg13[%get3A_587, %get3A_588] {strides = array<i32>} : memref<80x128xf32, #tpu.memory_space<vmem>>, vector<1x16xf32>,
        %get3A_590 = vector.shape_cast %get3A_589 : vector<1x16xf32> to vector<16xf32>
        %mul3A_591 = arith.mulf %get3A_582, %get3A_590 : vector<16xf32>
        %add3A_592 = arith.addf %scan3A_509, %mul3A_591 : vector<16xf32>
        %add3A_593 = arith.constant 4 : i32
        %add3A_594 = arith.addi %mul3A_122, %add3A_593 : i32
        %mul3A_595 = arith.constant 16 : i32
        %mul3A_596 = arith.muli %scan3A_505, %mul3A_595 : i32
        %get3A_597 = arith.index_cast %add3A_594 : i32 to index
        %get3A_598 = arith.index_cast %mul3A_596 : i32 to index
        %get3A_599 = tpu.vector_load %arg12[%get3A_597, %get3A_598] {strides = array<i32>} : memref<80x128xf32, #tpu.memory_space<vmem>>, vector<1x16xf32>,
        %get3A_600 = vector.shape_cast %get3A_599 : vector<1x16xf32> to vector<16xf32>
        %add3A_601 = arith.constant 4 : i32
        %add3A_602 = arith.addi %mul3A_122, %add3A_601 : i32
        %mul3A_603 = arith.constant 16 : i32
        %mul3A_604 = arith.muli %scan3A_505, %mul3A_603 : i32
        %get3A_605 = arith.index_cast %add3A_602 : i32 to index
        %get3A_606 = arith.index_cast %mul3A_604 : i32 to index
        %get3A_607 = tpu.vector_load %arg13[%get3A_605, %get3A_606] {strides = array<i32>} : memref<80x128xf32, #tpu.memory_space<vmem>>, vector<1x16xf32>,
        %get3A_608 = vector.shape_cast %get3A_607 : vector<1x16xf32> to vector<16xf32>
        %mul3A_609 = arith.mulf %get3A_600, %get3A_608 : vector<16xf32>
        %add3A_610 = arith.addf %scan3A_510, %mul3A_609 : vector<16xf32>
        %add3A_611 = arith.constant 5 : i32
        %add3A_612 = arith.addi %mul3A_122, %add3A_611 : i32
        %mul3A_613 = arith.constant 16 : i32
        %mul3A_614 = arith.muli %scan3A_505, %mul3A_613 : i32
        %get3A_615 = arith.index_cast %add3A_612 : i32 to index
        %get3A_616 = arith.index_cast %mul3A_614 : i32 to index
        %get3A_617 = tpu.vector_load %arg12[%get3A_615, %get3A_616] {strides = array<i32>} : memref<80x128xf32, #tpu.memory_space<vmem>>, vector<1x16xf32>,
        %get3A_618 = vector.shape_cast %get3A_617 : vector<1x16xf32> to vector<16xf32>
        %add3A_619 = arith.constant 5 : i32
        %add3A_620 = arith.addi %mul3A_122, %add3A_619 : i32
        %mul3A_621 = arith.constant 16 : i32
        %mul3A_622 = arith.muli %scan3A_505, %mul3A_621 : i32
        %get3A_623 = arith.index_cast %add3A_620 : i32 to index
        %get3A_624 = arith.index_cast %mul3A_622 : i32 to index
        %get3A_625 = tpu.vector_load %arg13[%get3A_623, %get3A_624] {strides = array<i32>} : memref<80x128xf32, #tpu.memory_space<vmem>>, vector<1x16xf32>,
        %get3A_626 = vector.shape_cast %get3A_625 : vector<1x16xf32> to vector<16xf32>
        %mul3A_627 = arith.mulf %get3A_618, %get3A_626 : vector<16xf32>
        %add3A_628 = arith.addf %scan3A_511, %mul3A_627 : vector<16xf32>
        %add3A_629 = arith.constant 6 : i32
        %add3A_630 = arith.addi %mul3A_122, %add3A_629 : i32
        %mul3A_631 = arith.constant 16 : i32
        %mul3A_632 = arith.muli %scan3A_505, %mul3A_631 : i32
        %get3A_633 = arith.index_cast %add3A_630 : i32 to index
        %get3A_634 = arith.index_cast %mul3A_632 : i32 to index
        %get3A_635 = tpu.vector_load %arg12[%get3A_633, %get3A_634] {strides = array<i32>} : memref<80x128xf32, #tpu.memory_space<vmem>>, vector<1x16xf32>,
        %get3A_636 = vector.shape_cast %get3A_635 : vector<1x16xf32> to vector<16xf32>
        %add3A_637 = arith.constant 6 : i32
        %add3A_638 = arith.addi %mul3A_122, %add3A_637 : i32
        %mul3A_639 = arith.constant 16 : i32
        %mul3A_640 = arith.muli %scan3A_505, %mul3A_639 : i32
        %get3A_641 = arith.index_cast %add3A_638 : i32 to index
        %get3A_642 = arith.index_cast %mul3A_640 : i32 to index
        %get3A_643 = tpu.vector_load %arg13[%get3A_641, %get3A_642] {strides = array<i32>} : memref<80x128xf32, #tpu.memory_space<vmem>>, vector<1x16xf32>,
        %get3A_644 = vector.shape_cast %get3A_643 : vector<1x16xf32> to vector<16xf32>
        %mul3A_645 = arith.mulf %get3A_636, %get3A_644 : vector<16xf32>
        %add3A_646 = arith.addf %scan3A_512, %mul3A_645 : vector<16xf32>
        %add3A_647 = arith.constant 7 : i32
        %add3A_648 = arith.addi %mul3A_122, %add3A_647 : i32
        %mul3A_649 = arith.constant 16 : i32
        %mul3A_650 = arith.muli %scan3A_505, %mul3A_649 : i32
        %get3A_651 = arith.index_cast %add3A_648 : i32 to index
        %get3A_652 = arith.index_cast %mul3A_650 : i32 to index
        %get3A_653 = tpu.vector_load %arg12[%get3A_651, %get3A_652] {strides = array<i32>} : memref<80x128xf32, #tpu.memory_space<vmem>>, vector<1x16xf32>,
        %get3A_654 = vector.shape_cast %get3A_653 : vector<1x16xf32> to vector<16xf32>
        %add3A_655 = arith.constant 7 : i32
        %add3A_656 = arith.addi %mul3A_122, %add3A_655 : i32
        %mul3A_657 = arith.constant 16 : i32
        %mul3A_658 = arith.muli %scan3A_505, %mul3A_657 : i32
        %get3A_659 = arith.index_cast %add3A_656 : i32 to index
        %get3A_660 = arith.index_cast %mul3A_658 : i32 to index
        %get3A_661 = tpu.vector_load %arg13[%get3A_659, %get3A_660] {strides = array<i32>} : memref<80x128xf32, #tpu.memory_space<vmem>>, vector<1x16xf32>,
        %get3A_662 = vector.shape_cast %get3A_661 : vector<1x16xf32> to vector<16xf32>
        %mul3A_663 = arith.mulf %get3A_654, %get3A_662 : vector<16xf32>
        %add3A_664 = arith.addf %scan3A_513, %mul3A_663 : vector<16xf32>
        %add3A_665 = arith.constant 8 : i32
        %add3A_666 = arith.addi %mul3A_122, %add3A_665 : i32
        %mul3A_667 = arith.constant 16 : i32
        %mul3A_668 = arith.muli %scan3A_505, %mul3A_667 : i32
        %get3A_669 = arith.index_cast %add3A_666 : i32 to index
        %get3A_670 = arith.index_cast %mul3A_668 : i32 to index
        %get3A_671 = tpu.vector_load %arg12[%get3A_669, %get3A_670] {strides = array<i32>} : memref<80x128xf32, #tpu.memory_space<vmem>>, vector<1x16xf32>,
        %get3A_672 = vector.shape_cast %get3A_671 : vector<1x16xf32> to vector<16xf32>
        %add3A_673 = arith.constant 8 : i32
        %add3A_674 = arith.addi %mul3A_122, %add3A_673 : i32
        %mul3A_675 = arith.constant 16 : i32
        %mul3A_676 = arith.muli %scan3A_505, %mul3A_675 : i32
        %get3A_677 = arith.index_cast %add3A_674 : i32 to index
        %get3A_678 = arith.index_cast %mul3A_676 : i32 to index
        %get3A_679 = tpu.vector_load %arg13[%get3A_677, %get3A_678] {strides = array<i32>} : memref<80x128xf32, #tpu.memory_space<vmem>>, vector<1x16xf32>,
        %get3A_680 = vector.shape_cast %get3A_679 : vector<1x16xf32> to vector<16xf32>
        %mul3A_681 = arith.mulf %get3A_672, %get3A_680 : vector<16xf32>
        %add3A_682 = arith.addf %scan3A_514, %mul3A_681 : vector<16xf32>
        %add3A_683 = arith.constant 9 : i32
        %add3A_684 = arith.addi %mul3A_122, %add3A_683 : i32
        %mul3A_685 = arith.constant 16 : i32
        %mul3A_686 = arith.muli %scan3A_505, %mul3A_685 : i32
        %get3A_687 = arith.index_cast %add3A_684 : i32 to index
        %get3A_688 = arith.index_cast %mul3A_686 : i32 to index
        %get3A_689 = tpu.vector_load %arg12[%get3A_687, %get3A_688] {strides = array<i32>} : memref<80x128xf32, #tpu.memory_space<vmem>>, vector<1x16xf32>,
        %get3A_690 = vector.shape_cast %get3A_689 : vector<1x16xf32> to vector<16xf32>
        %add3A_691 = arith.constant 9 : i32
        %add3A_692 = arith.addi %mul3A_122, %add3A_691 : i32
        %mul3A_693 = arith.constant 16 : i32
        %mul3A_694 = arith.muli %scan3A_505, %mul3A_693 : i32
        %get3A_695 = arith.index_cast %add3A_692 : i32 to index
        %get3A_696 = arith.index_cast %mul3A_694 : i32 to index
        %get3A_697 = tpu.vector_load %arg13[%get3A_695, %get3A_696] {strides = array<i32>} : memref<80x128xf32, #tpu.memory_space<vmem>>, vector<1x16xf32>,
        %get3A_698 = vector.shape_cast %get3A_697 : vector<1x16xf32> to vector<16xf32>
        %mul3A_699 = arith.mulf %get3A_690, %get3A_698 : vector<16xf32>
        %add3A_700 = arith.addf %scan3A_515, %mul3A_699 : vector<16xf32>
        %add3A_701 = arith.constant 10 : i32
        %add3A_702 = arith.addi %mul3A_122, %add3A_701 : i32
        %mul3A_703 = arith.constant 16 : i32
        %mul3A_704 = arith.muli %scan3A_505, %mul3A_703 : i32
        %get3A_705 = arith.index_cast %add3A_702 : i32 to index
        %get3A_706 = arith.index_cast %mul3A_704 : i32 to index
        %get3A_707 = tpu.vector_load %arg12[%get3A_705, %get3A_706] {strides = array<i32>} : memref<80x128xf32, #tpu.memory_space<vmem>>, vector<1x16xf32>,
        %get3A_708 = vector.shape_cast %get3A_707 : vector<1x16xf32> to vector<16xf32>
        %add3A_709 = arith.constant 10 : i32
        %add3A_710 = arith.addi %mul3A_122, %add3A_709 : i32
        %mul3A_711 = arith.constant 16 : i32
        %mul3A_712 = arith.muli %scan3A_505, %mul3A_711 : i32
        %get3A_713 = arith.index_cast %add3A_710 : i32 to index
        %get3A_714 = arith.index_cast %mul3A_712 : i32 to index
        %get3A_715 = tpu.vector_load %arg13[%get3A_713, %get3A_714] {strides = array<i32>} : memref<80x128xf32, #tpu.memory_space<vmem>>, vector<1x16xf32>,
        %get3A_716 = vector.shape_cast %get3A_715 : vector<1x16xf32> to vector<16xf32>
        %mul3A_717 = arith.mulf %get3A_708, %get3A_716 : vector<16xf32>
        %add3A_718 = arith.addf %scan3A_516, %mul3A_717 : vector<16xf32>
        %add3A_719 = arith.constant 11 : i32
        %add3A_720 = arith.addi %mul3A_122, %add3A_719 : i32
        %mul3A_721 = arith.constant 16 : i32
        %mul3A_722 = arith.muli %scan3A_505, %mul3A_721 : i32
        %get3A_723 = arith.index_cast %add3A_720 : i32 to index
        %get3A_724 = arith.index_cast %mul3A_722 : i32 to index
        %get3A_725 = tpu.vector_load %arg12[%get3A_723, %get3A_724] {strides = array<i32>} : memref<80x128xf32, #tpu.memory_space<vmem>>, vector<1x16xf32>,
        %get3A_726 = vector.shape_cast %get3A_725 : vector<1x16xf32> to vector<16xf32>
        %add3A_727 = arith.constant 11 : i32
        %add3A_728 = arith.addi %mul3A_122, %add3A_727 : i32
        %mul3A_729 = arith.constant 16 : i32
        %mul3A_730 = arith.muli %scan3A_505, %mul3A_729 : i32
        %get3A_731 = arith.index_cast %add3A_728 : i32 to index
        %get3A_732 = arith.index_cast %mul3A_730 : i32 to index
        %get3A_733 = tpu.vector_load %arg13[%get3A_731, %get3A_732] {strides = array<i32>} : memref<80x128xf32, #tpu.memory_space<vmem>>, vector<1x16xf32>,
        %get3A_734 = vector.shape_cast %get3A_733 : vector<1x16xf32> to vector<16xf32>
        %mul3A_735 = arith.mulf %get3A_726, %get3A_734 : vector<16xf32>
        %add3A_736 = arith.addf %scan3A_517, %mul3A_735 : vector<16xf32>
        %add3A_737 = arith.constant 12 : i32
        %add3A_738 = arith.addi %mul3A_122, %add3A_737 : i32
        %mul3A_739 = arith.constant 16 : i32
        %mul3A_740 = arith.muli %scan3A_505, %mul3A_739 : i32
        %get3A_741 = arith.index_cast %add3A_738 : i32 to index
        %get3A_742 = arith.index_cast %mul3A_740 : i32 to index
        %get3A_743 = tpu.vector_load %arg12[%get3A_741, %get3A_742] {strides = array<i32>} : memref<80x128xf32, #tpu.memory_space<vmem>>, vector<1x16xf32>,
        %get3A_744 = vector.shape_cast %get3A_743 : vector<1x16xf32> to vector<16xf32>
        %add3A_745 = arith.constant 12 : i32
        %add3A_746 = arith.addi %mul3A_122, %add3A_745 : i32
        %mul3A_747 = arith.constant 16 : i32
        %mul3A_748 = arith.muli %scan3A_505, %mul3A_747 : i32
        %get3A_749 = arith.index_cast %add3A_746 : i32 to index
        %get3A_750 = arith.index_cast %mul3A_748 : i32 to index
        %get3A_751 = tpu.vector_load %arg13[%get3A_749, %get3A_750] {strides = array<i32>} : memref<80x128xf32, #tpu.memory_space<vmem>>, vector<1x16xf32>,
        %get3A_752 = vector.shape_cast %get3A_751 : vector<1x16xf32> to vector<16xf32>
        %mul3A_753 = arith.mulf %get3A_744, %get3A_752 : vector<16xf32>
        %add3A_754 = arith.addf %scan3A_518, %mul3A_753 : vector<16xf32>
        %add3A_755 = arith.constant 13 : i32
        %add3A_756 = arith.addi %mul3A_122, %add3A_755 : i32
        %mul3A_757 = arith.constant 16 : i32
        %mul3A_758 = arith.muli %scan3A_505, %mul3A_757 : i32
        %get3A_759 = arith.index_cast %add3A_756 : i32 to index
        %get3A_760 = arith.index_cast %mul3A_758 : i32 to index
        %get3A_761 = tpu.vector_load %arg12[%get3A_759, %get3A_760] {strides = array<i32>} : memref<80x128xf32, #tpu.memory_space<vmem>>, vector<1x16xf32>,
        %get3A_762 = vector.shape_cast %get3A_761 : vector<1x16xf32> to vector<16xf32>
        %add3A_763 = arith.constant 13 : i32
        %add3A_764 = arith.addi %mul3A_122, %add3A_763 : i32
        %mul3A_765 = arith.constant 16 : i32
        %mul3A_766 = arith.muli %scan3A_505, %mul3A_765 : i32
        %get3A_767 = arith.index_cast %add3A_764 : i32 to index
        %get3A_768 = arith.index_cast %mul3A_766 : i32 to index
        %get3A_769 = tpu.vector_load %arg13[%get3A_767, %get3A_768] {strides = array<i32>} : memref<80x128xf32, #tpu.memory_space<vmem>>, vector<1x16xf32>,
        %get3A_770 = vector.shape_cast %get3A_769 : vector<1x16xf32> to vector<16xf32>
        %mul3A_771 = arith.mulf %get3A_762, %get3A_770 : vector<16xf32>
        %add3A_772 = arith.addf %scan3A_519, %mul3A_771 : vector<16xf32>
        %add3A_773 = arith.constant 14 : i32
        %add3A_774 = arith.addi %mul3A_122, %add3A_773 : i32
        %mul3A_775 = arith.constant 16 : i32
        %mul3A_776 = arith.muli %scan3A_505, %mul3A_775 : i32
        %get3A_777 = arith.index_cast %add3A_774 : i32 to index
        %get3A_778 = arith.index_cast %mul3A_776 : i32 to index
        %get3A_779 = tpu.vector_load %arg12[%get3A_777, %get3A_778] {strides = array<i32>} : memref<80x128xf32, #tpu.memory_space<vmem>>, vector<1x16xf32>,
        %get3A_780 = vector.shape_cast %get3A_779 : vector<1x16xf32> to vector<16xf32>
        %add3A_781 = arith.constant 14 : i32
        %add3A_782 = arith.addi %mul3A_122, %add3A_781 : i32
        %mul3A_783 = arith.constant 16 : i32
        %mul3A_784 = arith.muli %scan3A_505, %mul3A_783 : i32
        %get3A_785 = arith.index_cast %add3A_782 : i32 to index
        %get3A_786 = arith.index_cast %mul3A_784 : i32 to index
        %get3A_787 = tpu.vector_load %arg13[%get3A_785, %get3A_786] {strides = array<i32>} : memref<80x128xf32, #tpu.memory_space<vmem>>, vector<1x16xf32>,
        %get3A_788 = vector.shape_cast %get3A_787 : vector<1x16xf32> to vector<16xf32>
        %mul3A_789 = arith.mulf %get3A_780, %get3A_788 : vector<16xf32>
        %add3A_790 = arith.addf %scan3A_520, %mul3A_789 : vector<16xf32>
        %add3A_791 = arith.constant 15 : i32
        %add3A_792 = arith.addi %mul3A_122, %add3A_791 : i32
        %mul3A_793 = arith.constant 16 : i32
        %mul3A_794 = arith.muli %scan3A_505, %mul3A_793 : i32
        %get3A_795 = arith.index_cast %add3A_792 : i32 to index
        %get3A_796 = arith.index_cast %mul3A_794 : i32 to index
        %get3A_797 = tpu.vector_load %arg12[%get3A_795, %get3A_796] {strides = array<i32>} : memref<80x128xf32, #tpu.memory_space<vmem>>, vector<1x16xf32>,
        %get3A_798 = vector.shape_cast %get3A_797 : vector<1x16xf32> to vector<16xf32>
        %add3A_799 = arith.constant 15 : i32
        %add3A_800 = arith.addi %mul3A_122, %add3A_799 : i32
        %mul3A_801 = arith.constant 16 : i32
        %mul3A_802 = arith.muli %scan3A_505, %mul3A_801 : i32
        %get3A_803 = arith.index_cast %add3A_800 : i32 to index
        %get3A_804 = arith.index_cast %mul3A_802 : i32 to index
        %get3A_805 = tpu.vector_load %arg13[%get3A_803, %get3A_804] {strides = array<i32>} : memref<80x128xf32, #tpu.memory_space<vmem>>, vector<1x16xf32>,
        %get3A_806 = vector.shape_cast %get3A_805 : vector<1x16xf32> to vector<16xf32>
        %mul3A_807 = arith.mulf %get3A_798, %get3A_806 : vector<16xf32>
        %add3A_808 = arith.addf %scan3A_521, %mul3A_807 : vector<16xf32>
        scf.yield %add3A_538, %add3A_556, %add3A_574, %add3A_592, %add3A_610, %add3A_628, %add3A_646, %add3A_664, %add3A_682, %add3A_700, %add3A_718, %add3A_736, %add3A_754, %add3A_772, %add3A_790, %add3A_808 : vector<16xf32>, vector<16xf32>, vector<16xf32>, vector<16xf32>, vector<16xf32>, vector<16xf32>, vector<16xf32>, vector<16xf32>, vector<16xf32>, vector<16xf32>, vector<16xf32>, vector<16xf32>, vector<16xf32>, vector<16xf32>, vector<16xf32>, vector<16xf32>
      }
      %scan3A_159 = arith.constant 8 : i32
      %lt3A = arith.constant 0 : i32
      %lt3A_160 = vector.broadcast %lt3A : i32 to vector<16xi32>
      %lt3A_161 = arith.cmpi slt, %xor3A_4, %lt3A_160 : vector<16xi32>
      %add3A_162 = arith.constant 16 : i32
      %add3A_163 = vector.broadcast %add3A_162 : i32 to vector<16xi32>
      %add3A_164 = arith.addi %xor3A_4, %add3A_163 : vector<16xi32>
      %select_n3A = arith.select %lt3A_161, %add3A_164, %xor3A_4 : vector<16xi1>, vector<16xi32>
      %broadcast_in_dim3A_165 = vector.shape_cast %select_n3A : vector<16xi32> to vector<16x1xi32>
      %gather3A = vector.shape_cast %broadcast_in_dim3A_165 : vector<16x1xi32> to vector<16xi32>
      %gather3A_166 = tpu.dynamic_gather %scan3A_158#0[%gather3A] in [0] : vector<16xf32>, vector<16xi32> -> vector<16xf32>
      %add3A_167 = arith.addf %scan3A_158#0, %gather3A_166 : vector<16xf32>
      %lt3A_168 = arith.constant 0 : i32
      %lt3A_169 = vector.broadcast %lt3A_168 : i32 to vector<16xi32>
      %lt3A_170 = arith.cmpi slt, %xor3A_4, %lt3A_169 : vector<16xi32>
      %add3A_171 = arith.constant 16 : i32
      %add3A_172 = vector.broadcast %add3A_171 : i32 to vector<16xi32>
      %add3A_173 = arith.addi %xor3A_4, %add3A_172 : vector<16xi32>
      %select_n3A_174 = arith.select %lt3A_170, %add3A_173, %xor3A_4 : vector<16xi1>, vector<16xi32>
      %broadcast_in_dim3A_175 = vector.shape_cast %select_n3A_174 : vector<16xi32> to vector<16x1xi32>
      %gather3A_176 = vector.shape_cast %broadcast_in_dim3A_175 : vector<16x1xi32> to vector<16xi32>
      %gather3A_177 = tpu.dynamic_gather %scan3A_158#8[%gather3A_176] in [0] : vector<16xf32>, vector<16xi32> -> vector<16xf32>
      %add3A_178 = arith.addf %scan3A_158#8, %gather3A_177 : vector<16xf32>
      %select_n3A_179 = arith.select %eq3A_17, %add3A_167, %add3A_178 : vector<16xi1>, vector<16xf32>
      %lt3A_180 = arith.constant 0 : i32
      %lt3A_181 = vector.broadcast %lt3A_180 : i32 to vector<16xi32>
      %lt3A_182 = arith.cmpi slt, %xor3A_4, %lt3A_181 : vector<16xi32>
      %add3A_183 = arith.constant 16 : i32
      %add3A_184 = vector.broadcast %add3A_183 : i32 to vector<16xi32>
      %add3A_185 = arith.addi %xor3A_4, %add3A_184 : vector<16xi32>
      %select_n3A_186 = arith.select %lt3A_182, %add3A_185, %xor3A_4 : vector<16xi1>, vector<16xi32>
      %broadcast_in_dim3A_187 = vector.shape_cast %select_n3A_186 : vector<16xi32> to vector<16x1xi32>
      %gather3A_188 = vector.shape_cast %broadcast_in_dim3A_187 : vector<16x1xi32> to vector<16xi32>
      %gather3A_189 = tpu.dynamic_gather %scan3A_158#1[%gather3A_188] in [0] : vector<16xf32>, vector<16xi32> -> vector<16xf32>
      %add3A_190 = arith.addf %scan3A_158#1, %gather3A_189 : vector<16xf32>
      %lt3A_191 = arith.constant 0 : i32
      %lt3A_192 = vector.broadcast %lt3A_191 : i32 to vector<16xi32>
      %lt3A_193 = arith.cmpi slt, %xor3A_4, %lt3A_192 : vector<16xi32>
      %add3A_194 = arith.constant 16 : i32
      %add3A_195 = vector.broadcast %add3A_194 : i32 to vector<16xi32>
      %add3A_196 = arith.addi %xor3A_4, %add3A_195 : vector<16xi32>
      %select_n3A_197 = arith.select %lt3A_193, %add3A_196, %xor3A_4 : vector<16xi1>, vector<16xi32>
      %broadcast_in_dim3A_198 = vector.shape_cast %select_n3A_197 : vector<16xi32> to vector<16x1xi32>
      %gather3A_199 = vector.shape_cast %broadcast_in_dim3A_198 : vector<16x1xi32> to vector<16xi32>
      %gather3A_200 = tpu.dynamic_gather %scan3A_158#9[%gather3A_199] in [0] : vector<16xf32>, vector<16xi32> -> vector<16xf32>
      %add3A_201 = arith.addf %scan3A_158#9, %gather3A_200 : vector<16xf32>
      %select_n3A_202 = arith.select %eq3A_17, %add3A_190, %add3A_201 : vector<16xi1>, vector<16xf32>
      %lt3A_203 = arith.constant 0 : i32
      %lt3A_204 = vector.broadcast %lt3A_203 : i32 to vector<16xi32>
      %lt3A_205 = arith.cmpi slt, %xor3A_4, %lt3A_204 : vector<16xi32>
      %add3A_206 = arith.constant 16 : i32
      %add3A_207 = vector.broadcast %add3A_206 : i32 to vector<16xi32>
      %add3A_208 = arith.addi %xor3A_4, %add3A_207 : vector<16xi32>
      %select_n3A_209 = arith.select %lt3A_205, %add3A_208, %xor3A_4 : vector<16xi1>, vector<16xi32>
      %broadcast_in_dim3A_210 = vector.shape_cast %select_n3A_209 : vector<16xi32> to vector<16x1xi32>
      %gather3A_211 = vector.shape_cast %broadcast_in_dim3A_210 : vector<16x1xi32> to vector<16xi32>
      %gather3A_212 = tpu.dynamic_gather %scan3A_158#2[%gather3A_211] in [0] : vector<16xf32>, vector<16xi32> -> vector<16xf32>
      %add3A_213 = arith.addf %scan3A_158#2, %gather3A_212 : vector<16xf32>
      %lt3A_214 = arith.constant 0 : i32
      %lt3A_215 = vector.broadcast %lt3A_214 : i32 to vector<16xi32>
      %lt3A_216 = arith.cmpi slt, %xor3A_4, %lt3A_215 : vector<16xi32>
      %add3A_217 = arith.constant 16 : i32
      %add3A_218 = vector.broadcast %add3A_217 : i32 to vector<16xi32>
      %add3A_219 = arith.addi %xor3A_4, %add3A_218 : vector<16xi32>
      %select_n3A_220 = arith.select %lt3A_216, %add3A_219, %xor3A_4 : vector<16xi1>, vector<16xi32>
      %broadcast_in_dim3A_221 = vector.shape_cast %select_n3A_220 : vector<16xi32> to vector<16x1xi32>
      %gather3A_222 = vector.shape_cast %broadcast_in_dim3A_221 : vector<16x1xi32> to vector<16xi32>
      %gather3A_223 = tpu.dynamic_gather %scan3A_158#10[%gather3A_222] in [0] : vector<16xf32>, vector<16xi32> -> vector<16xf32>
      %add3A_224 = arith.addf %scan3A_158#10, %gather3A_223 : vector<16xf32>
      %select_n3A_225 = arith.select %eq3A_17, %add3A_213, %add3A_224 : vector<16xi1>, vector<16xf32>
      %lt3A_226 = arith.constant 0 : i32
      %lt3A_227 = vector.broadcast %lt3A_226 : i32 to vector<16xi32>
      %lt3A_228 = arith.cmpi slt, %xor3A_4, %lt3A_227 : vector<16xi32>
      %add3A_229 = arith.constant 16 : i32
      %add3A_230 = vector.broadcast %add3A_229 : i32 to vector<16xi32>
      %add3A_231 = arith.addi %xor3A_4, %add3A_230 : vector<16xi32>
      %select_n3A_232 = arith.select %lt3A_228, %add3A_231, %xor3A_4 : vector<16xi1>, vector<16xi32>
      %broadcast_in_dim3A_233 = vector.shape_cast %select_n3A_232 : vector<16xi32> to vector<16x1xi32>
      %gather3A_234 = vector.shape_cast %broadcast_in_dim3A_233 : vector<16x1xi32> to vector<16xi32>
      %gather3A_235 = tpu.dynamic_gather %scan3A_158#3[%gather3A_234] in [0] : vector<16xf32>, vector<16xi32> -> vector<16xf32>
      %add3A_236 = arith.addf %scan3A_158#3, %gather3A_235 : vector<16xf32>
      %lt3A_237 = arith.constant 0 : i32
      %lt3A_238 = vector.broadcast %lt3A_237 : i32 to vector<16xi32>
      %lt3A_239 = arith.cmpi slt, %xor3A_4, %lt3A_238 : vector<16xi32>
      %add3A_240 = arith.constant 16 : i32
      %add3A_241 = vector.broadcast %add3A_240 : i32 to vector<16xi32>
      %add3A_242 = arith.addi %xor3A_4, %add3A_241 : vector<16xi32>
      %select_n3A_243 = arith.select %lt3A_239, %add3A_242, %xor3A_4 : vector<16xi1>, vector<16xi32>
      %broadcast_in_dim3A_244 = vector.shape_cast %select_n3A_243 : vector<16xi32> to vector<16x1xi32>
      %gather3A_245 = vector.shape_cast %broadcast_in_dim3A_244 : vector<16x1xi32> to vector<16xi32>
      %gather3A_246 = tpu.dynamic_gather %scan3A_158#11[%gather3A_245] in [0] : vector<16xf32>, vector<16xi32> -> vector<16xf32>
      %add3A_247 = arith.addf %scan3A_158#11, %gather3A_246 : vector<16xf32>
      %select_n3A_248 = arith.select %eq3A_17, %add3A_236, %add3A_247 : vector<16xi1>, vector<16xf32>
      %lt3A_249 = arith.constant 0 : i32
      %lt3A_250 = vector.broadcast %lt3A_249 : i32 to vector<16xi32>
      %lt3A_251 = arith.cmpi slt, %xor3A_4, %lt3A_250 : vector<16xi32>
      %add3A_252 = arith.constant 16 : i32
      %add3A_253 = vector.broadcast %add3A_252 : i32 to vector<16xi32>
      %add3A_254 = arith.addi %xor3A_4, %add3A_253 : vector<16xi32>
      %select_n3A_255 = arith.select %lt3A_251, %add3A_254, %xor3A_4 : vector<16xi1>, vector<16xi32>
      %broadcast_in_dim3A_256 = vector.shape_cast %select_n3A_255 : vector<16xi32> to vector<16x1xi32>
      %gather3A_257 = vector.shape_cast %broadcast_in_dim3A_256 : vector<16x1xi32> to vector<16xi32>
      %gather3A_258 = tpu.dynamic_gather %scan3A_158#4[%gather3A_257] in [0] : vector<16xf32>, vector<16xi32> -> vector<16xf32>
      %add3A_259 = arith.addf %scan3A_158#4, %gather3A_258 : vector<16xf32>
      %lt3A_260 = arith.constant 0 : i32
      %lt3A_261 = vector.broadcast %lt3A_260 : i32 to vector<16xi32>
      %lt3A_262 = arith.cmpi slt, %xor3A_4, %lt3A_261 : vector<16xi32>
      %add3A_263 = arith.constant 16 : i32
      %add3A_264 = vector.broadcast %add3A_263 : i32 to vector<16xi32>
      %add3A_265 = arith.addi %xor3A_4, %add3A_264 : vector<16xi32>
      %select_n3A_266 = arith.select %lt3A_262, %add3A_265, %xor3A_4 : vector<16xi1>, vector<16xi32>
      %broadcast_in_dim3A_267 = vector.shape_cast %select_n3A_266 : vector<16xi32> to vector<16x1xi32>
      %gather3A_268 = vector.shape_cast %broadcast_in_dim3A_267 : vector<16x1xi32> to vector<16xi32>
      %gather3A_269 = tpu.dynamic_gather %scan3A_158#12[%gather3A_268] in [0] : vector<16xf32>, vector<16xi32> -> vector<16xf32>
      %add3A_270 = arith.addf %scan3A_158#12, %gather3A_269 : vector<16xf32>
      %select_n3A_271 = arith.select %eq3A_17, %add3A_259, %add3A_270 : vector<16xi1>, vector<16xf32>
      %lt3A_272 = arith.constant 0 : i32
      %lt3A_273 = vector.broadcast %lt3A_272 : i32 to vector<16xi32>
      %lt3A_274 = arith.cmpi slt, %xor3A_4, %lt3A_273 : vector<16xi32>
      %add3A_275 = arith.constant 16 : i32
      %add3A_276 = vector.broadcast %add3A_275 : i32 to vector<16xi32>
      %add3A_277 = arith.addi %xor3A_4, %add3A_276 : vector<16xi32>
      %select_n3A_278 = arith.select %lt3A_274, %add3A_277, %xor3A_4 : vector<16xi1>, vector<16xi32>
      %broadcast_in_dim3A_279 = vector.shape_cast %select_n3A_278 : vector<16xi32> to vector<16x1xi32>
      %gather3A_280 = vector.shape_cast %broadcast_in_dim3A_279 : vector<16x1xi32> to vector<16xi32>
      %gather3A_281 = tpu.dynamic_gather %scan3A_158#5[%gather3A_280] in [0] : vector<16xf32>, vector<16xi32> -> vector<16xf32>
      %add3A_282 = arith.addf %scan3A_158#5, %gather3A_281 : vector<16xf32>
      %lt3A_283 = arith.constant 0 : i32
      %lt3A_284 = vector.broadcast %lt3A_283 : i32 to vector<16xi32>
      %lt3A_285 = arith.cmpi slt, %xor3A_4, %lt3A_284 : vector<16xi32>
      %add3A_286 = arith.constant 16 : i32
      %add3A_287 = vector.broadcast %add3A_286 : i32 to vector<16xi32>
      %add3A_288 = arith.addi %xor3A_4, %add3A_287 : vector<16xi32>
      %select_n3A_289 = arith.select %lt3A_285, %add3A_288, %xor3A_4 : vector<16xi1>, vector<16xi32>
      %broadcast_in_dim3A_290 = vector.shape_cast %select_n3A_289 : vector<16xi32> to vector<16x1xi32>
      %gather3A_291 = vector.shape_cast %broadcast_in_dim3A_290 : vector<16x1xi32> to vector<16xi32>
      %gather3A_292 = tpu.dynamic_gather %scan3A_158#13[%gather3A_291] in [0] : vector<16xf32>, vector<16xi32> -> vector<16xf32>
      %add3A_293 = arith.addf %scan3A_158#13, %gather3A_292 : vector<16xf32>
      %select_n3A_294 = arith.select %eq3A_17, %add3A_282, %add3A_293 : vector<16xi1>, vector<16xf32>
      %lt3A_295 = arith.constant 0 : i32
      %lt3A_296 = vector.broadcast %lt3A_295 : i32 to vector<16xi32>
      %lt3A_297 = arith.cmpi slt, %xor3A_4, %lt3A_296 : vector<16xi32>
      %add3A_298 = arith.constant 16 : i32
      %add3A_299 = vector.broadcast %add3A_298 : i32 to vector<16xi32>
      %add3A_300 = arith.addi %xor3A_4, %add3A_299 : vector<16xi32>
      %select_n3A_301 = arith.select %lt3A_297, %add3A_300, %xor3A_4 : vector<16xi1>, vector<16xi32>
      %broadcast_in_dim3A_302 = vector.shape_cast %select_n3A_301 : vector<16xi32> to vector<16x1xi32>
      %gather3A_303 = vector.shape_cast %broadcast_in_dim3A_302 : vector<16x1xi32> to vector<16xi32>
      %gather3A_304 = tpu.dynamic_gather %scan3A_158#6[%gather3A_303] in [0] : vector<16xf32>, vector<16xi32> -> vector<16xf32>
      %add3A_305 = arith.addf %scan3A_158#6, %gather3A_304 : vector<16xf32>
      %lt3A_306 = arith.constant 0 : i32
      %lt3A_307 = vector.broadcast %lt3A_306 : i32 to vector<16xi32>
      %lt3A_308 = arith.cmpi slt, %xor3A_4, %lt3A_307 : vector<16xi32>
      %add3A_309 = arith.constant 16 : i32
      %add3A_310 = vector.broadcast %add3A_309 : i32 to vector<16xi32>
      %add3A_311 = arith.addi %xor3A_4, %add3A_310 : vector<16xi32>
      %select_n3A_312 = arith.select %lt3A_308, %add3A_311, %xor3A_4 : vector<16xi1>, vector<16xi32>
      %broadcast_in_dim3A_313 = vector.shape_cast %select_n3A_312 : vector<16xi32> to vector<16x1xi32>
      %gather3A_314 = vector.shape_cast %broadcast_in_dim3A_313 : vector<16x1xi32> to vector<16xi32>
      %gather3A_315 = tpu.dynamic_gather %scan3A_158#14[%gather3A_314] in [0] : vector<16xf32>, vector<16xi32> -> vector<16xf32>
      %add3A_316 = arith.addf %scan3A_158#14, %gather3A_315 : vector<16xf32>
      %select_n3A_317 = arith.select %eq3A_17, %add3A_305, %add3A_316 : vector<16xi1>, vector<16xf32>
      %lt3A_318 = arith.constant 0 : i32
      %lt3A_319 = vector.broadcast %lt3A_318 : i32 to vector<16xi32>
      %lt3A_320 = arith.cmpi slt, %xor3A_4, %lt3A_319 : vector<16xi32>
      %add3A_321 = arith.constant 16 : i32
      %add3A_322 = vector.broadcast %add3A_321 : i32 to vector<16xi32>
      %add3A_323 = arith.addi %xor3A_4, %add3A_322 : vector<16xi32>
      %select_n3A_324 = arith.select %lt3A_320, %add3A_323, %xor3A_4 : vector<16xi1>, vector<16xi32>
      %broadcast_in_dim3A_325 = vector.shape_cast %select_n3A_324 : vector<16xi32> to vector<16x1xi32>
      %gather3A_326 = vector.shape_cast %broadcast_in_dim3A_325 : vector<16x1xi32> to vector<16xi32>
      %gather3A_327 = tpu.dynamic_gather %scan3A_158#7[%gather3A_326] in [0] : vector<16xf32>, vector<16xi32> -> vector<16xf32>
      %add3A_328 = arith.addf %scan3A_158#7, %gather3A_327 : vector<16xf32>
      %lt3A_329 = arith.constant 0 : i32
      %lt3A_330 = vector.broadcast %lt3A_329 : i32 to vector<16xi32>
      %lt3A_331 = arith.cmpi slt, %xor3A_4, %lt3A_330 : vector<16xi32>
      %add3A_332 = arith.constant 16 : i32
      %add3A_333 = vector.broadcast %add3A_332 : i32 to vector<16xi32>
      %add3A_334 = arith.addi %xor3A_4, %add3A_333 : vector<16xi32>
      %select_n3A_335 = arith.select %lt3A_331, %add3A_334, %xor3A_4 : vector<16xi1>, vector<16xi32>
      %broadcast_in_dim3A_336 = vector.shape_cast %select_n3A_335 : vector<16xi32> to vector<16x1xi32>
      %gather3A_337 = vector.shape_cast %broadcast_in_dim3A_336 : vector<16x1xi32> to vector<16xi32>
      %gather3A_338 = tpu.dynamic_gather %scan3A_158#15[%gather3A_337] in [0] : vector<16xf32>, vector<16xi32> -> vector<16xf32>
      %add3A_339 = arith.addf %scan3A_158#15, %gather3A_338 : vector<16xf32>
      %select_n3A_340 = arith.select %eq3A_17, %add3A_328, %add3A_339 : vector<16xi1>, vector<16xf32>
      %lt3A_341 = arith.constant 0 : i32
      %lt3A_342 = vector.broadcast %lt3A_341 : i32 to vector<16xi32>
      %lt3A_343 = arith.cmpi slt, %xor3A_7, %lt3A_342 : vector<16xi32>
      %add3A_344 = arith.constant 16 : i32
      %add3A_345 = vector.broadcast %add3A_344 : i32 to vector<16xi32>
      %add3A_346 = arith.addi %xor3A_7, %add3A_345 : vector<16xi32>
      %select_n3A_347 = arith.select %lt3A_343, %add3A_346, %xor3A_7 : vector<16xi1>, vector<16xi32>
      %broadcast_in_dim3A_348 = vector.shape_cast %select_n3A_347 : vector<16xi32> to vector<16x1xi32>
      %gather3A_349 = vector.shape_cast %broadcast_in_dim3A_348 : vector<16x1xi32> to vector<16xi32>
      %gather3A_350 = tpu.dynamic_gather %select_n3A_179[%gather3A_349] in [0] : vector<16xf32>, vector<16xi32> -> vector<16xf32>
      %add3A_351 = arith.addf %select_n3A_179, %gather3A_350 : vector<16xf32>
      %lt3A_352 = arith.constant 0 : i32
      %lt3A_353 = vector.broadcast %lt3A_352 : i32 to vector<16xi32>
      %lt3A_354 = arith.cmpi slt, %xor3A_7, %lt3A_353 : vector<16xi32>
      %add3A_355 = arith.constant 16 : i32
      %add3A_356 = vector.broadcast %add3A_355 : i32 to vector<16xi32>
      %add3A_357 = arith.addi %xor3A_7, %add3A_356 : vector<16xi32>
      %select_n3A_358 = arith.select %lt3A_354, %add3A_357, %xor3A_7 : vector<16xi1>, vector<16xi32>
      %broadcast_in_dim3A_359 = vector.shape_cast %select_n3A_358 : vector<16xi32> to vector<16x1xi32>
      %gather3A_360 = vector.shape_cast %broadcast_in_dim3A_359 : vector<16x1xi32> to vector<16xi32>
      %gather3A_361 = tpu.dynamic_gather %select_n3A_271[%gather3A_360] in [0] : vector<16xf32>, vector<16xi32> -> vector<16xf32>
      %add3A_362 = arith.addf %select_n3A_271, %gather3A_361 : vector<16xf32>
      %select_n3A_363 = arith.select %eq3A_23, %add3A_351, %add3A_362 : vector<16xi1>, vector<16xf32>
      %lt3A_364 = arith.constant 0 : i32
      %lt3A_365 = vector.broadcast %lt3A_364 : i32 to vector<16xi32>
      %lt3A_366 = arith.cmpi slt, %xor3A_7, %lt3A_365 : vector<16xi32>
      %add3A_367 = arith.constant 16 : i32
      %add3A_368 = vector.broadcast %add3A_367 : i32 to vector<16xi32>
      %add3A_369 = arith.addi %xor3A_7, %add3A_368 : vector<16xi32>
      %select_n3A_370 = arith.select %lt3A_366, %add3A_369, %xor3A_7 : vector<16xi1>, vector<16xi32>
      %broadcast_in_dim3A_371 = vector.shape_cast %select_n3A_370 : vector<16xi32> to vector<16x1xi32>
      %gather3A_372 = vector.shape_cast %broadcast_in_dim3A_371 : vector<16x1xi32> to vector<16xi32>
      %gather3A_373 = tpu.dynamic_gather %select_n3A_202[%gather3A_372] in [0] : vector<16xf32>, vector<16xi32> -> vector<16xf32>
      %add3A_374 = arith.addf %select_n3A_202, %gather3A_373 : vector<16xf32>
      %lt3A_375 = arith.constant 0 : i32
      %lt3A_376 = vector.broadcast %lt3A_375 : i32 to vector<16xi32>
      %lt3A_377 = arith.cmpi slt, %xor3A_7, %lt3A_376 : vector<16xi32>
      %add3A_378 = arith.constant 16 : i32
      %add3A_379 = vector.broadcast %add3A_378 : i32 to vector<16xi32>
      %add3A_380 = arith.addi %xor3A_7, %add3A_379 : vector<16xi32>
      %select_n3A_381 = arith.select %lt3A_377, %add3A_380, %xor3A_7 : vector<16xi1>, vector<16xi32>
      %broadcast_in_dim3A_382 = vector.shape_cast %select_n3A_381 : vector<16xi32> to vector<16x1xi32>
      %gather3A_383 = vector.shape_cast %broadcast_in_dim3A_382 : vector<16x1xi32> to vector<16xi32>
      %gather3A_384 = tpu.dynamic_gather %select_n3A_294[%gather3A_383] in [0] : vector<16xf32>, vector<16xi32> -> vector<16xf32>
      %add3A_385 = arith.addf %select_n3A_294, %gather3A_384 : vector<16xf32>
      %select_n3A_386 = arith.select %eq3A_23, %add3A_374, %add3A_385 : vector<16xi1>, vector<16xf32>
      %lt3A_387 = arith.constant 0 : i32
      %lt3A_388 = vector.broadcast %lt3A_387 : i32 to vector<16xi32>
      %lt3A_389 = arith.cmpi slt, %xor3A_7, %lt3A_388 : vector<16xi32>
      %add3A_390 = arith.constant 16 : i32
      %add3A_391 = vector.broadcast %add3A_390 : i32 to vector<16xi32>
      %add3A_392 = arith.addi %xor3A_7, %add3A_391 : vector<16xi32>
      %select_n3A_393 = arith.select %lt3A_389, %add3A_392, %xor3A_7 : vector<16xi1>, vector<16xi32>
      %broadcast_in_dim3A_394 = vector.shape_cast %select_n3A_393 : vector<16xi32> to vector<16x1xi32>
      %gather3A_395 = vector.shape_cast %broadcast_in_dim3A_394 : vector<16x1xi32> to vector<16xi32>
      %gather3A_396 = tpu.dynamic_gather %select_n3A_225[%gather3A_395] in [0] : vector<16xf32>, vector<16xi32> -> vector<16xf32>
      %add3A_397 = arith.addf %select_n3A_225, %gather3A_396 : vector<16xf32>
      %lt3A_398 = arith.constant 0 : i32
      %lt3A_399 = vector.broadcast %lt3A_398 : i32 to vector<16xi32>
      %lt3A_400 = arith.cmpi slt, %xor3A_7, %lt3A_399 : vector<16xi32>
      %add3A_401 = arith.constant 16 : i32
      %add3A_402 = vector.broadcast %add3A_401 : i32 to vector<16xi32>
      %add3A_403 = arith.addi %xor3A_7, %add3A_402 : vector<16xi32>
      %select_n3A_404 = arith.select %lt3A_400, %add3A_403, %xor3A_7 : vector<16xi1>, vector<16xi32>
      %broadcast_in_dim3A_405 = vector.shape_cast %select_n3A_404 : vector<16xi32> to vector<16x1xi32>
      %gather3A_406 = vector.shape_cast %broadcast_in_dim3A_405 : vector<16x1xi32> to vector<16xi32>
      %gather3A_407 = tpu.dynamic_gather %select_n3A_317[%gather3A_406] in [0] : vector<16xf32>, vector<16xi32> -> vector<16xf32>
      %add3A_408 = arith.addf %select_n3A_317, %gather3A_407 : vector<16xf32>
      %select_n3A_409 = arith.select %eq3A_23, %add3A_397, %add3A_408 : vector<16xi1>, vector<16xf32>
      %lt3A_410 = arith.constant 0 : i32
      %lt3A_411 = vector.broadcast %lt3A_410 : i32 to vector<16xi32>
      %lt3A_412 = arith.cmpi slt, %xor3A_7, %lt3A_411 : vector<16xi32>
      %add3A_413 = arith.constant 16 : i32
      %add3A_414 = vector.broadcast %add3A_413 : i32 to vector<16xi32>
      %add3A_415 = arith.addi %xor3A_7, %add3A_414 : vector<16xi32>
      %select_n3A_416 = arith.select %lt3A_412, %add3A_415, %xor3A_7 : vector<16xi1>, vector<16xi32>
      %broadcast_in_dim3A_417 = vector.shape_cast %select_n3A_416 : vector<16xi32> to vector<16x1xi32>
      %gather3A_418 = vector.shape_cast %broadcast_in_dim3A_417 : vector<16x1xi32> to vector<16xi32>
      %gather3A_419 = tpu.dynamic_gather %select_n3A_248[%gather3A_418] in [0] : vector<16xf32>, vector<16xi32> -> vector<16xf32>
      %add3A_420 = arith.addf %select_n3A_248, %gather3A_419 : vector<16xf32>
      %lt3A_421 = arith.constant 0 : i32
      %lt3A_422 = vector.broadcast %lt3A_421 : i32 to vector<16xi32>
      %lt3A_423 = arith.cmpi slt, %xor3A_7, %lt3A_422 : vector<16xi32>
      %add3A_424 = arith.constant 16 : i32
      %add3A_425 = vector.broadcast %add3A_424 : i32 to vector<16xi32>
      %add3A_426 = arith.addi %xor3A_7, %add3A_425 : vector<16xi32>
      %select_n3A_427 = arith.select %lt3A_423, %add3A_426, %xor3A_7 : vector<16xi1>, vector<16xi32>
      %broadcast_in_dim3A_428 = vector.shape_cast %select_n3A_427 : vector<16xi32> to vector<16x1xi32>
      %gather3A_429 = vector.shape_cast %broadcast_in_dim3A_428 : vector<16x1xi32> to vector<16xi32>
      %gather3A_430 = tpu.dynamic_gather %select_n3A_340[%gather3A_429] in [0] : vector<16xf32>, vector<16xi32> -> vector<16xf32>
      %add3A_431 = arith.addf %select_n3A_340, %gather3A_430 : vector<16xf32>
      %select_n3A_432 = arith.select %eq3A_23, %add3A_420, %add3A_431 : vector<16xi1>, vector<16xf32>
      %lt3A_433 = arith.constant 0 : i32
      %lt3A_434 = vector.broadcast %lt3A_433 : i32 to vector<16xi32>
      %lt3A_435 = arith.cmpi slt, %xor3A_10, %lt3A_434 : vector<16xi32>
      %add3A_436 = arith.constant 16 : i32
      %add3A_437 = vector.broadcast %add3A_436 : i32 to vector<16xi32>
      %add3A_438 = arith.addi %xor3A_10, %add3A_437 : vector<16xi32>
      %select_n3A_439 = arith.select %lt3A_435, %add3A_438, %xor3A_10 : vector<16xi1>, vector<16xi32>
      %broadcast_in_dim3A_440 = vector.shape_cast %select_n3A_439 : vector<16xi32> to vector<16x1xi32>
      %gather3A_441 = vector.shape_cast %broadcast_in_dim3A_440 : vector<16x1xi32> to vector<16xi32>
      %gather3A_442 = tpu.dynamic_gather %select_n3A_363[%gather3A_441] in [0] : vector<16xf32>, vector<16xi32> -> vector<16xf32>
      %add3A_443 = arith.addf %select_n3A_363, %gather3A_442 : vector<16xf32>
      %lt3A_444 = arith.constant 0 : i32
      %lt3A_445 = vector.broadcast %lt3A_444 : i32 to vector<16xi32>
      %lt3A_446 = arith.cmpi slt, %xor3A_10, %lt3A_445 : vector<16xi32>
      %add3A_447 = arith.constant 16 : i32
      %add3A_448 = vector.broadcast %add3A_447 : i32 to vector<16xi32>
      %add3A_449 = arith.addi %xor3A_10, %add3A_448 : vector<16xi32>
      %select_n3A_450 = arith.select %lt3A_446, %add3A_449, %xor3A_10 : vector<16xi1>, vector<16xi32>
      %broadcast_in_dim3A_451 = vector.shape_cast %select_n3A_450 : vector<16xi32> to vector<16x1xi32>
      %gather3A_452 = vector.shape_cast %broadcast_in_dim3A_451 : vector<16x1xi32> to vector<16xi32>
      %gather3A_453 = tpu.dynamic_gather %select_n3A_409[%gather3A_452] in [0] : vector<16xf32>, vector<16xi32> -> vector<16xf32>
      %add3A_454 = arith.addf %select_n3A_409, %gather3A_453 : vector<16xf32>
      %select_n3A_455 = arith.select %eq3A_29, %add3A_443, %add3A_454 : vector<16xi1>, vector<16xf32>
      %lt3A_456 = arith.constant 0 : i32
      %lt3A_457 = vector.broadcast %lt3A_456 : i32 to vector<16xi32>
      %lt3A_458 = arith.cmpi slt, %xor3A_10, %lt3A_457 : vector<16xi32>
      %add3A_459 = arith.constant 16 : i32
      %add3A_460 = vector.broadcast %add3A_459 : i32 to vector<16xi32>
      %add3A_461 = arith.addi %xor3A_10, %add3A_460 : vector<16xi32>
      %select_n3A_462 = arith.select %lt3A_458, %add3A_461, %xor3A_10 : vector<16xi1>, vector<16xi32>
      %broadcast_in_dim3A_463 = vector.shape_cast %select_n3A_462 : vector<16xi32> to vector<16x1xi32>
      %gather3A_464 = vector.shape_cast %broadcast_in_dim3A_463 : vector<16x1xi32> to vector<16xi32>
      %gather3A_465 = tpu.dynamic_gather %select_n3A_386[%gather3A_464] in [0] : vector<16xf32>, vector<16xi32> -> vector<16xf32>
      %add3A_466 = arith.addf %select_n3A_386, %gather3A_465 : vector<16xf32>
      %lt3A_467 = arith.constant 0 : i32
      %lt3A_468 = vector.broadcast %lt3A_467 : i32 to vector<16xi32>
      %lt3A_469 = arith.cmpi slt, %xor3A_10, %lt3A_468 : vector<16xi32>
      %add3A_470 = arith.constant 16 : i32
      %add3A_471 = vector.broadcast %add3A_470 : i32 to vector<16xi32>
      %add3A_472 = arith.addi %xor3A_10, %add3A_471 : vector<16xi32>
      %select_n3A_473 = arith.select %lt3A_469, %add3A_472, %xor3A_10 : vector<16xi1>, vector<16xi32>
      %broadcast_in_dim3A_474 = vector.shape_cast %select_n3A_473 : vector<16xi32> to vector<16x1xi32>
      %gather3A_475 = vector.shape_cast %broadcast_in_dim3A_474 : vector<16x1xi32> to vector<16xi32>
      %gather3A_476 = tpu.dynamic_gather %select_n3A_432[%gather3A_475] in [0] : vector<16xf32>, vector<16xi32> -> vector<16xf32>
      %add3A_477 = arith.addf %select_n3A_432, %gather3A_476 : vector<16xf32>
      %select_n3A_478 = arith.select %eq3A_29, %add3A_466, %add3A_477 : vector<16xi1>, vector<16xf32>
      %lt3A_479 = arith.constant 0 : i32
      %lt3A_480 = vector.broadcast %lt3A_479 : i32 to vector<16xi32>
      %lt3A_481 = arith.cmpi slt, %xor3A_13, %lt3A_480 : vector<16xi32>
      %add3A_482 = arith.constant 16 : i32
      %add3A_483 = vector.broadcast %add3A_482 : i32 to vector<16xi32>
      %add3A_484 = arith.addi %xor3A_13, %add3A_483 : vector<16xi32>
      %select_n3A_485 = arith.select %lt3A_481, %add3A_484, %xor3A_13 : vector<16xi1>, vector<16xi32>
      %broadcast_in_dim3A_486 = vector.shape_cast %select_n3A_485 : vector<16xi32> to vector<16x1xi32>
      %gather3A_487 = vector.shape_cast %broadcast_in_dim3A_486 : vector<16x1xi32> to vector<16xi32>
      %gather3A_488 = tpu.dynamic_gather %select_n3A_455[%gather3A_487] in [0] : vector<16xf32>, vector<16xi32> -> vector<16xf32>
      %add3A_489 = arith.addf %select_n3A_455, %gather3A_488 : vector<16xf32>
      %lt3A_490 = arith.constant 0 : i32
      %lt3A_491 = vector.broadcast %lt3A_490 : i32 to vector<16xi32>
      %lt3A_492 = arith.cmpi slt, %xor3A_13, %lt3A_491 : vector<16xi32>
      %add3A_493 = arith.constant 16 : i32
      %add3A_494 = vector.broadcast %add3A_493 : i32 to vector<16xi32>
      %add3A_495 = arith.addi %xor3A_13, %add3A_494 : vector<16xi32>
      %select_n3A_496 = arith.select %lt3A_492, %add3A_495, %xor3A_13 : vector<16xi1>, vector<16xi32>
      %broadcast_in_dim3A_497 = vector.shape_cast %select_n3A_496 : vector<16xi32> to vector<16x1xi32>
      %gather3A_498 = vector.shape_cast %broadcast_in_dim3A_497 : vector<16x1xi32> to vector<16xi32>
      %gather3A_499 = tpu.dynamic_gather %select_n3A_478[%gather3A_498] in [0] : vector<16xf32>, vector<16xi32> -> vector<16xf32>
      %add3A_500 = arith.addf %select_n3A_478, %gather3A_499 : vector<16xf32>
      %select_n3A_501 = arith.select %eq3A_35, %add3A_489, %add3A_500 : vector<16xi1>, vector<16xf32>
      %swap3A = arith.index_cast %mul3A_122 : i32 to index
      %swap3A_502 = tpu.vector_load %arg16[%swap3A] {strides = array<i32>} : memref<80xf32, #tpu.memory_space<vmem>>, vector<16xf32>,
      %swap3A_503 = vector.shape_cast %swap3A_502 : vector<16xf32> to vector<16xf32>
      %swap3A_504 = vector.shape_cast %select_n3A_501 : vector<16xf32> to vector<16xf32>
      tpu.vector_store %arg16[%swap3A], %swap3A_504 {strides = array<i32>} : memref<80xf32, #tpu.memory_space<vmem>>, vector<16xf32>,
    }
    %scan3A_95 = arith.constant 5 : i32
    %add3A_96 = arith.constant 9920 : i32
    %add3A_97 = arith.addi %mul3A_2, %add3A_96 : i32
    %dma_start3A_98 = tpu.memref_slice %arg6[%add3A_97] : memref<320000xf32, #tpu.memory_space<hbm>> -> memref<80xf32, #tpu.memory_space<hbm>>
    %dma_start3A_99 = tpu.memref_slice %arg6[%add3A_97] : memref<320000xf32, #tpu.memory_space<hbm>> -> memref<80xf32, #tpu.memory_space<hbm>>
    tpu.enqueue_dma source(%arg16 : memref<80xf32, #tpu.memory_space<vmem>>) target(%dma_start3A_99 : memref<80xf32, #tpu.memory_space<hbm>>) target_semaphore(%arg24 : memref<!tpu.dma_semaphore, #tpu.memory_space<semaphore_mem>>)
    %add3A_100 = arith.constant 0 : i32
    %add3A_101 = arith.addi %mul3A_2, %add3A_100 : i32
    %dma_wait3A_102 = tpu.memref_slice %arg4[%add3A_101] : memref<320000xi32, #tpu.memory_space<hbm>> -> memref<80xi32, #tpu.memory_space<hbm>>
    %dma_wait3A_103 = tpu.memref_slice %arg4[%add3A_101] : memref<320000xi32, #tpu.memory_space<hbm>> -> memref<80xi32, #tpu.memory_space<hbm>>
    tpu.wait_dma2 semaphore(%arg22 : memref<!tpu.dma_semaphore, #tpu.memory_space<semaphore_mem>>) src(%dma_wait3A_103 : memref<80xi32, #tpu.memory_space<hbm>>) dst(%arg8 : memref<80xi32, #tpu.memory_space<vmem>>)
    %dma_wait3A_104 = tpu.memref_slice %arg5[%add3A_101] : memref<320000xi32, #tpu.memory_space<hbm>> -> memref<80xi32, #tpu.memory_space<hbm>>
    %dma_wait3A_105 = tpu.memref_slice %arg5[%add3A_101] : memref<320000xi32, #tpu.memory_space<hbm>> -> memref<80xi32, #tpu.memory_space<hbm>>
    tpu.wait_dma2 semaphore(%arg22 : memref<!tpu.dma_semaphore, #tpu.memory_space<semaphore_mem>>) src(%dma_wait3A_105 : memref<80xi32, #tpu.memory_space<hbm>>) dst(%arg9 : memref<80xi32, #tpu.memory_space<vmem>>)
    %add3A_106 = arith.constant 0 : i32
    %add3A_107 = arith.addi %mul3A_2, %add3A_106 : i32
    %dma_wait3A_108 = tpu.memref_slice %arg4[%add3A_107] : memref<320000xi32, #tpu.memory_space<hbm>> -> memref<80xi32, #tpu.memory_space<hbm>>
    %dma_wait3A_109 = tpu.memref_slice %arg4[%add3A_107] : memref<320000xi32, #tpu.memory_space<hbm>> -> memref<80xi32, #tpu.memory_space<hbm>>
    tpu.wait_dma2 semaphore(%arg23 : memref<!tpu.dma_semaphore, #tpu.memory_space<semaphore_mem>>) src(%dma_wait3A_109 : memref<80xi32, #tpu.memory_space<hbm>>) dst(%arg10 : memref<80xi32, #tpu.memory_space<vmem>>)
    %dma_wait3A_110 = tpu.memref_slice %arg5[%add3A_107] : memref<320000xi32, #tpu.memory_space<hbm>> -> memref<80xi32, #tpu.memory_space<hbm>>
    %dma_wait3A_111 = tpu.memref_slice %arg5[%add3A_107] : memref<320000xi32, #tpu.memory_space<hbm>> -> memref<80xi32, #tpu.memory_space<hbm>>
    tpu.wait_dma2 semaphore(%arg23 : memref<!tpu.dma_semaphore, #tpu.memory_space<semaphore_mem>>) src(%dma_wait3A_111 : memref<80xi32, #tpu.memory_space<hbm>>) dst(%arg11 : memref<80xi32, #tpu.memory_space<vmem>>)
    %add3A_112 = arith.constant 9920 : i32
    %add3A_113 = arith.addi %mul3A_2, %add3A_112 : i32
    %dma_wait3A_114 = tpu.memref_slice %arg6[%add3A_113] : memref<320000xf32, #tpu.memory_space<hbm>> -> memref<80xf32, #tpu.memory_space<hbm>>
    %dma_wait3A_115 = tpu.memref_slice %arg6[%add3A_113] : memref<320000xf32, #tpu.memory_space<hbm>> -> memref<80xf32, #tpu.memory_space<hbm>>
    tpu.wait_dma2 semaphore(%arg24 : memref<!tpu.dma_semaphore, #tpu.memory_space<semaphore_mem>>) src(%arg16 : memref<80xf32, #tpu.memory_space<vmem>>) dst(%dma_wait3A_115 : memref<80xf32, #tpu.memory_space<hbm>>)
    %add3A_116 = arith.constant 9840 : i32
    %add3A_117 = arith.addi %mul3A_2, %add3A_116 : i32
    %dma_wait3A_118 = tpu.memref_slice %arg6[%add3A_117] : memref<320000xf32, #tpu.memory_space<hbm>> -> memref<80xf32, #tpu.memory_space<hbm>>
    %dma_wait3A_119 = tpu.memref_slice %arg6[%add3A_117] : memref<320000xf32, #tpu.memory_space<hbm>> -> memref<80xf32, #tpu.memory_space<hbm>>
    tpu.wait_dma2 semaphore(%arg25 : memref<!tpu.dma_semaphore, #tpu.memory_space<semaphore_mem>>) src(%arg17 : memref<80xf32, #tpu.memory_space<vmem>>) dst(%dma_wait3A_119 : memref<80xf32, #tpu.memory_space<hbm>>)
    return
  }
}

</mosaic_0001>

<sc_bundles>
// kernel: kernel.3.cloned.1.call-start
scs
__scs_entry_jumppad:
0x0: {  	(pc) =	sbr.rel $0x88, $3  }
0x1: {  	(tag) =	ssettag $0x0;
	lr =	simm.s32 $0x1  }
0x2: {  	[smem:$0x3F9E] =	sst lr;
	_ =	strace $0xD0000000  }
0x3: {  	_ = 	snop  }
0x4: {  	_ = 	snop  }
0x5: {  	_ = 	snop  }
0x6: {  	_ = 	snop  }
0x7: {  	_ = 	snop  }
__scs_overlays_trampoline_lowered:
0x8: {  	[smem:$0x3FAD] =	sst s0  }
0x9: {  	[smem:$0x3FAE] =	sst s1  }
0xa: {  	[smem:$0x3FAF] =	sst s2  }
0xb: {  	[smem:$0x3FB0] =	sst s3  }
0xc: {  	[smem:$0x3FB1] =	sst s4  }
0xd: {  	[smem:$0x3FB2] =	sst s5  }
0xe: {  	[smem:$0x3FB3] =	sst s6  }
0xf: {  	[smem:$0x3FB4] =	sst s7  }
0x10: {  	[smem:$0x3FB5] =	sst s8  }
0x11: {  	[smem:$0x3FB6] =	sst s9;
	s0 =	simm.s32 @!p0 $0x0  }
0x12: {  	s1 =	sld [smem:$0x3F9C];
	s0 =	simm.s32 @p0 $0x1  }
0x13: {  	[smem:$0x3FB7] =	sst s0;
	s0 =	simm.s32 @!p1 $0x0  }
0x14: {  	s2 =	sld [smem:$0x3F9B];
	s0 =	simm.s32 @p1 $0x1  }
0x15: {  	[smem:$0x3FB8] =	sst s0;
	s0 =	simm.s32 @!p2 $0x0  }
0x16: {  	s3 =	sld [smem:$0x3FDB];
	s0 =	simm.s32 @p2 $0x1  }
0x17: {  	s4 =	simm.s32 $0x1BF5;
	[smem:$0x3FBA] =	sst s0  }
0x18: {  	s0 =	sld [smem:$0x3F9D];
	_ =	swait.ge [sflag:s4], $0x0  }
0x19: {  	s7 =	sld [smem:$0x3F9E]  }
0x1a: {  	s8 =	sadd.s32 $0xFFFFE003, lr  }
0x1b: {  	s9 =	sadd.s32 $0xFFFFFEF7, lr;
	s5 =	simm.s32 $0xFFFFFFFF;
	p2 =	slt.u32 s8, $0xFFFFF086  }
0x1c: {  	p1 =	slt.u32 s9, $0xF7A;
	s5 =	simm.s32 @!p2 $0x0  }
0x1d: {  	s5 =	simm.s32 @p1 $0x1;
	p0 =	seq.s32 s7, s2  }
0x1e: {  	s7 =	smul.u32 @!p0 $0xF7A, s2;
	p2 =	seq.s32 @!p0 s5, $0x0  }
0x1f: {  	s9 =	smul.u32 $0xF7A, s1;
	s8 =	simm.s32 @!p0 $0x1BF5;
	p2 =	por !p2, p0  }
0x20: {  	[sflag:s8] =	ssyncset.s32 @!p0 $0xFFFFF086;
	s6 =	sadd.s32 @!p0 s3, s7;
	s7 =	simm.s32 @!p0 $0x108  }
0x21: {  	s3 =	sadd.s32 s3, s9;
	s6 =	sadd.s32 @!p0 $0x88, s6;
	s7 =	simm.s32 @p2 $0x1082  }
0x22: {  	[simem:s7], [sflag:s8] =	dma.local @!p0 [hbm:s6], $0xF7A  }
0x23: {  	s9 =	sor.u32 $0xD0000000, s2;
	s6 =	simm.s32 $0x108;
	_ =	swait.ge @!p0 [sflag:s8], $0x0  }
0x24: {  	s3 =	sadd.s32 $0x88, s3;
	s6 =	simm.s32 @!p1 $0x1082;
	[sflag:s4] =	ssyncset.s32 $0xFFFFF086  }
0x25: {  	[simem:s6], [sflag:s4] =	dma.local [hbm:s3], $0xF7A  }
0x26: {  	[smem:$0x3F9E] =	sst s1;
	(tag) =	ssettag s2;
	_ =	strace s9  }
0x27: {  	s1 =	sld [smem:$0x3FAE]  }
0x28: {  	s2 =	sld [smem:$0x3FAF]  }
0x29: {  	s4 =	sld [smem:$0x3FB1]  }
0x2a: {  	p0 =	seq.s32 s5, $0x0;
	s5 =	sld [smem:$0x3FB2]  }
0x2b: {  	s6 =	sld [smem:$0x3FB3]  }
0x2c: {  	s7 =	sld [smem:$0x3FB4]  }
0x2d: {  	s3 =	simm.s32 $0x108;
	s8 =	sld [smem:$0x3FB5]  }
0x2e: {  	s3 =	simm.s32 @!p0 $0x1082;
	s9 =	sld [smem:$0x3FB6]  }
0x2f: {  	lr =	sadd.s32 s0, s3;
	s0 =	sld [smem:$0x3FAD]  }
0x30: {  	s3 =	sld [smem:$0x3FB0]  }
0x31: {  	[smem:$0x3FB9] =	sst s10  }
0x32: {  	s10 =	sld [smem:$0x3FB7];
	_ =	sdelay $0x3  }
0x33: {  	p0 =	seq.s32 s10, $0x1;
	s10 =	sld [smem:$0x3FB9];
	_ =	sdelay $0x3  }
0x34: {  	[smem:$0x3FB9] =	sst s10  }
0x35: {  	s10 =	sld [smem:$0x3FB8];
	_ =	sdelay $0x3  }
0x36: {  	p1 =	seq.s32 s10, $0x1;
	s10 =	sld [smem:$0x3FB9];
	_ =	sdelay $0x3  }
0x37: {  	[smem:$0x3FB9] =	sst s10  }
0x38: {  	s10 =	sld [smem:$0x3FBA]  }
0x39: {  	_ = 	snop;
	(pc) =	sbr.ind lr, $3  }
0x3a: {  	_ = 	snop  }
0x3b: {  	_ = 	snop  }
0x3c: {  	p2 =	seq.s32 s10, $0x1;
	s10 =	sld [smem:$0x3FB9]  }
0x3d: {  	_ =	shalt  }
0x3e: {  	_ =	shalt  }
0x3f: {  	_ =	shalt  }
0x40: {  	_ =	shalt  }
0x41: {  	_ =	shalt  }
0x42: {  	_ =	shalt  }
0x43: {  	_ =	shalt  }
0x44: {  	_ =	shalt  }
0x45: {  	_ =	shalt  }
0x46: {  	_ =	shalt  }
0x47: {  	_ =	shalt  }
0x48: {  	_ =	shalt  }
0x49: {  	_ =	shalt  }
0x4a: {  	_ =	shalt  }
0x4b: {  	_ =	shalt  }
0x4c: {  	_ =	shalt  }
0x4d: {  	_ =	shalt  }
0x4e: {  	_ =	shalt  }
0x4f: {  	_ =	shalt  }
0x50: {  	_ =	shalt  }
0x51: {  	_ =	shalt  }
0x52: {  	_ =	shalt  }
0x53: {  	_ =	shalt  }
0x54: {  	_ =	shalt  }
0x55: {  	_ =	shalt  }
0x56: {  	_ =	shalt  }
0x57: {  	_ =	shalt  }
0x58: {  	_ =	shalt  }
0x59: {  	_ =	shalt  }
0x5a: {  	_ =	shalt  }
0x5b: {  	_ =	shalt  }
0x5c: {  	_ =	shalt  }
0x5d: {  	_ =	shalt  }
0x5e: {  	_ =	shalt  }
0x5f: {  	_ =	shalt  }
0x60: {  	_ =	shalt  }
0x61: {  	_ =	shalt  }
0x62: {  	_ =	shalt  }
0x63: {  	_ =	shalt  }
0x64: {  	_ =	shalt  }
0x65: {  	_ =	shalt  }
0x66: {  	_ =	shalt  }
0x67: {  	_ =	shalt  }
0x68: {  	_ =	shalt  }
0x69: {  	_ =	shalt  }
0x6a: {  	_ =	shalt  }
0x6b: {  	_ =	shalt  }
0x6c: {  	_ =	shalt  }
0x6d: {  	_ =	shalt  }
0x6e: {  	_ =	shalt  }
0x6f: {  	_ =	shalt  }
0x70: {  	_ =	shalt  }
0x71: {  	_ =	shalt  }
0x72: {  	_ =	shalt  }
0x73: {  	_ =	shalt  }
0x74: {  	_ =	shalt  }
0x75: {  	_ =	shalt  }
0x76: {  	_ =	shalt  }
0x77: {  	_ =	shalt  }
0x78: {  	_ =	shalt  }
0x79: {  	_ =	shalt  }
0x7a: {  	_ =	shalt  }
0x7b: {  	_ =	shalt  }
0x7c: {  	_ =	shalt  }
0x7d: {  	_ =	shalt  }
0x7e: {  	_ =	shalt  }
0x7f: {  	_ =	shalt  }
0x80: {  	_ =	shalt  }
0x81: {  	_ =	shalt  }
0x82: {  	_ =	shalt  }
0x83: {  	_ =	shalt  }
0x84: {  	_ =	shalt  }
0x85: {  	_ =	shalt  }
0x86: {  	_ =	shalt  }
0x87: {  	_ =	shalt  }
.Lfunc_end0:
.L_simem_size_0:
called_computation_lowered:
.L_overlay_start_0:
0x88: {  	s2 =	sld [smem:$0x3FD9]  }
0x89: {  	s3 =	sld [smem:$0x3FFE];
	_ =	sdelay $0x1  }
0x8a: {  	s1 =	srdreg.scid  }
0x8b: {  	s0 =	sand.u32 $0x1, s1  }
0x8c: {  	s17 =	sshll.u32 s0, $0xA;
	s2 =	sadd.s32 s3, s2  }
0x8d: {  	s2 =	sadd.s32 s2, s17  }
0x8e: {  	[smem:$0x3FC5] =	sst s2  }
0x8f: {  	_ = 	snop  }
0x90: {  	s2 =	sld [smem:$0x3FC9]  }
0x91: {  	s18 =	sld [smem:$0x3FC8]  }
0x92: {  	s4 =	sld [smem:$0x3FD0];
	(tm) =	ssettm $0x1  }
0x93: {  	s5 =	sld [smem:$0x3FFB];
	_ =	sdelay $0x3  }
0x94: {  	_ =	strace s5  }
0x95: {  	s5 =	sld [smem:$0x3FFC];
	_ =	sdelay $0x3  }
0x96: {  	_ =	strace s5  }
0x97: {  	s5 =	sld [smem:$0x3FFD];
	_ =	sdelay $0x3  }
0x98: {  	_ =	strace s5  }
0x99: {  	_ =	strace $0x8FFFFFFF  }
0x9a: {  	s19 =	sld [smem:$0x3FDB];
	_ =	sdelay $0x1  }
0x9b: {  	s6 =	simm.s32 $_scs_section_size  }
0x9c: {  	s7 =	simm.s32 $_size__tile_overlayer_lowered;
	s8 =	simm.s32 $_tile_overlayer_lowered  }
0x9d: {  	s22 =	simm.s32 $0x1BFF;
	s21 =	sshll.u32 s8, $0x1;
	s5 =	sadd.s32 s6, s19  }
0x9e: {  	s9 =	simm.s32 $0x0;
	s20 =	sshll.u32 s7, $0x1;
	s7 =	sadd.s32 s21, s5  }
0x9f: {  	[timem:s9], [sflag:s22] =	dma.local [hbm:s7], s20  }
0xa0: {  	_ =	swait.ge [sflag:s22], s20  }
0xa1: {  	s6 =	ssub.s32 $0x0, s20;
	[sflag:s22] =	ssyncset.done $0x0  }
0xa2: {  	[sflag:s22] =	ssyncadd.s32 s6;
	_ =	sdelay $0x1  }
0xa3: {  	s23 =	simm.s32 $0x1B8B  }
0xa4: {  	_ =	swait.ge [sflag:s23], $0x1  }
0xa5: {  	[sflag:s23] =	ssyncset.done $0x0  }
0xa6: {  	s25 =	simm.s32 $0x1B8E;
	s24 =	sld [smem:$0x3FFE];
	[sflag:s23] =	ssyncadd.s32 $0xFFFFFFFF  }
0xa7: {  	s26 =	simm.s32 $execute0_lowered;
	[smem:$0x3FD2] =	sst s25  }
0xa8: {  	s7 =	sshll.u32 s26, $0x1;
	_ =	strace $0x80000046;
	[dreg:$0x1] =	wrdreg $0xFFFFFFFF  }
0xa9: {  	s28 =	simm.s32 $_size_execute0_lowered;
	s5 =	sadd.s32 s5, s7;
	[dreg:$0x0] =	wrdreg $0x0  }
0xaa: {  	s7 =	sshll.u32 s28, $0x1;
	[dreg:$0x2] =	wrdreg s5  }
0xab: {  	[dreg:$0x3] =	wrdreg s7  }
0xac: {  	[dreg:$0x4] =	wrdreg $0xC0  }
0xad: {  	_ =	task [dreg:s9], $0x5FFFF  }
0xae: {  	[dreg:$0x1] =	wrdreg $0xFFFFFFFF  }
0xaf: {  	[dreg:$0x0] =	wrdreg $0x60  }
0xb0: {  	[dreg:$0x2] =	wrdreg s2  }
0xb1: {  	[dreg:$0x3] =	wrdreg s18  }
0xb2: {  	[dreg:$0x4] =	wrdreg s24  }
0xb3: {  	[dreg:$0x5] =	wrdreg s4  }
0xb4: {  	[dreg:$0x6] =	wrdreg $0x0  }
0xb5: {  	[dreg:$0x7] =	wrdreg $0x9  }
0xb6: {  	_ =	task.clear_ibuf [dreg:s9], $0x8FFFF;
	_ =	strace $0x90000046  }
0xb7: {  	s29 =	simm.s32 $0x9;
	_ =	strace $0x80000048  }
0xb8: {  	_ =	swait.ge [sflag:s29], $0x1  }
0xb9: {  	[sflag:s29] =	ssyncadd.s32 $0xFFFFFFFF  }
0xba: {  	_ =	strace $0x90000048  }
0xbb: {  	_ =	sfence  }
0xbc: {  	s30 =	sld [smem:$0x0];
	_ =	sdelay $0x2  }
0xbd: {  	s31 =	sshll.u32 s1, $0xD;
	s1 =	sshrl.u32 s1, $0x2  }
0xbe: {  	s3 =	sand.u32 $0x4000, s31;
	s1 =	sadd.s32 s1, s30  }
0xbf: {  	s0 =	sor.u32 s3, s0;
	s1 =	sshll.u32 s1, $0x11  }
0xc0: {  	s0 =	sor.u32 s1, s0  }
0xc1: {  	s0 =	sadd.s32 $0x8F2B, s0  }
0xc2: {  	[sflag:s0] =	ssyncadd.remote.s32 $0x1  }
0xc3: {  	_ =	sfence.sel $0xFFFF  }
0xc4: {  	[dreg:$0x0] =	wrdreg $0xFFFFFFFF;
	(pc) =	sbr.abs _section_cstart, $3  }
0xc5: {  	[dreg:$0x1] =	wrdreg $0xFFFFFFFF  }
0xc6: {  	_ =	task.clear_ibuf [dreg:s9], $0x2FFFF;
	_ =	strace $0x9FFFFFFF  }
0xc7: {  	(tm) =	ssettm $0x7FFFFFFF  }
tec
execute0_lowered:
.L_overlay_start_1:
0x0: {  	(tag) =	ssettag $0x1  }
0x1: {  	s10 =	rddreg [dreg:$0x0]  }
0x2: {  	s1 =	rddreg [dreg:$0x1]  }
0x3: {  	s3 =	rddreg [dreg:$0x2]  }
0x4: {  	s4 =	rddreg [dreg:$0x3]  }
0x5: {  	v0 =	vimm.s32 $0x76543210;
	s11 =	rddreg [dreg:$0x4];
	s6 =	simm.s32 $0x0  }
0x6: {  	v1 =	vimm.s32 $0xFEDCBA98;
	s0 =	srdreg.scid;
	v2 =	vimm.s32 $0xBA98FEDC;
	v3 =	vimm.s32 $0x32107654;
	s12 =	stileid.u32;
	s28 =	simm.s32 $0x5  }
0x7: {  	v4 =	vimm.s32 $0xDCFE98BA;
	v5 =	vimm.s32 $0x54761032;
	s29 =	simm.s32 $0x50;
	s15 =	simm.s32 $0x6;
	s21 =	simm.s32 $0x1  }
0x8: {  	vm0 =	vcmask $0x2F20;
	vm1 =	vcmask $0xF00;
	vm2 =	vcmask $0x1710;
	s17 =	simm.s32 $0x3;
	s13 =	simm.s32 $0x8;
	[smem:$0x7FF] =	sst s6  }
0x9: {  	vm3 =	vcmask $0x700;
	vm4 =	vcmask $0x300;
	v1 =	vunpack.c.l.s4.s8 v1;
	s0 =	sand.u32 $0x1, s0;
	s5 =	smul.u32 $0x278, s12;
	s8 =	sadd.s32 $0x9E00, s3  }
0xa: {  	v0 =	vunpack.c.l.s4.s8 v0;
	v2 =	vunpack.c.l.s4.s8 v2;
	v3 =	vunpack.c.l.s4.s8 v3;
	s9 =	sshll.u32 s12, $0x1;
	s23 =	sshll.u32 s12, $0x6;
	_ =	strace $0x80000047  }
0xb: {  	v4 =	vunpack.c.l.s4.s8 v4;
	vm0 =	vmor vm1, vm0;
	s2 =	ssub.s32 $0x2, s0;
	s0 =	sor.u32 s0, s9;
	v1 =	vunpack.c.0.s8.s32 v1;
	s5 =	smin.u32 s5, $0x2498  }
0xc: {  	v0 =	vunpack.c.0.s8.s32 v0;
	s7 =	sshrl.u32 s2, $0x1;
	v2 =	vunpack.c.0.s8.s32 v2;
	v3 =	vunpack.c.0.s8.s32 v3;
	s9 =	smul.u32 $0x2710, s0;
	s22 =	sshll.u32 s5, $0x7  }
0xd: {  	vm1 =	vmor vm3, vm2;
	vm3 =	vcmask $0xB08;
	s2 =	ssub.s32 s2, s7;
	s5 =	sshll.u32 s5, $0x4;
	v1 =	vand.u32 $0xF, v1;
	s0 =	sadd.s32 s22, s11  }
0xe: {  	s5 =	sadd.s32 s10, s5;
	s24 =	sshrl.u32 s9, $0x3;
	s12 =	sadd.s32 $0x50, s9;
	v0 =	vcombine.low v1, v0;
	v1 =	vcombine.low v3, v2;
	v2 =	vunpack.c.l.s4.s8 v5  }
0xf: {  	vm2 =	vcmask $0x2720;
	vm3 =	vmor vm4, vm3;
	s19 =	sadd.s32 $0xA0, s9;
	s2 =	smax.u32 s2, $0x1;
	[dreg:$0x6] =	wrdreg s5  }
0x10: {  	vm4 =	vcmask $0x1310;
	s20 =	sadd.s32 $0xF0, s9;
	v3 =	vunpack.c.0.s8.s32 v4;
	s5 =	sor.u32 $0x1C09, s23;
	[dreg:$0xf] =	wrdreg s2;
	v2 =	vunpack.c.0.s8.s32 v2  }
0x11: {  	vm1 =	vmor vm1, vm2;
	vm2 =	vcmask $0x3730;
	vm3 =	vmor vm3, vm4;
	s10 =	simm.s32 $0x1DA80;
	s0 =	sshrl.u32 s0, $0x3;
	[dreg:$0x7] =	wrdreg s5  }
0x12: {  	s22 =	simm.s32 $0x2;
	s18 =	sadd.s32 s8, s24;
	v4 =	vimm.s32 $0x67452301;
	[dreg:$0x10] =	wrdreg s0;
	v2 =	vcombine.low v2, v3;
	v3 =	vimm.s32 $0xEFCDAB89  }
0x13: {  	vm4 =	vcmask $0x1B18;
	s30 =	sadd.s32 s3, s24;
	s25 =	sshrl.u32 s12, $0x3;
	v4 =	vunpack.c.l.s4.s8 v4;
	[dreg:$0x8] =	wrdreg s18;
	v3 =	vunpack.c.l.s4.s8 v3  }
0x14: {  	vm1 =	vmor vm1, vm2;
	vm2 =	vmor vm3, vm4;
	s2 =	simm.s32 $0x13980;
	s26 =	sadd.s32 s8, s25;
	[dreg:$0x9] =	wrdreg s30  }
0x15: {  	vm3 =	vcmask $0x2320;
	s23 =	simm.s32 $0x7;
	s31 =	sadd.s32 s3, s25;
	[dreg:$0xa] =	wrdreg s26;
	v4 =	vunpack.c.0.s8.s32 v4;
	v3 =	vunpack.c.0.s8.s32 v3  }
0x16: {  	vm4 =	vcmask $0x2B28;
	vm3 =	vmor vm2, vm3;
	vm2 =	vmmov $0xff;
	s5 =	sadd.s32 s4, s24;
	s7 =	sadd.s32 s4, s25;
	[dreg:$0xb] =	wrdreg s31  }
0x17: {  	vm3 =	vmor vm3, vm4;
	vm4 =	vcmask $0x3330;
	s25 =	simm.s32 $0x13880;
	s24 =	simm.s32 $0x4;
	[dreg:$0xd] =	wrdreg s7;
	v3 =	vcombine.low v4, v3  }
0x18: {  	vm3 =	vmor vm3, vm4;
	vm4 =	vcmask $0x3B38;
	[dreg:$0xc] =	wrdreg s5;
	s5 =	sadd.s32 $0x4D8, s5;
	s26 =	simm.s32 $0x13900;
	v1 =	vand.u32 $0xF, v1  }
0x19: {  	s7 =	simm.s32 $0x13A00;
	vm3 =	vmor vm3, vm4;
	[dreg:$0xe] =	wrdreg s5;
	s5 =	simm.s32 $0x0;
	v2 =	vand.u32 $0xF, v2;
	v3 =	vand.u32 $0xF, v3  }
.LBB2_1:
0x1a: {  	[dreg:$0x11] =	wrdreg s5  }
0x1b: {  	s0 =	rddreg [dreg:$0x6]  }
0x1c: {  	s14 =	rddreg [dreg:$0x7]  }
0x1d: {  	s11 =	rddreg [dreg:$0x10];
	s16 =	simm.s32 $0x9  }
0x1e: {  	[spmem:s11], [sflag:s14] =	dma.local [hbm:s0], $0x2780  }
0x1f: {  	_ =	swait.ge [sflag:s16], $0x2780  }
0x20: {  	[sflag:s16] =	ssyncset.done $0x0  }
0x21: {  	[sflag:s16] =	ssyncadd.s32 $0xFFFFD880  }
0x22: {  	[bflag:$0x0] =	sbarrier.arrive $0xFFFF  }
0x23: {  	[tilespmem:s25], [sflag:$0x5] =	stream.linear.gather [hbm4b:s18+s6], $0x50, $0x38;
	[tilespmem:$0x1DB80] =	vst v63  }
0x24: {  	_ = 	snop  }
0x25: {  	[tilespmem:s26], [sflag:$0x5] =	stream.linear.gather [hbm4b:s30+s6], $0x50, $0x38;
	[tilespmem:$0x1DB80] =	vst v63  }
0x26: {  	_ =	swait.ge [sflag:s28], $0x50  }
0x27: {  	[sflag:s28] =	ssyncset.done $0x0  }
0x28: {  	[sflag:s28] =	ssyncadd.s32 $0xFFFFFFB0  }
0x29: {  	_ =	swait.ge [sflag:s28], $0x50  }
0x2a: {  	[sflag:s28] =	ssyncset.done $0x0  }
0x2b: {  	[sflag:s28] =	ssyncadd.s32 $0xFFFFFFB0  }
0x2c: {  	s31 =	simm.s32 $0x13A80;
	s30 =	rddreg [dreg:$0x4]  }
0x2d: {  	[tilespmem:s31], [sflag:$0x1] =	stream.indirect.gather [spmem:s30], $0x80, s25, s29, $0xb8;
	[tilespmem:$0x1DB80] =	vst v63  }
0x2e: {  	s11 =	simm.s32 $0x16280  }
0x2f: {  	[tilespmem:s11], [sflag:$0x2] =	stream.indirect.gather [hbm4b:s1+s29], $0x80, s26, s29, $0xb8;
	[tilespmem:$0x1DB80] =	vst v63  }
0x30: {  	s14 =	rddreg [dreg:$0xa]  }
0x31: {  	[tilespmem:s2], [sflag:$0x6] =	stream.linear.gather [hbm4b:s14+s6], $0x50, $0x38;
	[tilespmem:$0x1DB80] =	vst v63  }
0x32: {  	s16 =	rddreg [dreg:$0xb]  }
0x33: {  	[tilespmem:s7], [sflag:$0x6] =	stream.linear.gather [hbm4b:s16+s6], $0x50, $0x38;
	[tilespmem:$0x1DB80] =	vst v63  }
0x34: {  	s18 =	rddreg [dreg:$0xc]  }
0x35: {  	[hbm4b:s18+s6] =	stream.linear.scatter [tilespmem:s10], [sflag:$0x7], $0x50, $0x38;
	[tilespmem:$0x1DB80] =	vst v63  }
0x36: {  	s30 =	rddreg [dreg:$0xd];
	s31 =	simm.s32 $0x1DB00;
	s14 =	simm.s32 $0x0  }
0x37: {  	[hbm4b:s30+s6] =	stream.linear.scatter [tilespmem:s31], [sflag:$0x8], $0x50, $0x38;
	[tilespmem:$0x1DB80] =	vst v63  }
.LBB2_2:
0x38: {  	_ =	swait.ge [sflag:s15], $0x50  }
0x39: {  	[sflag:s15] =	ssyncset.done $0x0  }
0x3a: {  	[sflag:s15] =	ssyncadd.s32 $0xFFFFFFB0  }
0x3b: {  	_ =	swait.ge [sflag:s15], $0x50  }
0x3c: {  	[sflag:s15] =	ssyncset.done $0x0  }
0x3d: {  	[sflag:s15] =	ssyncadd.s32 $0xFFFFFFB0  }
0x3e: {  	s5 =	simm.s32 $0x18A80;
	s0 =	rddreg [dreg:$0x0]  }
0x3f: {  	[tilespmem:s5], [sflag:$0x3] =	stream.indirect.gather [hbm4b:s0+s29], $0x80, s2, s29, $0xb8;
	[tilespmem:$0x1DB80] =	vst v63  }
0x40: {  	s16 =	simm.s32 $0x1B280  }
0x41: {  	[tilespmem:s16], [sflag:$0x4] =	stream.indirect.gather [hbm4b:s1+s29], $0x80, s7, s29, $0xb8;
	[tilespmem:$0x1DB80] =	vst v63  }
0x42: {  	_ =	swait.ge [sflag:s21], $0x2800  }
0x43: {  	s0 =	smul.u32 $0xA0, s14;
	[sflag:s21] =	ssyncset.done $0x0  }
0x44: {  	[sflag:s21] =	ssyncadd.s32 $0xFFFFD800  }
0x45: {  	s18 =	sadd.s32 s0, s19;
	_ =	swait.ge [sflag:s22], $0x2800  }
0x46: {  	s11 =	sshrl.u32 s18, $0x3;
	[sflag:s22] =	ssyncset.done $0x0  }
0x47: {  	s5 =	simm.s32 $0x0;
	s16 =	sadd.s32 s8, s11;
	[sflag:s22] =	ssyncadd.s32 $0xFFFFD800  }
0x48: {  	[tilespmem:s25], [sflag:$0x5] =	stream.linear.gather [hbm4b:s16+s5], $0x50, $0x38;
	[tilespmem:$0x1DB80] =	vst v63  }
0x49: {  	s11 =	sadd.s32 s3, s11  }
0x4a: {  	[tilespmem:s26], [sflag:$0x5] =	stream.linear.gather [hbm4b:s11+s5], $0x50, $0x38;
	[tilespmem:$0x1DB80] =	vst v63  }
0x4b: {  	s31 =	sadd.s32 s9, s0;
	_ =	swait.ge [sflag:s23], $0x50  }
0x4c: {  	s30 =	simm.s32 $0x13A80;
	s11 =	sshrl.u32 s31, $0x3;
	[sflag:s23] =	ssyncset.done $0x0  }
0x4d: {  	s18 =	simm.s32 $0x16680;
	s16 =	sadd.s32 s4, s11;
	[sflag:s23] =	ssyncadd.s32 $0xFFFFFFB0  }
.LBB2_3:
0x4e: {  	v5 =	vmov s30  }
0x4f: {  	v4 =	vmov s18;
	_ =	sdelay $0x2  }
0x50: {  	s11 =	simm.s32 $0x0  }
0x51: {  	v6 =	vld.idx.msk [tilespmem:v5+s11+$0x780 ss:$0x1], $0xffff  }
0x52: {  	v7 =	vld.idx.msk [tilespmem:v4+s11+$0x380 ss:$0x1], $0xffff  }
0x53: {  	v8 =	vld.idx.msk [tilespmem:v5+s11+$0x0 ss:$0x1], $0xffff  }
0x54: {  	v9 =	vld.idx.msk [tilespmem:v4+s11+$0xFFFFFC00 ss:$0x1], $0xffff  }
0x55: {  	v10 =	vld.idx.msk [tilespmem:v5+s11+$0x80 ss:$0x1], $0xffff  }
0x56: {  	v11 =	vld.idx.msk [tilespmem:v4+s11+$0xFFFFFC80 ss:$0x1], $0xffff  }
0x57: {  	v12 =	vld.idx.msk [tilespmem:v5+s11+$0x100 ss:$0x1], $0xffff  }
0x58: {  	v13 =	vld.idx.msk [tilespmem:v4+s11+$0xFFFFFD00 ss:$0x1], $0xffff  }
0x59: {  	v14 =	vld.idx.msk [tilespmem:v5+s11+$0x180 ss:$0x1], $0xffff  }
0x5a: {  	v15 =	vld.idx.msk [tilespmem:v4+s11+$0xFFFFFD80 ss:$0x1], $0xffff  }
0x5b: {  	v16 =	vld.idx.msk [tilespmem:v5+s11+$0x200 ss:$0x1], $0xffff  }
0x5c: {  	v17 =	vld.idx.msk [tilespmem:v4+s11+$0xFFFFFE00 ss:$0x1], $0xffff  }
0x5d: {  	v19 =	vld.idx.msk [tilespmem:v5+s11+$0x280 ss:$0x1], $0xffff  }
0x5e: {  	v20 =	vld.idx.msk [tilespmem:v4+s11+$0xFFFFFE80 ss:$0x1], $0xffff  }
0x5f: {  	v21 =	vld.idx.msk [tilespmem:v5+s11+$0x300 ss:$0x1], $0xffff  }
0x60: {  	v25 =	vld.idx.msk [tilespmem:v5+s11+$0x380 ss:$0x1], $0xffff  }
0x61: {  	v27 =	vld.idx.msk [tilespmem:v5+s11+$0x400 ss:$0x1], $0xffff  }
0x62: {  	v28 =	vld.idx.msk [tilespmem:v4+s11+$0x0 ss:$0x1], $0xffff  }
0x63: {  	v29 =	vld.idx.msk [tilespmem:v5+s11+$0x480 ss:$0x1], $0xffff  }
0x64: {  	v30 =	vld.idx.msk [tilespmem:v4+s11+$0x80 ss:$0x1], $0xffff  }
0x65: {  	v33 =	vld.idx.msk [tilespmem:v5+s11+$0x580 ss:$0x1], $0xffff  }
0x66: {  	v34 =	vld.idx.msk [tilespmem:v4+s11+$0x180 ss:$0x1], $0xffff  }
0x67: {  	v26 =	vld.idx.msk [tilespmem:v4+s11+$0xFFFFFF80 ss:$0x1], $0xffff;
	v6 =	vmul.f32 v7, v6  }
0x68: {  	v31 =	vld.idx.msk [tilespmem:v5+s11+$0x500 ss:$0x1], $0xffff;
	v7 =	vmul.f32 v9, v8;
	v8 =	vmul.f32 v11, v10  }
0x69: {  	v32 =	vld.idx.msk [tilespmem:v4+s11+$0x100 ss:$0x1], $0xffff;
	v11 =	vmul.f32 v13, v12;
	v13 =	vmul.f32 v17, v16  }
0x6a: {  	v18 =	vimm.f32 $0.0e+00;
	v23 =	vld.idx.msk [tilespmem:v4+s11+$0xFFFFFF00 ss:$0x1], $0xffff;
	v16 =	vmul.f32 v28, v27;
	v17 =	vmul.f32 v30, v29  }
0x6b: {  	v22 =	vld.idx.msk [tilespmem:v5+s11+$0x600 ss:$0x1], $0xffff;
	v29 =	vmul.f32 v34, v33;
	v6 =	vadd.f32 v6, v18;
	v9 =	vadd.f32 v7, v18  }
0x6c: {  	v24 =	vld.idx.msk [tilespmem:v4+s11+$0x200 ss:$0x1], $0xffff;
	v7 =	vmul.f32 v15, v14;
	v10 =	vadd.f32 v8, v18;
	v11 =	vadd.f32 v11, v18  }
0x6d: {  	v28 =	vld.idx.msk [tilespmem:v4+s11+$0x300 ss:$0x1], $0xffff;
	v8 =	vmul.f32 v20, v19;
	v14 =	vmul.f32 v26, v25;
	v16 =	vadd.f32 v16, v18  }
0x6e: {  	v19 =	vmul.f32 v32, v31;
	v26 =	vld.idx.msk [tilespmem:v4+s11+$0x280 ss:$0x1], $0xffff;
	v17 =	vadd.f32 v17, v18;
	v12 =	vadd.f32 v7, v18  }
0x6f: {  	s31 =	simm.s32 $0x10;
	v7 =	vadd.f32 v13, v18;
	v13 =	vmul.f32 v23, v21;
	v8 =	vadd.f32 v8, v18;
	v23 =	vld.idx.msk [tilespmem:v5+s11+$0x680 ss:$0x1], $0xffff  }
0x70: {  	v27 =	vld.idx.msk [tilespmem:v5+s31+$0x780 ss:$0x1], $0xffff;
	v20 =	vimm.f32 $0.0e+00;
	v15 =	vadd.f32 v14, v18;
	v14 =	vadd.f32 v19, v18  }
0x71: {  	v25 =	vld.idx.msk [tilespmem:v5+s11+$0x700 ss:$0x1], $0xffff;
	s11 =	simm.s32 $0x80;
	v21 =	vimm.f32 $0.0e+00;
	v19 =	vimm.f32 $0.0e+00;
	v13 =	vadd.f32 v13, v18  }
.LBB2_4:
0x72: {  	p0 =	sne.s32 s11, $0x1C0;
	v30 =	vld.idx.msk [tilespmem:v4+s31+$0x380 ss:$0x1], $0xffff;
	v18 =	vadd.f32 v29, v18;
	v22 =	vmul.f32 v24, v22  }
0x73: {  	v24 =	vld.idx.msk [tilespmem:v5+s31+$0x0 ss:$0x1], $0xffff  }
0x74: {  	v29 =	vld.idx.msk [tilespmem:v4+s31+$0xFFFFFC00 ss:$0x1], $0xffff;
	v21 =	vadd.f32 v22, v21;
	v22 =	vmul.f32 v26, v23  }
0x75: {  	v23 =	vld.idx.msk [tilespmem:v5+s31+$0x80 ss:$0x1], $0xffff  }
0x76: {  	v26 =	vld.idx.msk [tilespmem:v4+s31+$0xFFFFFC80 ss:$0x1], $0xffff;
	v20 =	vadd.f32 v22, v20;
	v22 =	vmul.f32 v28, v25  }
0x77: {  	v25 =	vld.idx.msk [tilespmem:v5+s31+$0x100 ss:$0x1], $0xffff  }
0x78: {  	v27 =	vmul.f32 v30, v27;
	v28 =	vld.idx.msk [tilespmem:v4+s31+$0xFFFFFD00 ss:$0x1], $0xffff;
	v19 =	vadd.f32 v22, v19  }
0x79: {  	v22 =	vld.idx.msk [tilespmem:v5+s31+$0x180 ss:$0x1], $0xffff  }
0x7a: {  	v24 =	vmul.f32 v29, v24;
	v6 =	vadd.f32 v27, v6;
	v29 =	vld.idx.msk [tilespmem:v4+s31+$0xFFFFFD80 ss:$0x1], $0xffff  }
0x7b: {  	v27 =	vld.idx.msk [tilespmem:v5+s31+$0x200 ss:$0x1], $0xffff  }
0x7c: {  	v9 =	vadd.f32 v24, v9;
	v23 =	vmul.f32 v26, v23;
	v24 =	vld.idx.msk [tilespmem:v4+s31+$0xFFFFFE00 ss:$0x1], $0xffff  }
0x7d: {  	v26 =	vld.idx.msk [tilespmem:v5+s31+$0x280 ss:$0x1], $0xffff  }
0x7e: {  	v10 =	vadd.f32 v23, v10;
	v23 =	vmul.f32 v28, v25;
	v25 =	vld.idx.msk [tilespmem:v4+s31+$0xFFFFFE80 ss:$0x1], $0xffff  }
0x7f: {  	v28 =	vld.idx.msk [tilespmem:v5+s31+$0x300 ss:$0x1], $0xffff  }
0x80: {  	v11 =	vadd.f32 v23, v11;
	v22 =	vmul.f32 v29, v22;
	v23 =	vld.idx.msk [tilespmem:v4+s31+$0xFFFFFF00 ss:$0x1], $0xffff  }
0x81: {  	v29 =	vld.idx.msk [tilespmem:v5+s31+$0x380 ss:$0x1], $0xffff  }
0x82: {  	v12 =	vadd.f32 v22, v12;
	v22 =	vmul.f32 v24, v27;
	v24 =	vld.idx.msk [tilespmem:v4+s31+$0xFFFFFF80 ss:$0x1], $0xffff  }
0x83: {  	v27 =	vld.idx.msk [tilespmem:v5+s31+$0x400 ss:$0x1], $0xffff  }
0x84: {  	v7 =	vadd.f32 v22, v7;
	v22 =	vmul.f32 v25, v26;
	v25 =	vld.idx.msk [tilespmem:v4+s31+$0x0 ss:$0x1], $0xffff  }
0x85: {  	v26 =	vld.idx.msk [tilespmem:v5+s31+$0x480 ss:$0x1], $0xffff  }
0x86: {  	v8 =	vadd.f32 v22, v8;
	v22 =	vmul.f32 v23, v28;
	v23 =	vld.idx.msk [tilespmem:v4+s31+$0x80 ss:$0x1], $0xffff  }
0x87: {  	v28 =	vld.idx.msk [tilespmem:v5+s31+$0x500 ss:$0x1], $0xffff  }
0x88: {  	v13 =	vadd.f32 v22, v13;
	v22 =	vmul.f32 v24, v29;
	v29 =	vld.idx.msk [tilespmem:v4+s31+$0x100 ss:$0x1], $0xffff  }
0x89: {  	v30 =	vld.idx.msk [tilespmem:v5+s31+$0x580 ss:$0x1], $0xffff  }
0x8a: {  	v15 =	vadd.f32 v22, v15;
	v24 =	vmul.f32 v25, v27;
	v27 =	vld.idx.msk [tilespmem:v4+s31+$0x180 ss:$0x1], $0xffff  }
0x8b: {  	v22 =	vld.idx.msk [tilespmem:v5+s31+$0x600 ss:$0x1], $0xffff  }
0x8c: {  	v16 =	vadd.f32 v24, v16;
	v25 =	vmul.f32 v23, v26;
	v24 =	vld.idx.msk [tilespmem:v4+s31+$0x200 ss:$0x1], $0xffff  }
.Ltmp0:
0x8d: {  	v23 =	vld.idx.msk [tilespmem:v5+s31+$0x680 ss:$0x1], $0xffff;
	(pc) =	sbr.rel @p0 .LBB2_4-.Ltmp0, $4  }
0x8e: {  	v17 =	vadd.f32 v25, v17;
	v28 =	vmul.f32 v29, v28;
	v26 =	vld.idx.msk [tilespmem:v4+s31+$0x280 ss:$0x1], $0xffff  }
0x8f: {  	v25 =	vld.idx.msk [tilespmem:v5+s31+$0x700 ss:$0x1], $0xffff  }
0x90: {  	v14 =	vadd.f32 v28, v14;
	v29 =	vmul.f32 v27, v30;
	v28 =	vld.idx.msk [tilespmem:v4+s31+$0x300 ss:$0x1], $0xffff;
	s31 =	sshra.s32 s11, $0x2  }
0x91: {  	s11 =	sadd.s32 $0x40, s11;
	v27 =	vld.idx.msk [tilespmem:v5+s31+$0x780 ss:$0x1], $0xffff  }
0x92: {  	_ =	sdelay $0x3  }
0x93: {  	v30 =	vld.idx.msk [tilespmem:v4+s31+$0x380 ss:$0x1], $0xffff  }
0x94: {  	v31 =	vld.idx.msk [tilespmem:v5+s31+$0x0 ss:$0x1], $0xffff  }
0x95: {  	v32 =	vld.idx.msk [tilespmem:v4+s31+$0xFFFFFC00 ss:$0x1], $0xffff  }
0x96: {  	v33 =	vld.idx.msk [tilespmem:v5+s31+$0x80 ss:$0x1], $0xffff  }
0x97: {  	v34 =	vld.idx.msk [tilespmem:v4+s31+$0xFFFFFC80 ss:$0x1], $0xffff  }
0x98: {  	v35 =	vld.idx.msk [tilespmem:v5+s31+$0x100 ss:$0x1], $0xffff  }
0x99: {  	v36 =	vld.idx.msk [tilespmem:v4+s31+$0xFFFFFD00 ss:$0x1], $0xffff  }
0x9a: {  	v37 =	vld.idx.msk [tilespmem:v5+s31+$0x180 ss:$0x1], $0xffff  }
0x9b: {  	v38 =	vld.idx.msk [tilespmem:v4+s31+$0xFFFFFD80 ss:$0x1], $0xffff  }
0x9c: {  	v39 =	vld.idx.msk [tilespmem:v5+s31+$0x200 ss:$0x1], $0xffff  }
0x9d: {  	v40 =	vld.idx.msk [tilespmem:v4+s31+$0xFFFFFE00 ss:$0x1], $0xffff  }
0x9e: {  	v41 =	vld.idx.msk [tilespmem:v5+s31+$0x280 ss:$0x1], $0xffff  }
0x9f: {  	v42 =	vld.idx.msk [tilespmem:v4+s31+$0xFFFFFE80 ss:$0x1], $0xffff  }
0xa0: {  	v43 =	vld.idx.msk [tilespmem:v5+s31+$0x300 ss:$0x1], $0xffff  }
0xa1: {  	v44 =	vld.idx.msk [tilespmem:v4+s31+$0xFFFFFF00 ss:$0x1], $0xffff  }
0xa2: {  	v45 =	vld.idx.msk [tilespmem:v5+s31+$0x380 ss:$0x1], $0xffff  }
0xa3: {  	v46 =	vld.idx.msk [tilespmem:v4+s31+$0xFFFFFF80 ss:$0x1], $0xffff  }
0xa4: {  	v47 =	vld.idx.msk [tilespmem:v5+s31+$0x400 ss:$0x1], $0xffff  }
0xa5: {  	v48 =	vld.idx.msk [tilespmem:v4+s31+$0x0 ss:$0x1], $0xffff  }
0xa6: {  	v49 =	vld.idx.msk [tilespmem:v5+s31+$0x480 ss:$0x1], $0xffff  }
0xa7: {  	v50 =	vld.idx.msk [tilespmem:v4+s31+$0x80 ss:$0x1], $0xffff  }
0xa8: {  	v51 =	vld.idx.msk [tilespmem:v5+s31+$0x500 ss:$0x1], $0xffff  }
0xa9: {  	v52 =	vld.idx.msk [tilespmem:v4+s31+$0x100 ss:$0x1], $0xffff  }
0xaa: {  	v22 =	vmul.f32 v24, v22;
	v24 =	vld.idx.msk [tilespmem:v5+s31+$0x580 ss:$0x1], $0xffff  }
0xab: {  	v53 =	vld.idx.msk [tilespmem:v5+s31+$0x680 ss:$0x1], $0xffff  }
0xac: {  	v18 =	vadd.f32 v29, v18;
	v55 =	vld.idx.msk [tilespmem:v4+s31+$0x280 ss:$0x1], $0xffff;
	v23 =	vmul.f32 v26, v23;
	v61 =	vmul.f32 v28, v25  }
0xad: {  	v26 =	vld.idx.msk [tilespmem:v4+s31+$0x180 ss:$0x1], $0xffff;
	v21 =	vadd.f32 v22, v21;
	v62 =	vmul.f32 v30, v27;
	v63 =	vmul.f32 v32, v31  }
0xae: {  	v25 =	vld.idx.msk [tilespmem:v5+s31+$0x600 ss:$0x1], $0xffff;
	v20 =	vadd.f32 v23, v20;
	v34 =	vmul.f32 v34, v33;
	v36 =	vmul.f32 v36, v35  }
0xaf: {  	v28 =	vld.idx.msk [tilespmem:v4+s31+$0x200 ss:$0x1], $0xffff;
	v19 =	vadd.f32 v61, v19;
	v54 =	vmul.f32 v38, v37;
	v56 =	vmul.f32 v40, v39  }
0xb0: {  	v5 =	vld.idx.msk [tilespmem:v5+s31+$0x700 ss:$0x1], $0xffff;
	v57 =	vmul.f32 v42, v41;
	v58 =	vmul.f32 v44, v43;
	v6 =	vadd.f32 v62, v6  }
0xb1: {  	v4 =	vld.idx.msk [tilespmem:v4+s31+$0x300 ss:$0x1], $0xffff;
	v59 =	vmul.f32 v46, v45;
	v9 =	vadd.f32 v63, v9;
	v10 =	vadd.f32 v34, v10  }
0xb2: {  	v60 =	vmul.f32 v48, v47;
	v11 =	vadd.f32 v36, v11;
	v12 =	vadd.f32 v54, v12  }
0xb3: {  	v61 =	vmul.f32 v50, v49;
	v7 =	vadd.f32 v56, v7;
	v8 =	vadd.f32 v57, v8  }
0xb4: {  	v31 =	vmul.f32 v55, v53;
	v13 =	vadd.f32 v58, v13;
	v15 =	vadd.f32 v59, v15  }
0xb5: {  	v16 =	vadd.f32 v60, v16;
	v62 =	vmul.f32 v52, v51;
	v63 =	vmul.f32 v26, v24  }
0xb6: {  	v17 =	vadd.f32 v61, v17;
	v29 =	vmul.f32 v28, v25;
	v4 =	vmul.f32 v4, v5  }
0xb7: {  	v20 =	vadd.f32 v31, v20;
	v33 =	vperm.xlane v9, v0;
	v34 =	vperm.xlane v16, v0  }
0xb8: {  	v14 =	vadd.f32 v62, v14;
	v35 =	vperm.xlane v10, v0;
	v36 =	vperm.xlane v17, v0  }
0xb9: {  	v5 =	vadd.f32 v63, v18;
	v37 =	vperm.xlane v11, v0;
	v39 =	vperm.xlane v12, v0  }
0xba: {  	v41 =	vperm.xlane v7, v0;
	v43 =	vperm.xlane v8, v0;
	v32 =	vadd.f32 v29, v21  }
0xbb: {  	v45 =	vperm.xlane v20, v0;
	v4 =	vadd.f32 v4, v19;
	v9 =	vadd.f32 v33, v9  }
0xbc: {  	v46 =	vperm.xlane v13, v0;
	v16 =	vadd.f32 v34, v16;
	v10 =	vadd.f32 v35, v10  }
0xbd: {  	v48 =	vperm.xlane v15, v0;
	v17 =	vadd.f32 v36, v17;
	v11 =	vadd.f32 v37, v11  }
0xbe: {  	v49 =	vperm.xlane v6, v0;
	v12 =	vadd.f32 v39, v12;
	v7 =	vadd.f32 v41, v7  }
0xbf: {  	v38 =	vperm.xlane v14, v0;
	v8 =	vadd.f32 v43, v8;
	v50 =	vadd.f32 v46, v13  }
0xc0: {  	v40 =	vperm.xlane v5, v0;
	v51 =	vadd.f32 v48, v15;
	v6 =	vadd.f32 v49, v6  }
0xc1: {  	v42 =	vperm.xlane v32, v0;
	v47 =	vperm.xlane v4, v0;
	v9 =	vsel vm2, v9, v16  }
0xc2: {  	v14 =	vadd.f32 v38, v14;
	v10 =	vsel vm2, v10, v17;
	v5 =	vadd.f32 v40, v5  }
0xc3: {  	v17 =	vadd.f32 v45, v20;
	v6 =	vsel vm2, v51, v6;
	v44 =	vadd.f32 v42, v32  }
0xc4: {  	v4 =	vadd.f32 v47, v4;
	v52 =	vperm.xlane v9, v1;
	v54 =	vperm.xlane v10, v1  }
0xc5: {  	v59 =	vperm.xlane v6, v1;
	v11 =	vsel vm2, v11, v14;
	v5 =	vsel vm2, v12, v5  }
0xc6: {  	v8 =	vsel vm2, v8, v17;
	v7 =	vsel vm2, v7, v44;
	v4 =	vsel vm2, v50, v4  }
0xc7: {  	v9 =	vadd.f32 v52, v9;
	v55 =	vperm.xlane v8, v1;
	v56 =	vperm.xlane v11, v1  }
0xc8: {  	v10 =	vadd.f32 v54, v10;
	v58 =	vperm.xlane v5, v1;
	v53 =	vperm.xlane v7, v1  }
0xc9: {  	v6 =	vadd.f32 v59, v6;
	v57 =	vperm.xlane v4, v1;
	v8 =	vadd.f32 v55, v8  }
0xca: {  	v5 =	vadd.f32 v58, v5;
	v7 =	vadd.f32 v53, v7  }
0xcb: {  	v11 =	vadd.f32 v56, v11;
	v4 =	vadd.f32 v57, v4  }
0xcc: {  	v8 =	vsel vm0, v10, v8;
	v5 =	vsel vm0, v5, v6;
	v7 =	vsel vm0, v9, v7  }
0xcd: {  	v4 =	vsel vm0, v11, v4;
	v10 =	vperm.xlane v8, v2;
	v62 =	vperm.xlane v5, v2  }
0xce: {  	v60 =	vperm.xlane v7, v2;
	v61 =	vperm.xlane v4, v2  }
0xcf: {  	v63 =	vadd.f32 v10, v8;
	v5 =	vadd.f32 v62, v5  }
0xd0: {  	v6 =	vadd.f32 v60, v7;
	v4 =	vadd.f32 v61, v4;
	_ =	sdelay $0x1  }
0xd1: {  	s11 =	sshll.u32 s5, $0x4;
	s5 =	sadd.s32 $0x1, s5;
	v5 =	vsel vm1, v63, v5;
	v4 =	vsel vm1, v6, v4  }
0xd2: {  	p0 =	sne.s32 s5, $0x5;
	v7 =	vperm.xlane v5, v3;
	v6 =	vperm.xlane v4, v3  }
.Ltmp1:
0xd3: {  	_ = 	snop;
	(pc) =	sbr.rel @p0 .LBB2_3-.Ltmp1, $3  }
0xd4: {  	v5 =	vadd.f32 v7, v5;
	v4 =	vadd.f32 v6, v4;
	_ =	sdelay $0x1  }
0xd5: {  	s11 =	sand.u32 $0x3FFFFFF0, s11;
	v4 =	vsel vm3, v4, v5  }
0xd6: {  	s18 =	sadd.s32 $0x800, s18;
	s30 =	sadd.s32 $0x800, s30;
	[tilespmem:s11+$0x1DA80] =	vst v4  }
0xd7: {  	s5 =	simm.s32 $0x0  }
0xd8: {  	[hbm4b:s16+s5] =	stream.linear.scatter [tilespmem:s10], [sflag:$0x7], $0x50, $0x38;
	[tilespmem:$0x1DB80] =	vst v63  }
0xd9: {  	_ =	swait.ge [sflag:s28], $0x50  }
0xda: {  	[sflag:s28] =	ssyncset.done $0x0  }
0xdb: {  	[sflag:s28] =	ssyncadd.s32 $0xFFFFFFB0  }
0xdc: {  	_ =	swait.ge [sflag:s28], $0x50  }
0xdd: {  	[sflag:s28] =	ssyncset.done $0x0  }
0xde: {  	[sflag:s28] =	ssyncadd.s32 $0xFFFFFFB0  }
0xdf: {  	s31 =	simm.s32 $0x13A80;
	s11 =	rddreg [dreg:$0x4]  }
0xe0: {  	[tilespmem:s31], [sflag:$0x1] =	stream.indirect.gather [spmem:s11], $0x80, s25, s29, $0xb8;
	[tilespmem:$0x1DB80] =	vst v63  }
0xe1: {  	s18 =	sshll.u32 s14, $0x1;
	s30 =	simm.s32 $0x16280  }
0xe2: {  	[tilespmem:s30], [sflag:$0x2] =	stream.indirect.gather [hbm4b:s1+s29], $0x80, s26, s29, $0xb8;
	[tilespmem:$0x1DB80] =	vst v63  }
0xe3: {  	s11 =	smin.u32 s18, $0x79;
	_ =	swait.ge [sflag:s17], $0x2800  }
0xe4: {  	s11 =	smul.u32 $0x50, s11;
	[sflag:s17] =	ssyncset.done $0x0  }
0xe5: {  	[sflag:s17] =	ssyncadd.s32 $0xFFFFD800  }
0xe6: {  	s11 =	sadd.s32 s11, s20;
	_ =	swait.ge [sflag:s24], $0x2800  }
0xe7: {  	s11 =	sshrl.u32 s11, $0x3;
	[sflag:s24] =	ssyncset.done $0x0  }
0xe8: {  	s31 =	sadd.s32 s8, s11;
	[sflag:s24] =	ssyncadd.s32 $0xFFFFD800  }
0xe9: {  	[tilespmem:s2], [sflag:$0x6] =	stream.linear.gather [hbm4b:s31+s5], $0x50, $0x38;
	[tilespmem:$0x1DB80] =	vst v63  }
0xea: {  	s11 =	sadd.s32 s3, s11  }
0xeb: {  	[tilespmem:s7], [sflag:$0x6] =	stream.linear.gather [hbm4b:s11+s5], $0x50, $0x38;
	[tilespmem:$0x1DB80] =	vst v63  }
0xec: {  	s0 =	sadd.s32 s0, s12;
	_ =	swait.ge [sflag:s13], $0x50  }
0xed: {  	s0 =	sshrl.u32 s0, $0x3;
	s16 =	simm.s32 $0x1B680;
	[sflag:s13] =	ssyncset.done $0x0  }
0xee: {  	s0 =	sadd.s32 s4, s0;
	s18 =	simm.s32 $0x18A80;
	[sflag:s13] =	ssyncadd.s32 $0xFFFFFFB0  }
.LBB2_7:
0xef: {  	v5 =	vmov s18  }
0xf0: {  	v4 =	vmov s16;
	_ =	sdelay $0x2  }
0xf1: {  	s11 =	simm.s32 $0x0  }
0xf2: {  	v6 =	vld.idx.msk [tilespmem:v5+s11+$0x780 ss:$0x1], $0xffff  }
0xf3: {  	v7 =	vld.idx.msk [tilespmem:v4+s11+$0x380 ss:$0x1], $0xffff  }
0xf4: {  	v8 =	vld.idx.msk [tilespmem:v5+s11+$0x0 ss:$0x1], $0xffff  }
0xf5: {  	v9 =	vld.idx.msk [tilespmem:v4+s11+$0xFFFFFC00 ss:$0x1], $0xffff  }
0xf6: {  	v10 =	vld.idx.msk [tilespmem:v5+s11+$0x80 ss:$0x1], $0xffff  }
0xf7: {  	v11 =	vld.idx.msk [tilespmem:v4+s11+$0xFFFFFC80 ss:$0x1], $0xffff  }
0xf8: {  	v12 =	vld.idx.msk [tilespmem:v5+s11+$0x100 ss:$0x1], $0xffff  }
0xf9: {  	v13 =	vld.idx.msk [tilespmem:v4+s11+$0xFFFFFD00 ss:$0x1], $0xffff  }
0xfa: {  	v14 =	vld.idx.msk [tilespmem:v5+s11+$0x180 ss:$0x1], $0xffff  }
0xfb: {  	v15 =	vld.idx.msk [tilespmem:v4+s11+$0xFFFFFD80 ss:$0x1], $0xffff  }
0xfc: {  	v16 =	vld.idx.msk [tilespmem:v5+s11+$0x200 ss:$0x1], $0xffff  }
0xfd: {  	v17 =	vld.idx.msk [tilespmem:v4+s11+$0xFFFFFE00 ss:$0x1], $0xffff  }
0xfe: {  	v19 =	vld.idx.msk [tilespmem:v5+s11+$0x280 ss:$0x1], $0xffff  }
0xff: {  	v20 =	vld.idx.msk [tilespmem:v4+s11+$0xFFFFFE80 ss:$0x1], $0xffff  }
0x100: {  	v21 =	vld.idx.msk [tilespmem:v5+s11+$0x300 ss:$0x1], $0xffff  }
0x101: {  	v25 =	vld.idx.msk [tilespmem:v5+s11+$0x380 ss:$0x1], $0xffff  }
0x102: {  	v27 =	vld.idx.msk [tilespmem:v5+s11+$0x400 ss:$0x1], $0xffff  }
0x103: {  	v28 =	vld.idx.msk [tilespmem:v4+s11+$0x0 ss:$0x1], $0xffff  }
0x104: {  	v29 =	vld.idx.msk [tilespmem:v5+s11+$0x480 ss:$0x1], $0xffff  }
0x105: {  	v30 =	vld.idx.msk [tilespmem:v4+s11+$0x80 ss:$0x1], $0xffff  }
0x106: {  	v33 =	vld.idx.msk [tilespmem:v5+s11+$0x580 ss:$0x1], $0xffff  }
0x107: {  	v34 =	vld.idx.msk [tilespmem:v4+s11+$0x180 ss:$0x1], $0xffff  }
0x108: {  	v26 =	vld.idx.msk [tilespmem:v4+s11+$0xFFFFFF80 ss:$0x1], $0xffff;
	v6 =	vmul.f32 v7, v6  }
0x109: {  	v31 =	vld.idx.msk [tilespmem:v5+s11+$0x500 ss:$0x1], $0xffff;
	v7 =	vmul.f32 v9, v8;
	v8 =	vmul.f32 v11, v10  }
0x10a: {  	v32 =	vld.idx.msk [tilespmem:v4+s11+$0x100 ss:$0x1], $0xffff;
	v11 =	vmul.f32 v13, v12;
	v13 =	vmul.f32 v17, v16  }
0x10b: {  	v18 =	vimm.f32 $0.0e+00;
	v23 =	vld.idx.msk [tilespmem:v4+s11+$0xFFFFFF00 ss:$0x1], $0xffff;
	v16 =	vmul.f32 v28, v27;
	v17 =	vmul.f32 v30, v29  }
0x10c: {  	v22 =	vld.idx.msk [tilespmem:v5+s11+$0x600 ss:$0x1], $0xffff;
	v29 =	vmul.f32 v34, v33;
	v6 =	vadd.f32 v6, v18;
	v9 =	vadd.f32 v7, v18  }
0x10d: {  	v24 =	vld.idx.msk [tilespmem:v4+s11+$0x200 ss:$0x1], $0xffff;
	v7 =	vmul.f32 v15, v14;
	v10 =	vadd.f32 v8, v18;
	v11 =	vadd.f32 v11, v18  }
0x10e: {  	v28 =	vld.idx.msk [tilespmem:v4+s11+$0x300 ss:$0x1], $0xffff;
	v8 =	vmul.f32 v20, v19;
	v14 =	vmul.f32 v26, v25;
	v16 =	vadd.f32 v16, v18  }
0x10f: {  	v19 =	vmul.f32 v32, v31;
	v26 =	vld.idx.msk [tilespmem:v4+s11+$0x280 ss:$0x1], $0xffff;
	v17 =	vadd.f32 v17, v18;
	v12 =	vadd.f32 v7, v18  }
0x110: {  	s30 =	simm.s32 $0x10;
	v7 =	vadd.f32 v13, v18;
	v13 =	vmul.f32 v23, v21;
	v8 =	vadd.f32 v8, v18;
	v23 =	vld.idx.msk [tilespmem:v5+s11+$0x680 ss:$0x1], $0xffff  }
0x111: {  	v27 =	vld.idx.msk [tilespmem:v5+s30+$0x780 ss:$0x1], $0xffff;
	v20 =	vimm.f32 $0.0e+00;
	v15 =	vadd.f32 v14, v18;
	v14 =	vadd.f32 v19, v18  }
0x112: {  	v25 =	vld.idx.msk [tilespmem:v5+s11+$0x700 ss:$0x1], $0xffff;
	s11 =	simm.s32 $0x80;
	v21 =	vimm.f32 $0.0e+00;
	v19 =	vimm.f32 $0.0e+00;
	v13 =	vadd.f32 v13, v18  }
.LBB2_8:
0x113: {  	p0 =	sne.s32 s11, $0x1C0;
	v30 =	vld.idx.msk [tilespmem:v4+s30+$0x380 ss:$0x1], $0xffff;
	v18 =	vadd.f32 v29, v18;
	v22 =	vmul.f32 v24, v22  }
0x114: {  	v24 =	vld.idx.msk [tilespmem:v5+s30+$0x0 ss:$0x1], $0xffff  }
0x115: {  	v29 =	vld.idx.msk [tilespmem:v4+s30+$0xFFFFFC00 ss:$0x1], $0xffff;
	v21 =	vadd.f32 v22, v21;
	v22 =	vmul.f32 v26, v23  }
0x116: {  	v23 =	vld.idx.msk [tilespmem:v5+s30+$0x80 ss:$0x1], $0xffff  }
0x117: {  	v26 =	vld.idx.msk [tilespmem:v4+s30+$0xFFFFFC80 ss:$0x1], $0xffff;
	v20 =	vadd.f32 v22, v20;
	v22 =	vmul.f32 v28, v25  }
0x118: {  	v25 =	vld.idx.msk [tilespmem:v5+s30+$0x100 ss:$0x1], $0xffff  }
0x119: {  	v27 =	vmul.f32 v30, v27;
	v28 =	vld.idx.msk [tilespmem:v4+s30+$0xFFFFFD00 ss:$0x1], $0xffff;
	v19 =	vadd.f32 v22, v19  }
0x11a: {  	v22 =	vld.idx.msk [tilespmem:v5+s30+$0x180 ss:$0x1], $0xffff  }
0x11b: {  	v24 =	vmul.f32 v29, v24;
	v6 =	vadd.f32 v27, v6;
	v29 =	vld.idx.msk [tilespmem:v4+s30+$0xFFFFFD80 ss:$0x1], $0xffff  }
0x11c: {  	v27 =	vld.idx.msk [tilespmem:v5+s30+$0x200 ss:$0x1], $0xffff  }
0x11d: {  	v9 =	vadd.f32 v24, v9;
	v23 =	vmul.f32 v26, v23;
	v24 =	vld.idx.msk [tilespmem:v4+s30+$0xFFFFFE00 ss:$0x1], $0xffff  }
0x11e: {  	v26 =	vld.idx.msk [tilespmem:v5+s30+$0x280 ss:$0x1], $0xffff  }
0x11f: {  	v10 =	vadd.f32 v23, v10;
	v23 =	vmul.f32 v28, v25;
	v25 =	vld.idx.msk [tilespmem:v4+s30+$0xFFFFFE80 ss:$0x1], $0xffff  }
0x120: {  	v28 =	vld.idx.msk [tilespmem:v5+s30+$0x300 ss:$0x1], $0xffff  }
0x121: {  	v11 =	vadd.f32 v23, v11;
	v22 =	vmul.f32 v29, v22;
	v23 =	vld.idx.msk [tilespmem:v4+s30+$0xFFFFFF00 ss:$0x1], $0xffff  }
0x122: {  	v29 =	vld.idx.msk [tilespmem:v5+s30+$0x380 ss:$0x1], $0xffff  }
0x123: {  	v12 =	vadd.f32 v22, v12;
	v22 =	vmul.f32 v24, v27;
	v24 =	vld.idx.msk [tilespmem:v4+s30+$0xFFFFFF80 ss:$0x1], $0xffff  }
0x124: {  	v27 =	vld.idx.msk [tilespmem:v5+s30+$0x400 ss:$0x1], $0xffff  }
0x125: {  	v7 =	vadd.f32 v22, v7;
	v22 =	vmul.f32 v25, v26;
	v25 =	vld.idx.msk [tilespmem:v4+s30+$0x0 ss:$0x1], $0xffff  }
0x126: {  	v26 =	vld.idx.msk [tilespmem:v5+s30+$0x480 ss:$0x1], $0xffff  }
0x127: {  	v8 =	vadd.f32 v22, v8;
	v22 =	vmul.f32 v23, v28;
	v23 =	vld.idx.msk [tilespmem:v4+s30+$0x80 ss:$0x1], $0xffff  }
0x128: {  	v28 =	vld.idx.msk [tilespmem:v5+s30+$0x500 ss:$0x1], $0xffff  }
0x129: {  	v13 =	vadd.f32 v22, v13;
	v22 =	vmul.f32 v24, v29;
	v29 =	vld.idx.msk [tilespmem:v4+s30+$0x100 ss:$0x1], $0xffff  }
0x12a: {  	v30 =	vld.idx.msk [tilespmem:v5+s30+$0x580 ss:$0x1], $0xffff  }
0x12b: {  	v15 =	vadd.f32 v22, v15;
	v24 =	vmul.f32 v25, v27;
	v27 =	vld.idx.msk [tilespmem:v4+s30+$0x180 ss:$0x1], $0xffff  }
0x12c: {  	v22 =	vld.idx.msk [tilespmem:v5+s30+$0x600 ss:$0x1], $0xffff  }
0x12d: {  	v16 =	vadd.f32 v24, v16;
	v25 =	vmul.f32 v23, v26;
	v24 =	vld.idx.msk [tilespmem:v4+s30+$0x200 ss:$0x1], $0xffff  }
.Ltmp2:
0x12e: {  	v23 =	vld.idx.msk [tilespmem:v5+s30+$0x680 ss:$0x1], $0xffff;
	(pc) =	sbr.rel @p0 .LBB2_8-.Ltmp2, $4  }
0x12f: {  	v17 =	vadd.f32 v25, v17;
	v28 =	vmul.f32 v29, v28;
	v26 =	vld.idx.msk [tilespmem:v4+s30+$0x280 ss:$0x1], $0xffff  }
0x130: {  	v25 =	vld.idx.msk [tilespmem:v5+s30+$0x700 ss:$0x1], $0xffff  }
0x131: {  	v14 =	vadd.f32 v28, v14;
	v29 =	vmul.f32 v27, v30;
	v28 =	vld.idx.msk [tilespmem:v4+s30+$0x300 ss:$0x1], $0xffff;
	s30 =	sshra.s32 s11, $0x2  }
0x132: {  	s11 =	sadd.s32 $0x40, s11;
	v27 =	vld.idx.msk [tilespmem:v5+s30+$0x780 ss:$0x1], $0xffff  }
0x133: {  	_ =	sdelay $0x3  }
0x134: {  	v30 =	vld.idx.msk [tilespmem:v4+s30+$0x380 ss:$0x1], $0xffff  }
0x135: {  	v31 =	vld.idx.msk [tilespmem:v5+s30+$0x0 ss:$0x1], $0xffff  }
0x136: {  	v32 =	vld.idx.msk [tilespmem:v4+s30+$0xFFFFFC00 ss:$0x1], $0xffff  }
0x137: {  	v33 =	vld.idx.msk [tilespmem:v5+s30+$0x80 ss:$0x1], $0xffff  }
0x138: {  	v34 =	vld.idx.msk [tilespmem:v4+s30+$0xFFFFFC80 ss:$0x1], $0xffff  }
0x139: {  	v35 =	vld.idx.msk [tilespmem:v5+s30+$0x100 ss:$0x1], $0xffff  }
0x13a: {  	v36 =	vld.idx.msk [tilespmem:v4+s30+$0xFFFFFD00 ss:$0x1], $0xffff  }
0x13b: {  	v37 =	vld.idx.msk [tilespmem:v5+s30+$0x180 ss:$0x1], $0xffff  }
0x13c: {  	v38 =	vld.idx.msk [tilespmem:v4+s30+$0xFFFFFD80 ss:$0x1], $0xffff  }
0x13d: {  	v39 =	vld.idx.msk [tilespmem:v5+s30+$0x200 ss:$0x1], $0xffff  }
0x13e: {  	v40 =	vld.idx.msk [tilespmem:v4+s30+$0xFFFFFE00 ss:$0x1], $0xffff  }
0x13f: {  	v41 =	vld.idx.msk [tilespmem:v5+s30+$0x280 ss:$0x1], $0xffff  }
0x140: {  	v42 =	vld.idx.msk [tilespmem:v4+s30+$0xFFFFFE80 ss:$0x1], $0xffff  }
0x141: {  	v43 =	vld.idx.msk [tilespmem:v5+s30+$0x300 ss:$0x1], $0xffff  }
0x142: {  	v44 =	vld.idx.msk [tilespmem:v4+s30+$0xFFFFFF00 ss:$0x1], $0xffff  }
0x143: {  	v45 =	vld.idx.msk [tilespmem:v5+s30+$0x380 ss:$0x1], $0xffff  }
0x144: {  	v46 =	vld.idx.msk [tilespmem:v4+s30+$0xFFFFFF80 ss:$0x1], $0xffff  }
0x145: {  	v47 =	vld.idx.msk [tilespmem:v5+s30+$0x400 ss:$0x1], $0xffff  }
0x146: {  	v48 =	vld.idx.msk [tilespmem:v4+s30+$0x0 ss:$0x1], $0xffff  }
0x147: {  	v49 =	vld.idx.msk [tilespmem:v5+s30+$0x480 ss:$0x1], $0xffff  }
0x148: {  	v50 =	vld.idx.msk [tilespmem:v4+s30+$0x80 ss:$0x1], $0xffff  }
0x149: {  	v51 =	vld.idx.msk [tilespmem:v5+s30+$0x500 ss:$0x1], $0xffff  }
0x14a: {  	v52 =	vld.idx.msk [tilespmem:v4+s30+$0x100 ss:$0x1], $0xffff  }
0x14b: {  	v22 =	vmul.f32 v24, v22;
	v24 =	vld.idx.msk [tilespmem:v5+s30+$0x580 ss:$0x1], $0xffff  }
0x14c: {  	v53 =	vld.idx.msk [tilespmem:v5+s30+$0x680 ss:$0x1], $0xffff  }
0x14d: {  	v18 =	vadd.f32 v29, v18;
	v55 =	vld.idx.msk [tilespmem:v4+s30+$0x280 ss:$0x1], $0xffff;
	v23 =	vmul.f32 v26, v23;
	v61 =	vmul.f32 v28, v25  }
0x14e: {  	v26 =	vld.idx.msk [tilespmem:v4+s30+$0x180 ss:$0x1], $0xffff;
	v21 =	vadd.f32 v22, v21;
	v62 =	vmul.f32 v30, v27;
	v63 =	vmul.f32 v32, v31  }
0x14f: {  	v25 =	vld.idx.msk [tilespmem:v5+s30+$0x600 ss:$0x1], $0xffff;
	v20 =	vadd.f32 v23, v20;
	v34 =	vmul.f32 v34, v33;
	v36 =	vmul.f32 v36, v35  }
0x150: {  	v28 =	vld.idx.msk [tilespmem:v4+s30+$0x200 ss:$0x1], $0xffff;
	v19 =	vadd.f32 v61, v19;
	v54 =	vmul.f32 v38, v37;
	v56 =	vmul.f32 v40, v39  }
0x151: {  	v5 =	vld.idx.msk [tilespmem:v5+s30+$0x700 ss:$0x1], $0xffff;
	v57 =	vmul.f32 v42, v41;
	v58 =	vmul.f32 v44, v43;
	v6 =	vadd.f32 v62, v6  }
0x152: {  	v4 =	vld.idx.msk [tilespmem:v4+s30+$0x300 ss:$0x1], $0xffff;
	v59 =	vmul.f32 v46, v45;
	v9 =	vadd.f32 v63, v9;
	v10 =	vadd.f32 v34, v10  }
0x153: {  	v60 =	vmul.f32 v48, v47;
	v11 =	vadd.f32 v36, v11;
	v12 =	vadd.f32 v54, v12  }
0x154: {  	v61 =	vmul.f32 v50, v49;
	v7 =	vadd.f32 v56, v7;
	v8 =	vadd.f32 v57, v8  }
0x155: {  	v31 =	vmul.f32 v55, v53;
	v13 =	vadd.f32 v58, v13;
	v15 =	vadd.f32 v59, v15  }
0x156: {  	v16 =	vadd.f32 v60, v16;
	v62 =	vmul.f32 v52, v51;
	v63 =	vmul.f32 v26, v24  }
0x157: {  	v17 =	vadd.f32 v61, v17;
	v29 =	vmul.f32 v28, v25;
	v4 =	vmul.f32 v4, v5  }
0x158: {  	v20 =	vadd.f32 v31, v20;
	v33 =	vperm.xlane v9, v0;
	v34 =	vperm.xlane v16, v0  }
0x159: {  	v14 =	vadd.f32 v62, v14;
	v35 =	vperm.xlane v10, v0;
	v36 =	vperm.xlane v17, v0  }
0x15a: {  	v5 =	vadd.f32 v63, v18;
	v37 =	vperm.xlane v11, v0;
	v39 =	vperm.xlane v12, v0  }
0x15b: {  	v41 =	vperm.xlane v7, v0;
	v43 =	vperm.xlane v8, v0;
	v32 =	vadd.f32 v29, v21  }
0x15c: {  	v45 =	vperm.xlane v20, v0;
	v4 =	vadd.f32 v4, v19;
	v9 =	vadd.f32 v33, v9  }
0x15d: {  	v46 =	vperm.xlane v13, v0;
	v16 =	vadd.f32 v34, v16;
	v10 =	vadd.f32 v35, v10  }
0x15e: {  	v48 =	vperm.xlane v15, v0;
	v17 =	vadd.f32 v36, v17;
	v11 =	vadd.f32 v37, v11  }
0x15f: {  	v49 =	vperm.xlane v6, v0;
	v12 =	vadd.f32 v39, v12;
	v7 =	vadd.f32 v41, v7  }
0x160: {  	v38 =	vperm.xlane v14, v0;
	v8 =	vadd.f32 v43, v8;
	v50 =	vadd.f32 v46, v13  }
0x161: {  	v40 =	vperm.xlane v5, v0;
	v51 =	vadd.f32 v48, v15;
	v6 =	vadd.f32 v49, v6  }
0x162: {  	v42 =	vperm.xlane v32, v0;
	v47 =	vperm.xlane v4, v0;
	v9 =	vsel vm2, v9, v16  }
0x163: {  	v14 =	vadd.f32 v38, v14;
	v10 =	vsel vm2, v10, v17;
	v5 =	vadd.f32 v40, v5  }
0x164: {  	v17 =	vadd.f32 v45, v20;
	v6 =	vsel vm2, v51, v6;
	v44 =	vadd.f32 v42, v32  }
0x165: {  	v4 =	vadd.f32 v47, v4;
	v52 =	vperm.xlane v9, v1;
	v54 =	vperm.xlane v10, v1  }
0x166: {  	v59 =	vperm.xlane v6, v1;
	v11 =	vsel vm2, v11, v14;
	v5 =	vsel vm2, v12, v5  }
0x167: {  	v8 =	vsel vm2, v8, v17;
	v7 =	vsel vm2, v7, v44;
	v4 =	vsel vm2, v50, v4  }
0x168: {  	v9 =	vadd.f32 v52, v9;
	v55 =	vperm.xlane v8, v1;
	v56 =	vperm.xlane v11, v1  }
0x169: {  	v10 =	vadd.f32 v54, v10;
	v58 =	vperm.xlane v5, v1;
	v53 =	vperm.xlane v7, v1  }
0x16a: {  	v6 =	vadd.f32 v59, v6;
	v57 =	vperm.xlane v4, v1;
	v8 =	vadd.f32 v55, v8  }
0x16b: {  	v5 =	vadd.f32 v58, v5;
	v7 =	vadd.f32 v53, v7  }
0x16c: {  	v11 =	vadd.f32 v56, v11;
	v4 =	vadd.f32 v57, v4  }
0x16d: {  	v8 =	vsel vm0, v10, v8;
	v5 =	vsel vm0, v5, v6;
	v7 =	vsel vm0, v9, v7  }
0x16e: {  	v4 =	vsel vm0, v11, v4;
	v10 =	vperm.xlane v8, v2;
	v62 =	vperm.xlane v5, v2  }
0x16f: {  	v60 =	vperm.xlane v7, v2;
	v61 =	vperm.xlane v4, v2  }
0x170: {  	v63 =	vadd.f32 v10, v8;
	v5 =	vadd.f32 v62, v5  }
0x171: {  	v6 =	vadd.f32 v60, v7;
	v4 =	vadd.f32 v61, v4;
	_ =	sdelay $0x1  }
0x172: {  	s11 =	sshll.u32 s5, $0x4;
	s5 =	sadd.s32 $0x1, s5;
	v5 =	vsel vm1, v63, v5;
	v4 =	vsel vm1, v6, v4  }
0x173: {  	p0 =	sne.s32 s5, $0x5;
	v7 =	vperm.xlane v5, v3;
	v6 =	vperm.xlane v4, v3  }
.Ltmp3:
0x174: {  	_ = 	snop;
	(pc) =	sbr.rel @p0 .LBB2_7-.Ltmp3, $3  }
0x175: {  	v5 =	vadd.f32 v7, v5;
	v4 =	vadd.f32 v6, v4;
	_ =	sdelay $0x1  }
0x176: {  	s11 =	sand.u32 $0x3FFFFFF0, s11;
	v4 =	vsel vm3, v4, v5  }
0x177: {  	s16 =	sadd.s32 $0x800, s16;
	s18 =	sadd.s32 $0x800, s18;
	[tilespmem:s11+$0x1DB00] =	vst v4  }
0x178: {  	s14 =	sadd.s32 $0x1, s14  }
0x179: {  	p0 =	sne.s32 s14, $0x3E  }
.Ltmp4:
0x17a: {  	_ = 	snop;
	(pc) =	sbr.rel @p0 .LBB2_2-.Ltmp4, $3  }
0x17b: {  	_ =	sdelay $0x1  }
0x17c: {  	s5 =	simm.s32 $0x1DB00  }
0x17d: {  	[hbm4b:s0+s6] =	stream.linear.scatter [tilespmem:s5], [sflag:$0x8], $0x50, $0x38;
	[tilespmem:$0x1DB80] =	vst v63  }
0x17e: {  	_ =	swait.ge [sflag:s21], $0x2800  }
0x17f: {  	[sflag:s21] =	ssyncset.done $0x0  }
0x180: {  	[sflag:s21] =	ssyncadd.s32 $0xFFFFD800  }
0x181: {  	_ =	swait.ge [sflag:s22], $0x2800  }
0x182: {  	[sflag:s22] =	ssyncset.done $0x0  }
0x183: {  	s0 =	simm.s32 $0x0;
	s18 =	rddreg [dreg:$0x8];
	[sflag:s22] =	ssyncadd.s32 $0xFFFFD800  }
0x184: {  	[tilespmem:s25], [sflag:$0x5] =	stream.linear.gather [hbm4b:s18+s0], $0x50, $0x38;
	[tilespmem:$0x1DB80] =	vst v63  }
0x185: {  	s30 =	rddreg [dreg:$0x9]  }
0x186: {  	[tilespmem:s26], [sflag:$0x5] =	stream.linear.gather [hbm4b:s30+s0], $0x50, $0x38;
	[tilespmem:$0x1DB80] =	vst v63  }
0x187: {  	_ =	swait.ge [sflag:s23], $0x50  }
0x188: {  	[sflag:s23] =	ssyncset.done $0x0  }
0x189: {  	s5 =	simm.s32 $0x16680;
	s14 =	simm.s32 $0x13A80;
	[sflag:s23] =	ssyncadd.s32 $0xFFFFFFB0  }
.LBB2_12:
0x18a: {  	v5 =	vmov s14  }
0x18b: {  	v4 =	vmov s5;
	_ =	sdelay $0x2  }
0x18c: {  	s11 =	simm.s32 $0x0  }
0x18d: {  	v6 =	vld.idx.msk [tilespmem:v5+s11+$0x780 ss:$0x1], $0xffff  }
0x18e: {  	v7 =	vld.idx.msk [tilespmem:v4+s11+$0x380 ss:$0x1], $0xffff  }
0x18f: {  	v8 =	vld.idx.msk [tilespmem:v5+s11+$0x0 ss:$0x1], $0xffff  }
0x190: {  	v9 =	vld.idx.msk [tilespmem:v4+s11+$0xFFFFFC00 ss:$0x1], $0xffff  }
0x191: {  	v10 =	vld.idx.msk [tilespmem:v5+s11+$0x80 ss:$0x1], $0xffff  }
0x192: {  	v11 =	vld.idx.msk [tilespmem:v4+s11+$0xFFFFFC80 ss:$0x1], $0xffff  }
0x193: {  	v12 =	vld.idx.msk [tilespmem:v5+s11+$0x100 ss:$0x1], $0xffff  }
0x194: {  	v13 =	vld.idx.msk [tilespmem:v4+s11+$0xFFFFFD00 ss:$0x1], $0xffff  }
0x195: {  	v14 =	vld.idx.msk [tilespmem:v5+s11+$0x180 ss:$0x1], $0xffff  }
0x196: {  	v15 =	vld.idx.msk [tilespmem:v4+s11+$0xFFFFFD80 ss:$0x1], $0xffff  }
0x197: {  	v16 =	vld.idx.msk [tilespmem:v5+s11+$0x200 ss:$0x1], $0xffff  }
0x198: {  	v17 =	vld.idx.msk [tilespmem:v4+s11+$0xFFFFFE00 ss:$0x1], $0xffff  }
0x199: {  	v19 =	vld.idx.msk [tilespmem:v5+s11+$0x280 ss:$0x1], $0xffff  }
0x19a: {  	v20 =	vld.idx.msk [tilespmem:v4+s11+$0xFFFFFE80 ss:$0x1], $0xffff  }
0x19b: {  	v21 =	vld.idx.msk [tilespmem:v5+s11+$0x300 ss:$0x1], $0xffff  }
0x19c: {  	v25 =	vld.idx.msk [tilespmem:v5+s11+$0x380 ss:$0x1], $0xffff  }
0x19d: {  	v27 =	vld.idx.msk [tilespmem:v5+s11+$0x400 ss:$0x1], $0xffff  }
0x19e: {  	v28 =	vld.idx.msk [tilespmem:v4+s11+$0x0 ss:$0x1], $0xffff  }
0x19f: {  	v29 =	vld.idx.msk [tilespmem:v5+s11+$0x480 ss:$0x1], $0xffff  }
0x1a0: {  	v30 =	vld.idx.msk [tilespmem:v4+s11+$0x80 ss:$0x1], $0xffff  }
0x1a1: {  	v33 =	vld.idx.msk [tilespmem:v5+s11+$0x580 ss:$0x1], $0xffff  }
0x1a2: {  	v34 =	vld.idx.msk [tilespmem:v4+s11+$0x180 ss:$0x1], $0xffff  }
0x1a3: {  	v26 =	vld.idx.msk [tilespmem:v4+s11+$0xFFFFFF80 ss:$0x1], $0xffff;
	v6 =	vmul.f32 v7, v6  }
0x1a4: {  	v31 =	vld.idx.msk [tilespmem:v5+s11+$0x500 ss:$0x1], $0xffff;
	v7 =	vmul.f32 v9, v8;
	v8 =	vmul.f32 v11, v10  }
0x1a5: {  	v32 =	vld.idx.msk [tilespmem:v4+s11+$0x100 ss:$0x1], $0xffff;
	v11 =	vmul.f32 v13, v12;
	v13 =	vmul.f32 v17, v16  }
0x1a6: {  	v18 =	vimm.f32 $0.0e+00;
	v23 =	vld.idx.msk [tilespmem:v4+s11+$0xFFFFFF00 ss:$0x1], $0xffff;
	v16 =	vmul.f32 v28, v27;
	v17 =	vmul.f32 v30, v29  }
0x1a7: {  	v22 =	vld.idx.msk [tilespmem:v5+s11+$0x600 ss:$0x1], $0xffff;
	v29 =	vmul.f32 v34, v33;
	v6 =	vadd.f32 v6, v18;
	v9 =	vadd.f32 v7, v18  }
0x1a8: {  	v24 =	vld.idx.msk [tilespmem:v4+s11+$0x200 ss:$0x1], $0xffff;
	v7 =	vmul.f32 v15, v14;
	v10 =	vadd.f32 v8, v18;
	v11 =	vadd.f32 v11, v18  }
0x1a9: {  	v28 =	vld.idx.msk [tilespmem:v4+s11+$0x300 ss:$0x1], $0xffff;
	v8 =	vmul.f32 v20, v19;
	v14 =	vmul.f32 v26, v25;
	v16 =	vadd.f32 v16, v18  }
0x1aa: {  	v19 =	vmul.f32 v32, v31;
	v26 =	vld.idx.msk [tilespmem:v4+s11+$0x280 ss:$0x1], $0xffff;
	v17 =	vadd.f32 v17, v18;
	v12 =	vadd.f32 v7, v18  }
0x1ab: {  	s16 =	simm.s32 $0x10;
	v7 =	vadd.f32 v13, v18;
	v13 =	vmul.f32 v23, v21;
	v8 =	vadd.f32 v8, v18;
	v23 =	vld.idx.msk [tilespmem:v5+s11+$0x680 ss:$0x1], $0xffff  }
0x1ac: {  	v27 =	vld.idx.msk [tilespmem:v5+s16+$0x780 ss:$0x1], $0xffff;
	v20 =	vimm.f32 $0.0e+00;
	v15 =	vadd.f32 v14, v18;
	v14 =	vadd.f32 v19, v18  }
0x1ad: {  	v25 =	vld.idx.msk [tilespmem:v5+s11+$0x700 ss:$0x1], $0xffff;
	s11 =	simm.s32 $0x80;
	v21 =	vimm.f32 $0.0e+00;
	v19 =	vimm.f32 $0.0e+00;
	v13 =	vadd.f32 v13, v18  }
.LBB2_13:
0x1ae: {  	p0 =	sne.s32 s11, $0x1C0;
	v30 =	vld.idx.msk [tilespmem:v4+s16+$0x380 ss:$0x1], $0xffff;
	v18 =	vadd.f32 v29, v18;
	v22 =	vmul.f32 v24, v22  }
0x1af: {  	v24 =	vld.idx.msk [tilespmem:v5+s16+$0x0 ss:$0x1], $0xffff  }
0x1b0: {  	v29 =	vld.idx.msk [tilespmem:v4+s16+$0xFFFFFC00 ss:$0x1], $0xffff;
	v21 =	vadd.f32 v22, v21;
	v22 =	vmul.f32 v26, v23  }
0x1b1: {  	v23 =	vld.idx.msk [tilespmem:v5+s16+$0x80 ss:$0x1], $0xffff  }
0x1b2: {  	v26 =	vld.idx.msk [tilespmem:v4+s16+$0xFFFFFC80 ss:$0x1], $0xffff;
	v20 =	vadd.f32 v22, v20;
	v22 =	vmul.f32 v28, v25  }
0x1b3: {  	v25 =	vld.idx.msk [tilespmem:v5+s16+$0x100 ss:$0x1], $0xffff  }
0x1b4: {  	v27 =	vmul.f32 v30, v27;
	v28 =	vld.idx.msk [tilespmem:v4+s16+$0xFFFFFD00 ss:$0x1], $0xffff;
	v19 =	vadd.f32 v22, v19  }
0x1b5: {  	v22 =	vld.idx.msk [tilespmem:v5+s16+$0x180 ss:$0x1], $0xffff  }
0x1b6: {  	v24 =	vmul.f32 v29, v24;
	v6 =	vadd.f32 v27, v6;
	v29 =	vld.idx.msk [tilespmem:v4+s16+$0xFFFFFD80 ss:$0x1], $0xffff  }
0x1b7: {  	v27 =	vld.idx.msk [tilespmem:v5+s16+$0x200 ss:$0x1], $0xffff  }
0x1b8: {  	v9 =	vadd.f32 v24, v9;
	v23 =	vmul.f32 v26, v23;
	v24 =	vld.idx.msk [tilespmem:v4+s16+$0xFFFFFE00 ss:$0x1], $0xffff  }
0x1b9: {  	v26 =	vld.idx.msk [tilespmem:v5+s16+$0x280 ss:$0x1], $0xffff  }
0x1ba: {  	v10 =	vadd.f32 v23, v10;
	v23 =	vmul.f32 v28, v25;
	v25 =	vld.idx.msk [tilespmem:v4+s16+$0xFFFFFE80 ss:$0x1], $0xffff  }
0x1bb: {  	v28 =	vld.idx.msk [tilespmem:v5+s16+$0x300 ss:$0x1], $0xffff  }
0x1bc: {  	v11 =	vadd.f32 v23, v11;
	v22 =	vmul.f32 v29, v22;
	v23 =	vld.idx.msk [tilespmem:v4+s16+$0xFFFFFF00 ss:$0x1], $0xffff  }
0x1bd: {  	v29 =	vld.idx.msk [tilespmem:v5+s16+$0x380 ss:$0x1], $0xffff  }
0x1be: {  	v12 =	vadd.f32 v22, v12;
	v22 =	vmul.f32 v24, v27;
	v24 =	vld.idx.msk [tilespmem:v4+s16+$0xFFFFFF80 ss:$0x1], $0xffff  }
0x1bf: {  	v27 =	vld.idx.msk [tilespmem:v5+s16+$0x400 ss:$0x1], $0xffff  }
0x1c0: {  	v7 =	vadd.f32 v22, v7;
	v22 =	vmul.f32 v25, v26;
	v25 =	vld.idx.msk [tilespmem:v4+s16+$0x0 ss:$0x1], $0xffff  }
0x1c1: {  	v26 =	vld.idx.msk [tilespmem:v5+s16+$0x480 ss:$0x1], $0xffff  }
0x1c2: {  	v8 =	vadd.f32 v22, v8;
	v22 =	vmul.f32 v23, v28;
	v23 =	vld.idx.msk [tilespmem:v4+s16+$0x80 ss:$0x1], $0xffff  }
0x1c3: {  	v28 =	vld.idx.msk [tilespmem:v5+s16+$0x500 ss:$0x1], $0xffff  }
0x1c4: {  	v13 =	vadd.f32 v22, v13;
	v22 =	vmul.f32 v24, v29;
	v29 =	vld.idx.msk [tilespmem:v4+s16+$0x100 ss:$0x1], $0xffff  }
0x1c5: {  	v30 =	vld.idx.msk [tilespmem:v5+s16+$0x580 ss:$0x1], $0xffff  }
0x1c6: {  	v15 =	vadd.f32 v22, v15;
	v24 =	vmul.f32 v25, v27;
	v27 =	vld.idx.msk [tilespmem:v4+s16+$0x180 ss:$0x1], $0xffff  }
0x1c7: {  	v22 =	vld.idx.msk [tilespmem:v5+s16+$0x600 ss:$0x1], $0xffff  }
0x1c8: {  	v16 =	vadd.f32 v24, v16;
	v25 =	vmul.f32 v23, v26;
	v24 =	vld.idx.msk [tilespmem:v4+s16+$0x200 ss:$0x1], $0xffff  }
.Ltmp5:
0x1c9: {  	v23 =	vld.idx.msk [tilespmem:v5+s16+$0x680 ss:$0x1], $0xffff;
	(pc) =	sbr.rel @p0 .LBB2_13-.Ltmp5, $4  }
0x1ca: {  	v17 =	vadd.f32 v25, v17;
	v28 =	vmul.f32 v29, v28;
	v26 =	vld.idx.msk [tilespmem:v4+s16+$0x280 ss:$0x1], $0xffff  }
0x1cb: {  	v25 =	vld.idx.msk [tilespmem:v5+s16+$0x700 ss:$0x1], $0xffff  }
0x1cc: {  	v14 =	vadd.f32 v28, v14;
	v29 =	vmul.f32 v27, v30;
	v28 =	vld.idx.msk [tilespmem:v4+s16+$0x300 ss:$0x1], $0xffff;
	s16 =	sshra.s32 s11, $0x2  }
0x1cd: {  	s11 =	sadd.s32 $0x40, s11;
	v27 =	vld.idx.msk [tilespmem:v5+s16+$0x780 ss:$0x1], $0xffff  }
0x1ce: {  	_ =	sdelay $0x3  }
0x1cf: {  	v30 =	vld.idx.msk [tilespmem:v4+s16+$0x380 ss:$0x1], $0xffff  }
0x1d0: {  	v31 =	vld.idx.msk [tilespmem:v5+s16+$0x0 ss:$0x1], $0xffff  }
0x1d1: {  	v32 =	vld.idx.msk [tilespmem:v4+s16+$0xFFFFFC00 ss:$0x1], $0xffff  }
0x1d2: {  	v33 =	vld.idx.msk [tilespmem:v5+s16+$0x80 ss:$0x1], $0xffff  }
0x1d3: {  	v34 =	vld.idx.msk [tilespmem:v4+s16+$0xFFFFFC80 ss:$0x1], $0xffff  }
0x1d4: {  	v35 =	vld.idx.msk [tilespmem:v5+s16+$0x100 ss:$0x1], $0xffff  }
0x1d5: {  	v36 =	vld.idx.msk [tilespmem:v4+s16+$0xFFFFFD00 ss:$0x1], $0xffff  }
0x1d6: {  	v37 =	vld.idx.msk [tilespmem:v5+s16+$0x180 ss:$0x1], $0xffff  }
0x1d7: {  	v38 =	vld.idx.msk [tilespmem:v4+s16+$0xFFFFFD80 ss:$0x1], $0xffff  }
0x1d8: {  	v39 =	vld.idx.msk [tilespmem:v5+s16+$0x200 ss:$0x1], $0xffff  }
0x1d9: {  	v40 =	vld.idx.msk [tilespmem:v4+s16+$0xFFFFFE00 ss:$0x1], $0xffff  }
0x1da: {  	v41 =	vld.idx.msk [tilespmem:v5+s16+$0x280 ss:$0x1], $0xffff  }
0x1db: {  	v42 =	vld.idx.msk [tilespmem:v4+s16+$0xFFFFFE80 ss:$0x1], $0xffff  }
0x1dc: {  	v43 =	vld.idx.msk [tilespmem:v5+s16+$0x300 ss:$0x1], $0xffff  }
0x1dd: {  	v44 =	vld.idx.msk [tilespmem:v4+s16+$0xFFFFFF00 ss:$0x1], $0xffff  }
0x1de: {  	v45 =	vld.idx.msk [tilespmem:v5+s16+$0x380 ss:$0x1], $0xffff  }
0x1df: {  	v46 =	vld.idx.msk [tilespmem:v4+s16+$0xFFFFFF80 ss:$0x1], $0xffff  }
0x1e0: {  	v47 =	vld.idx.msk [tilespmem:v5+s16+$0x400 ss:$0x1], $0xffff  }
0x1e1: {  	v48 =	vld.idx.msk [tilespmem:v4+s16+$0x0 ss:$0x1], $0xffff  }
0x1e2: {  	v49 =	vld.idx.msk [tilespmem:v5+s16+$0x480 ss:$0x1], $0xffff  }
0x1e3: {  	v50 =	vld.idx.msk [tilespmem:v4+s16+$0x80 ss:$0x1], $0xffff  }
0x1e4: {  	v51 =	vld.idx.msk [tilespmem:v5+s16+$0x500 ss:$0x1], $0xffff  }
0x1e5: {  	v52 =	vld.idx.msk [tilespmem:v4+s16+$0x100 ss:$0x1], $0xffff  }
0x1e6: {  	v22 =	vmul.f32 v24, v22;
	v24 =	vld.idx.msk [tilespmem:v5+s16+$0x580 ss:$0x1], $0xffff  }
0x1e7: {  	v53 =	vld.idx.msk [tilespmem:v5+s16+$0x680 ss:$0x1], $0xffff  }
0x1e8: {  	v18 =	vadd.f32 v29, v18;
	v55 =	vld.idx.msk [tilespmem:v4+s16+$0x280 ss:$0x1], $0xffff;
	v23 =	vmul.f32 v26, v23;
	v61 =	vmul.f32 v28, v25  }
0x1e9: {  	v26 =	vld.idx.msk [tilespmem:v4+s16+$0x180 ss:$0x1], $0xffff;
	v21 =	vadd.f32 v22, v21;
	v62 =	vmul.f32 v30, v27;
	v63 =	vmul.f32 v32, v31  }
0x1ea: {  	v25 =	vld.idx.msk [tilespmem:v5+s16+$0x600 ss:$0x1], $0xffff;
	v20 =	vadd.f32 v23, v20;
	v34 =	vmul.f32 v34, v33;
	v36 =	vmul.f32 v36, v35  }
0x1eb: {  	v28 =	vld.idx.msk [tilespmem:v4+s16+$0x200 ss:$0x1], $0xffff;
	v19 =	vadd.f32 v61, v19;
	v54 =	vmul.f32 v38, v37;
	v56 =	vmul.f32 v40, v39  }
0x1ec: {  	v5 =	vld.idx.msk [tilespmem:v5+s16+$0x700 ss:$0x1], $0xffff;
	v57 =	vmul.f32 v42, v41;
	v58 =	vmul.f32 v44, v43;
	v6 =	vadd.f32 v62, v6  }
0x1ed: {  	v4 =	vld.idx.msk [tilespmem:v4+s16+$0x300 ss:$0x1], $0xffff;
	v59 =	vmul.f32 v46, v45;
	v9 =	vadd.f32 v63, v9;
	v10 =	vadd.f32 v34, v10  }
0x1ee: {  	v60 =	vmul.f32 v48, v47;
	v11 =	vadd.f32 v36, v11;
	v12 =	vadd.f32 v54, v12  }
0x1ef: {  	v61 =	vmul.f32 v50, v49;
	v7 =	vadd.f32 v56, v7;
	v8 =	vadd.f32 v57, v8  }
0x1f0: {  	v31 =	vmul.f32 v55, v53;
	v13 =	vadd.f32 v58, v13;
	v15 =	vadd.f32 v59, v15  }
0x1f1: {  	v16 =	vadd.f32 v60, v16;
	v62 =	vmul.f32 v52, v51;
	v63 =	vmul.f32 v26, v24  }
0x1f2: {  	v17 =	vadd.f32 v61, v17;
	v29 =	vmul.f32 v28, v25;
	v4 =	vmul.f32 v4, v5  }
0x1f3: {  	v20 =	vadd.f32 v31, v20;
	v33 =	vperm.xlane v9, v0;
	v34 =	vperm.xlane v16, v0  }
0x1f4: {  	v14 =	vadd.f32 v62, v14;
	v35 =	vperm.xlane v10, v0;
	v36 =	vperm.xlane v17, v0  }
0x1f5: {  	v5 =	vadd.f32 v63, v18;
	v37 =	vperm.xlane v11, v0;
	v39 =	vperm.xlane v12, v0  }
0x1f6: {  	v41 =	vperm.xlane v7, v0;
	v43 =	vperm.xlane v8, v0;
	v32 =	vadd.f32 v29, v21  }
0x1f7: {  	v45 =	vperm.xlane v20, v0;
	v4 =	vadd.f32 v4, v19;
	v9 =	vadd.f32 v33, v9  }
0x1f8: {  	v46 =	vperm.xlane v13, v0;
	v16 =	vadd.f32 v34, v16;
	v10 =	vadd.f32 v35, v10  }
0x1f9: {  	v48 =	vperm.xlane v15, v0;
	v17 =	vadd.f32 v36, v17;
	v11 =	vadd.f32 v37, v11  }
0x1fa: {  	v49 =	vperm.xlane v6, v0;
	v12 =	vadd.f32 v39, v12;
	v7 =	vadd.f32 v41, v7  }
0x1fb: {  	v38 =	vperm.xlane v14, v0;
	v8 =	vadd.f32 v43, v8;
	v50 =	vadd.f32 v46, v13  }
0x1fc: {  	v40 =	vperm.xlane v5, v0;
	v51 =	vadd.f32 v48, v15;
	v6 =	vadd.f32 v49, v6  }
0x1fd: {  	v42 =	vperm.xlane v32, v0;
	v47 =	vperm.xlane v4, v0;
	v9 =	vsel vm2, v9, v16  }
0x1fe: {  	v14 =	vadd.f32 v38, v14;
	v10 =	vsel vm2, v10, v17;
	v5 =	vadd.f32 v40, v5  }
0x1ff: {  	v17 =	vadd.f32 v45, v20;
	v6 =	vsel vm2, v51, v6;
	v44 =	vadd.f32 v42, v32  }
0x200: {  	v4 =	vadd.f32 v47, v4;
	v52 =	vperm.xlane v9, v1;
	v54 =	vperm.xlane v10, v1  }
0x201: {  	v59 =	vperm.xlane v6, v1;
	v11 =	vsel vm2, v11, v14;
	v5 =	vsel vm2, v12, v5  }
0x202: {  	v8 =	vsel vm2, v8, v17;
	v7 =	vsel vm2, v7, v44;
	v4 =	vsel vm2, v50, v4  }
0x203: {  	v9 =	vadd.f32 v52, v9;
	v55 =	vperm.xlane v8, v1;
	v56 =	vperm.xlane v11, v1  }
0x204: {  	v10 =	vadd.f32 v54, v10;
	v58 =	vperm.xlane v5, v1;
	v53 =	vperm.xlane v7, v1  }
0x205: {  	v6 =	vadd.f32 v59, v6;
	v57 =	vperm.xlane v4, v1;
	v8 =	vadd.f32 v55, v8  }
0x206: {  	v5 =	vadd.f32 v58, v5;
	v7 =	vadd.f32 v53, v7  }
0x207: {  	v11 =	vadd.f32 v56, v11;
	v4 =	vadd.f32 v57, v4  }
0x208: {  	v8 =	vsel vm0, v10, v8;
	v5 =	vsel vm0, v5, v6;
	v7 =	vsel vm0, v9, v7  }
0x209: {  	v4 =	vsel vm0, v11, v4;
	v10 =	vperm.xlane v8, v2;
	v62 =	vperm.xlane v5, v2  }
0x20a: {  	v60 =	vperm.xlane v7, v2;
	v61 =	vperm.xlane v4, v2  }
0x20b: {  	v63 =	vadd.f32 v10, v8;
	v5 =	vadd.f32 v62, v5  }
0x20c: {  	v6 =	vadd.f32 v60, v7;
	v4 =	vadd.f32 v61, v4;
	_ =	sdelay $0x1  }
0x20d: {  	s11 =	sshll.u32 s0, $0x4;
	s0 =	sadd.s32 $0x1, s0;
	v5 =	vsel vm1, v63, v5;
	v4 =	vsel vm1, v6, v4  }
0x20e: {  	p0 =	sne.s32 s0, $0x5;
	v7 =	vperm.xlane v5, v3;
	v6 =	vperm.xlane v4, v3  }
.Ltmp6:
0x20f: {  	_ = 	snop;
	(pc) =	sbr.rel @p0 .LBB2_12-.Ltmp6, $3  }
0x210: {  	v5 =	vadd.f32 v7, v5;
	v4 =	vadd.f32 v6, v4;
	_ =	sdelay $0x1  }
0x211: {  	s11 =	sand.u32 $0x3FFFFFF0, s11;
	v4 =	vsel vm3, v4, v5  }
0x212: {  	s5 =	sadd.s32 $0x800, s5;
	s14 =	sadd.s32 $0x800, s14;
	[tilespmem:s11+$0x1DA80] =	vst v4  }
0x213: {  	s0 =	rddreg [dreg:$0xe]  }
0x214: {  	[hbm4b:s0+s6] =	stream.linear.scatter [tilespmem:s10], [sflag:$0x7], $0x50, $0x38;
	[tilespmem:$0x1DB80] =	vst v63  }
0x215: {  	_ =	swait.ge [sflag:s28], $0x50  }
0x216: {  	[sflag:s28] =	ssyncset.done $0x0  }
0x217: {  	[sflag:s28] =	ssyncadd.s32 $0xFFFFFFB0  }
0x218: {  	_ =	swait.ge [sflag:s28], $0x50  }
0x219: {  	[sflag:s28] =	ssyncset.done $0x0  }
0x21a: {  	[sflag:s28] =	ssyncadd.s32 $0xFFFFFFB0  }
0x21b: {  	_ =	swait.ge [sflag:s15], $0x50  }
0x21c: {  	[sflag:s15] =	ssyncset.done $0x0  }
0x21d: {  	[sflag:s15] =	ssyncadd.s32 $0xFFFFFFB0  }
0x21e: {  	_ =	swait.ge [sflag:s15], $0x50  }
0x21f: {  	[sflag:s15] =	ssyncset.done $0x0  }
0x220: {  	[sflag:s15] =	ssyncadd.s32 $0xFFFFFFB0  }
0x221: {  	_ =	swait.ge [sflag:s23], $0x50  }
0x222: {  	[sflag:s23] =	ssyncset.done $0x0  }
0x223: {  	[sflag:s23] =	ssyncadd.s32 $0xFFFFFFB0  }
0x224: {  	_ =	swait.ge [sflag:s13], $0x50  }
0x225: {  	s5 =	rddreg [dreg:$0x11]  }
0x226: {  	s31 =	rddreg [dreg:$0xf];
	s5 =	sadd.s32 $0x1, s5  }
0x227: {  	p0 =	sne.s32 s5, s31  }
.Ltmp7:
0x228: {  	_ = 	snop;
	(pc) =	sbr.rel @p0 .LBB2_1-.Ltmp7, $3  }
0x229: {  	_ =	sdelay $0x1  }
0x22a: {  	[sflag:s13] =	ssyncset.done $0x0  }
0x22b: {  	[sflag:s13] =	ssyncadd.s32 $0xFFFFFFB0  }
0x22c: {  	_ =	sfence.sel $0x180000  }
0x22d: {  	[bflag:$0x0] =	sbarrier.arrive $0xFFFF  }
0x22e: {  	_ =	strace $0x90000047  }
0x22f: {  	s0 =	stileid.u32;
	[bflag:$0x2] =	sbarrier.arrive $0xFFFF  }
0x230: {  	p0 =	sne.s32 s0, $0x0;
	s0 =	rddreg [dreg:$0x5]  }
0x231: {  	s0 =	sadd.s32 @!p0 $0x100000, s0  }
0x232: {  	[sflag:s0] =	ssyncadd.tile.s32 @!p0 $0x1;
	_ =	shalt  }
.Lfunc_end2:
_tile_overlayer_lowered:
.L_overlay_start_2:
0x233: {  	(tag) =	ssettag $0x2  }
0x234: {  	s0 =	rddreg [dreg:$0x0];
	s2 =	stileid.u32  }
0x235: {  	s1 =	rddreg [dreg:$0x1];
	p0 =	sne.s32 s2, $0x0  }
0x236: {  	s3 =	rddreg [dreg:$0x2];
	[bflag:$0x3] =	sbarrier.arrive $0xFFFF;
	s2 =	simm.s32 @!p0 $0x1C09  }
0x237: {  	[timem:s3], [sflag:s2] =	dma.local @!p0 [hbm:s0], s1  }
0x238: {  	s0 =	simm.s32 @!p0 $0x9  }
0x239: {  	_ =	swait.ge @!p0 [sflag:s0], s1  }
0x23a: {  	s1 =	ssub.s32 @!p0 $0x0, s1;
	[sflag:s0] =	ssyncset.done @!p0 $0x0  }
0x23b: {  	[sflag:s0] =	ssyncadd.s32 @!p0 s1  }
0x23c: {  	[bflag:$0x3] =	sbarrier.arrive $0xFFFF  }
0x23d: {  	_ =	shalt  }

</sc_bundles>
